<compile_context>
chip_gen: v7x
topology: tpu7x:2x2x1
jax: 0.10.2.dev20260603
libtpu: 0.0.44.dev20260713+nightly
codegen_flags: <defaults>
</compile_context>

<pallas_src>
import functools

import jax
import jax.numpy as jnp
from jax import lax
from jax.experimental import pallas as pl
from jax.experimental.pallas import tpu as pltpu
from jax.experimental.pallas import tpu_sc as plsc

N = 10000
E = 320000
D = 128
NCLS = 40

NC = 2
NS = 16
NW = NC * NS
CHUNK = 128
NBLK = 80
NBH = NBLK // 2
EPW = NBLK * CHUNK
EPAD = EPW * NW
RPT = 640
ACC_ROWS = NS * RPT
NROWS = ACC_ROWS
NPAD = NROWS
TRASH = 10008
RB = 1024
NRB = NROWS // RB

_mesh = plsc.VectorSubcoreMesh(core_axis_name="c", subcore_axis_name="s")
_sc_params = pltpu.CompilerParams(needs_layout_passes=False)


@functools.partial(
    pl.kernel,
    out_type=jax.ShapeDtypeStruct((NW, NPAD), jnp.float32),
    mesh=_mesh,
    scratch_types=[
        pltpu.VMEM((NBLK, CHUNK), jnp.int32),
        pltpu.VMEM((NPAD,), jnp.float32),
    ],
    compiler_params=_sc_params,
)
def _sc_deg(dst_hbm, out_hbm, dst_v, deg_v):
    c = lax.axis_index("c")
    s = lax.axis_index("s")
    w = c * NS + s
    zero16 = jnp.zeros((16,), jnp.float32)
    ones16 = jnp.ones((16,), jnp.float32)

    def _zero(i, _):
        deg_v[pl.ds(i * 16, 16)] = zero16
        return 0

    lax.fori_loop(0, NPAD // 16, _zero, 0)
    pltpu.sync_copy(dst_hbm.at[w], dst_v)

    def _blk(j, _):
        for kk in range(CHUNK // 16):
            idx = dst_v[j, pl.ds(kk * 16, 16)]
            plsc.addupdate_scatter(deg_v, [idx], ones16)
        return 0

    lax.fori_loop(0, NBLK, _blk, 0)
    pltpu.sync_copy(deg_v, out_hbm.at[w])


@functools.partial(
    pl.kernel,
    out_type=jax.ShapeDtypeStruct((NC, ACC_ROWS, D), jnp.float32),
    mesh=_mesh,
    scratch_types=[
        pltpu.VMEM((NBLK, CHUNK), jnp.int32),
        pltpu.VMEM((NBLK, CHUNK), jnp.int32),
        pltpu.VMEM((CHUNK, D), jnp.float32),
        pltpu.VMEM_SHARED((ACC_ROWS, D), jnp.float32),
    ],
    compiler_params=_sc_params,
)
def _sc_scatter(hpre_hbm, src_hbm, dst_hbm, out_hbm, src_v, dst_v, rows_v,
                acc_sh):
    c = lax.axis_index("c")
    s = lax.axis_index("s")
    w = c * NS + s
    zero16 = jnp.zeros((16,), jnp.float32)

    def _zrow(i, _):
        for jj in range(D // 16):
            rows_v[i, pl.ds(jj * 16, 16)] = zero16
        return 0

    lax.fori_loop(0, CHUNK, _zrow, 0)
    for k in range(RPT // CHUNK):
        pltpu.sync_copy(rows_v, acc_sh.at[pl.ds(s * RPT + k * CHUNK, CHUNK)])
    plsc.subcore_barrier()

    pltpu.sync_copy(src_hbm.at[w], src_v)
    pltpu.sync_copy(dst_hbm.at[w], dst_v)

    with jax.named_scope("edges"):

        def _blk(j, _):
            pltpu.sync_copy(hpre_hbm.at[src_v.at[j]], rows_v)
            pltpu.sync_copy(rows_v, acc_sh.at[dst_v.at[j]], add=True)
            return 0

        lax.fori_loop(0, NBLK, _blk, 0)
    plsc.subcore_barrier()

    with jax.named_scope("copyout"):
        r0 = s * RPT
        pltpu.sync_copy(acc_sh.at[pl.ds(r0, RPT)],
                        out_hbm.at[c, pl.ds(r0, RPT)])


def _tc_prep_body(degp_ref, x_ref, w0_ref, dinv_ref, hpre_ref):
    deg = jnp.sum(degp_ref[...], axis=0) + 1.0
    dv = lax.rsqrt(deg)[:, None]
    dinv_ref[...] = jnp.broadcast_to(dv, (RB, D))
    h = jnp.dot(x_ref[...], w0_ref[...], preferred_element_type=jnp.float32)
    hpre_ref[...] = h * dv


_tc_prep = pl.pallas_call(
    _tc_prep_body,
    grid=(NRB,),
    in_specs=[
        pl.BlockSpec((NW, RB), lambda i: (0, i)),
        pl.BlockSpec((RB, D), lambda i: (i, 0)),
        pl.BlockSpec((D, D), lambda i: (0, 0)),
    ],
    out_specs=[
        pl.BlockSpec((RB, D), lambda i: (i, 0)),
        pl.BlockSpec((RB, D), lambda i: (i, 0)),
    ],
    out_shape=[
        jax.ShapeDtypeStruct((NROWS, D), jnp.float32),
        jax.ShapeDtypeStruct((NROWS, D), jnp.float32),
    ],
)


def _tc_combine_body(accs_ref, hpre_ref, dinv_ref, m_ref, b_ref, wn_ref,
                     mout_ref, hnext_ref):
    a = accs_ref[0] + accs_ref[1]
    dv = dinv_ref[...]
    tot = (a + hpre_ref[...]) * dv + b_ref[...][0:1, :]
    h = jnp.maximum(tot, 0.0)
    mout_ref[...] = jnp.maximum(m_ref[...], h)
    hnext_ref[...] = jnp.dot(h, wn_ref[...], preferred_element_type=jnp.float32) * dv


_tc_combine = pl.pallas_call(
    _tc_combine_body,
    grid=(NRB,),
    in_specs=[
        pl.BlockSpec((NC, RB, D), lambda i: (0, i, 0)),
        pl.BlockSpec((RB, D), lambda i: (i, 0)),
        pl.BlockSpec((RB, D), lambda i: (i, 0)),
        pl.BlockSpec((RB, D), lambda i: (i, 0)),
        pl.BlockSpec((8, D), lambda i: (0, 0)),
        pl.BlockSpec((D, D), lambda i: (0, 0)),
    ],
    out_specs=[
        pl.BlockSpec((RB, D), lambda i: (i, 0)),
        pl.BlockSpec((RB, D), lambda i: (i, 0)),
    ],
    out_shape=[
        jax.ShapeDtypeStruct((NROWS, D), jnp.float32),
        jax.ShapeDtypeStruct((NROWS, D), jnp.float32),
    ],
)


def _tc_final_body(accs_ref, hpre_ref, dinv_ref, m_ref, b_ref, wl_ref, bl_ref,
                   out_ref):
    a = accs_ref[0] + accs_ref[1]
    tot = (a + hpre_ref[...]) * dinv_ref[...] + b_ref[...][0:1, :]
    h = jnp.maximum(tot, 0.0)
    m = jnp.maximum(m_ref[...], h)
    out_ref[...] = (jnp.dot(m, wl_ref[...], preferred_element_type=jnp.float32)
                    + bl_ref[...][0:1, :])


_tc_final = pl.pallas_call(
    _tc_final_body,
    grid=(NRB,),
    in_specs=[
        pl.BlockSpec((NC, RB, D), lambda i: (0, i, 0)),
        pl.BlockSpec((RB, D), lambda i: (i, 0)),
        pl.BlockSpec((RB, D), lambda i: (i, 0)),
        pl.BlockSpec((RB, D), lambda i: (i, 0)),
        pl.BlockSpec((8, D), lambda i: (0, 0)),
        pl.BlockSpec((D, D), lambda i: (0, 0)),
        pl.BlockSpec((8, D), lambda i: (0, 0)),
    ],
    out_specs=pl.BlockSpec((RB, D), lambda i: (i, 0)),
    out_shape=jax.ShapeDtypeStruct((NROWS, D), jnp.float32),
)


def kernel(x, edge_index, W0, b0, W1, b1, W2, b2, W3, b3, Wl, bl):
    src = edge_index[0].astype(jnp.int32)
    dst = edge_index[1].astype(jnp.int32)
    pad = EPAD - E
    src3 = jnp.concatenate([src, jnp.zeros((pad,), jnp.int32)]).reshape(
        NW, NBLK, CHUNK)
    dst3 = jnp.concatenate([dst, jnp.full((pad,), TRASH, jnp.int32)]).reshape(
        NW, NBLK, CHUNK)

    b8 = [jnp.broadcast_to(b.reshape(1, D), (8, D)) for b in (b0, b1, b2, b3)]
    wl_p = jnp.pad(Wl, ((0, 0), (0, D - NCLS)))
    bl_p = jnp.broadcast_to(jnp.pad(bl, (0, D - NCLS)).reshape(1, D), (8, D))
    x_p = jnp.pad(x, ((0, NROWS - N), (0, 0)))

    degp = _sc_deg(dst3)
    dinv, hpre = _tc_prep(degp, x_p, W0)

    m = jnp.zeros((NROWS, D), jnp.float32)
    w_next = [W1, W2, W3]
    for i in range(3):
        accs = _sc_scatter(hpre, src3, dst3)
        m, hpre = _tc_combine(accs, hpre, dinv, m, b8[i], w_next[i])
    accs = _sc_scatter(hpre, src3, dst3)
    out = _tc_final(accs, hpre, dinv, m, b8[3], wl_p, bl_p)
    return out[:N, :NCLS]

# --- scband reference (transcript-rebuilt; emitter-appended) ---
"""Pipeline reference for scband-jknet-maxpool-19344532701769 (READ-ONLY COPY).

The authoritative reference and input builder live on the scoring server;
editing this copy changes nothing except your own understanding.
"""

import jax, jax.numpy as jnp
import numpy as np

N = 10000
E = 320000
D_IN = 128
D_HID = 128
N_CLASSES = 40
N_LAYERS = 4


def _glorot(key, din, dout):
    lim = float(np.sqrt(6.0 / (din + dout)))
    return jax.random.uniform(key, (din, dout), dtype=jnp.float32, minval=-lim, maxval=lim)


def setup_inputs(seed: int = 0) -> dict:
    key = jax.random.key(seed)
    ks = jax.random.split(key, 16)
    inp = {}
    inp['x'] = jax.random.normal(ks[0], (N, D_IN), dtype=jnp.float32)
    inp['edge_index'] = jax.random.randint(ks[1], (2, E), 0, N, dtype=jnp.int32)
    dims = [D_IN] + [D_HID] * N_LAYERS
    for i in range(N_LAYERS):
        inp[f'W{i}'] = _glorot(ks[2 + 2 * i], dims[i], dims[i + 1])
        inp[f'b{i}'] = jnp.zeros((dims[i + 1],), dtype=jnp.float32)
    inp['Wl'] = _glorot(ks[14], D_HID, N_CLASSES)
    inp['bl'] = jnp.zeros((N_CLASSES,), dtype=jnp.float32)
    return inp


def gcn_conv(x, edge_index, W, b):
    # Faithful to PyG GCNConv (add_self_loops=True, symmetric gcn_norm, bias)
    n = x.shape[0]
    src = edge_index[0]
    dst = edge_index[1]
    loop = jnp.arange(n, dtype=src.dtype)
    src = jnp.concatenate([src, loop])
    dst = jnp.concatenate([dst, loop])
    deg = jnp.zeros((n,), dtype=x.dtype).at[dst].add(1.0)
    dinv = jnp.where(deg > 0.0, jax.lax.rsqrt(jnp.where(deg > 0.0, deg, 1.0)), 0.0)
    norm = dinv[src] * dinv[dst]
    h = x @ W
    msg = h[src] * norm[:, None]
    out = jnp.zeros_like(h).at[dst].add(msg)
    return out + b


def reference(x, edge_index, W0, b0, W1, b1, W2, b2, W3, b3, Wl, bl):
    params = [(W0, b0), (W1, b1), (W2, b2), (W3, b3)]
    layer_outputs = []
    h = x
    for W, b in params:
        h = gcn_conv(h, edge_index, W, b)
        # type_norm='None' -> no batchnorm; dropout p=0.0 -> identity
        h = jax.nn.relu(h)
        layer_outputs.append(h)
    stacked = jnp.stack(layer_outputs, axis=0)
    hmax = jnp.max(stacked, axis=0)
    return hmax @ Wl + bl

if __name__ == "__main__":
    import jax
    _d = setup_inputs()
    print(jax.jit(kernel)(*tuple(_d.values())))

</pallas_src>

<mosaic_0001>
#map = affine_map<(d0, d1) -> (0, 0, 0)>
#map1 = affine_map<(d0, d1) -> (0, 0)>
module attributes {stable_mosaic.version = 14 : i64} {
  func.func @_sc_deg(%arg0: i32, %arg1: i32, %arg2: memref<32x80x128xi32, #tpu.memory_space<hbm>>, %arg3: memref<32x10240xf32, #tpu.memory_space<hbm>>, %arg4: memref<80x128xi32, #tpu.memory_space<vmem>>, %arg5: memref<10240xf32, #tpu.memory_space<vmem>>) attributes {dimension_semantics = [#tpu.dimension_semantics<core_parallel>, #tpu.dimension_semantics<subcore_parallel>], iteration_bounds = array<i64: 2, 16>, scalar_prefetch = 0 : i64, scratch_operands = 2 : i64, tpu.core_type = #tpu.core_type<sc_vector_subcore>, window_params = [{transform_indices = #map}, {transform_indices = #map1}]} {
    %mul3A = arith.constant 16 : i32
    %mul3A_0 = arith.muli %arg0, %mul3A : i32
    %add3A = arith.addi %mul3A_0, %arg1 : i32
    %broadcast_in_dim3A = arith.constant 0.000000e+00 : f32
    %broadcast_in_dim3A_1 = vector.broadcast %broadcast_in_dim3A : f32 to vector<16xf32>
    %broadcast_in_dim3A_2 = arith.constant 1.000000e+00 : f32
    %broadcast_in_dim3A_3 = vector.broadcast %broadcast_in_dim3A_2 : f32 to vector<16xf32>
    %scan3A = arith.constant 0 : i32
    %scan3A_4 = arith.constant 0 : i32
    %scan3A_5 = arith.constant 640 : i32
    %scan3A_6 = arith.addi %scan3A_4, %scan3A_5 : i32
    %scan3A_7 = arith.constant 1 : i32
    %scan3A_8 = scf.for %scan3A_17 = %scan3A_4 to %scan3A_6 step %scan3A_7 iter_args(%scan3A_18 = %scan3A) -> (i32)  : i32 {
      %mul3A_19 = arith.constant 16 : i32
      %mul3A_20 = arith.muli %scan3A_17, %mul3A_19 : i32
      %swap3A = arith.index_cast %mul3A_20 : i32 to index
      %swap3A_21 = tpu.vector_load %arg5[%swap3A] {strides = array<i32>} : memref<10240xf32, #tpu.memory_space<vmem>>, vector<16xf32>,
      tpu.vector_store %arg5[%swap3A], %broadcast_in_dim3A_1 {strides = array<i32>} : memref<10240xf32, #tpu.memory_space<vmem>>, vector<16xf32>,
      %scan3A_22 = arith.constant 0 : i32
      scf.yield %scan3A_22 : i32
    }
    %scan3A_9 = arith.constant 640 : i32
    "tpu.region"() ({
      %run_scoped3A = tpu.sem_alloc : memref<!tpu.dma_semaphore, #tpu.memory_space<semaphore_mem>>
      %dma_start3A = arith.constant 0 : i32
      %dma_start3A_17 = arith.constant 0 : i32
      %dma_start3A_18 = tpu.memref_slice %arg2[%add3A, %dma_start3A, %dma_start3A_17] : memref<32x80x128xi32, #tpu.memory_space<hbm>> -> memref<1x80x128xi32, #tpu.memory_space<hbm>>
      %dma_start3A_19 = tpu.memref_squeeze %dma_start3A_18 : memref<1x80x128xi32, #tpu.memory_space<hbm>> -> memref<80x128xi32, #tpu.memory_space<hbm>>
      %dma_start3A_20 = arith.constant 0 : i32
      %dma_start3A_21 = arith.constant 0 : i32
      %dma_start3A_22 = tpu.memref_slice %arg2[%add3A, %dma_start3A_20, %dma_start3A_21] : memref<32x80x128xi32, #tpu.memory_space<hbm>> -> memref<1x80x128xi32, #tpu.memory_space<hbm>>
      %dma_start3A_23 = tpu.memref_squeeze %dma_start3A_22 : memref<1x80x128xi32, #tpu.memory_space<hbm>> -> memref<80x128xi32, #tpu.memory_space<hbm>>
      tpu.enqueue_dma source(%dma_start3A_23 : memref<80x128xi32, #tpu.memory_space<hbm>>) target(%arg4 : memref<80x128xi32, #tpu.memory_space<vmem>>) target_semaphore(%run_scoped3A : memref<!tpu.dma_semaphore, #tpu.memory_space<semaphore_mem>>)
      %dma_wait3A = arith.constant 0 : i32
      %dma_wait3A_24 = arith.constant 0 : i32
      %dma_wait3A_25 = tpu.memref_slice %arg2[%add3A, %dma_wait3A, %dma_wait3A_24] : memref<32x80x128xi32, #tpu.memory_space<hbm>> -> memref<1x80x128xi32, #tpu.memory_space<hbm>>
      %dma_wait3A_26 = tpu.memref_squeeze %dma_wait3A_25 : memref<1x80x128xi32, #tpu.memory_space<hbm>> -> memref<80x128xi32, #tpu.memory_space<hbm>>
      %dma_wait3A_27 = arith.constant 0 : i32
      %dma_wait3A_28 = arith.constant 0 : i32
      %dma_wait3A_29 = tpu.memref_slice %arg2[%add3A, %dma_wait3A_27, %dma_wait3A_28] : memref<32x80x128xi32, #tpu.memory_space<hbm>> -> memref<1x80x128xi32, #tpu.memory_space<hbm>>
      %dma_wait3A_30 = tpu.memref_squeeze %dma_wait3A_29 : memref<1x80x128xi32, #tpu.memory_space<hbm>> -> memref<80x128xi32, #tpu.memory_space<hbm>>
      tpu.wait_dma2 semaphore(%run_scoped3A : memref<!tpu.dma_semaphore, #tpu.memory_space<semaphore_mem>>) src(%dma_wait3A_30 : memref<80x128xi32, #tpu.memory_space<hbm>>) dst(%arg4 : memref<80x128xi32, #tpu.memory_space<vmem>>)
      tpu.yield
    }) : () -> ()
    %scan3A_10 = arith.constant 0 : i32
    %scan3A_11 = arith.constant 0 : i32
    %scan3A_12 = arith.constant 80 : i32
    %scan3A_13 = arith.addi %scan3A_11, %scan3A_12 : i32
    %scan3A_14 = arith.constant 1 : i32
    %scan3A_15 = scf.for %scan3A_17 = %scan3A_11 to %scan3A_13 step %scan3A_14 iter_args(%scan3A_18 = %scan3A_10) -> (i32)  : i32 {
      %get3A = arith.index_cast %scan3A_17 : i32 to index
      %get3A_19 = arith.constant 0 : index
      %get3A_20 = tpu.vector_load %arg4[%get3A, %get3A_19] {strides = array<i32>} : memref<80x128xi32, #tpu.memory_space<vmem>>, vector<16xi32>,
      tpu.vector_store_idx %arg5[%get3A_20], %broadcast_in_dim3A_3 {add = true} : memref<10240xf32, #tpu.memory_space<vmem>>[vector<16xi32>], vector<16xf32>,
      %get3A_21 = arith.index_cast %scan3A_17 : i32 to index
      %get3A_22 = arith.constant 16 : index
      %get3A_23 = tpu.vector_load %arg4[%get3A_21, %get3A_22] {strides = array<i32>} : memref<80x128xi32, #tpu.memory_space<vmem>>, vector<16xi32>,
      tpu.vector_store_idx %arg5[%get3A_23], %broadcast_in_dim3A_3 {add = true} : memref<10240xf32, #tpu.memory_space<vmem>>[vector<16xi32>], vector<16xf32>,
      %get3A_24 = arith.index_cast %scan3A_17 : i32 to index
      %get3A_25 = arith.constant 32 : index
      %get3A_26 = tpu.vector_load %arg4[%get3A_24, %get3A_25] {strides = array<i32>} : memref<80x128xi32, #tpu.memory_space<vmem>>, vector<16xi32>,
      tpu.vector_store_idx %arg5[%get3A_26], %broadcast_in_dim3A_3 {add = true} : memref<10240xf32, #tpu.memory_space<vmem>>[vector<16xi32>], vector<16xf32>,
      %get3A_27 = arith.index_cast %scan3A_17 : i32 to index
      %get3A_28 = arith.constant 48 : index
      %get3A_29 = tpu.vector_load %arg4[%get3A_27, %get3A_28] {strides = array<i32>} : memref<80x128xi32, #tpu.memory_space<vmem>>, vector<16xi32>,
      tpu.vector_store_idx %arg5[%get3A_29], %broadcast_in_dim3A_3 {add = true} : memref<10240xf32, #tpu.memory_space<vmem>>[vector<16xi32>], vector<16xf32>,
      %get3A_30 = arith.index_cast %scan3A_17 : i32 to index
      %get3A_31 = arith.constant 64 : index
      %get3A_32 = tpu.vector_load %arg4[%get3A_30, %get3A_31] {strides = array<i32>} : memref<80x128xi32, #tpu.memory_space<vmem>>, vector<16xi32>,
      tpu.vector_store_idx %arg5[%get3A_32], %broadcast_in_dim3A_3 {add = true} : memref<10240xf32, #tpu.memory_space<vmem>>[vector<16xi32>], vector<16xf32>,
      %get3A_33 = arith.index_cast %scan3A_17 : i32 to index
      %get3A_34 = arith.constant 80 : index
      %get3A_35 = tpu.vector_load %arg4[%get3A_33, %get3A_34] {strides = array<i32>} : memref<80x128xi32, #tpu.memory_space<vmem>>, vector<16xi32>,
      tpu.vector_store_idx %arg5[%get3A_35], %broadcast_in_dim3A_3 {add = true} : memref<10240xf32, #tpu.memory_space<vmem>>[vector<16xi32>], vector<16xf32>,
      %get3A_36 = arith.index_cast %scan3A_17 : i32 to index
      %get3A_37 = arith.constant 96 : index
      %get3A_38 = tpu.vector_load %arg4[%get3A_36, %get3A_37] {strides = array<i32>} : memref<80x128xi32, #tpu.memory_space<vmem>>, vector<16xi32>,
      tpu.vector_store_idx %arg5[%get3A_38], %broadcast_in_dim3A_3 {add = true} : memref<10240xf32, #tpu.memory_space<vmem>>[vector<16xi32>], vector<16xf32>,
      %get3A_39 = arith.index_cast %scan3A_17 : i32 to index
      %get3A_40 = arith.constant 112 : index
      %get3A_41 = tpu.vector_load %arg4[%get3A_39, %get3A_40] {strides = array<i32>} : memref<80x128xi32, #tpu.memory_space<vmem>>, vector<16xi32>,
      tpu.vector_store_idx %arg5[%get3A_41], %broadcast_in_dim3A_3 {add = true} : memref<10240xf32, #tpu.memory_space<vmem>>[vector<16xi32>], vector<16xf32>,
      %scan3A_42 = arith.constant 0 : i32
      scf.yield %scan3A_42 : i32
    }
    %scan3A_16 = arith.constant 80 : i32
    "tpu.region"() ({
      %run_scoped3A = tpu.sem_alloc : memref<!tpu.dma_semaphore, #tpu.memory_space<semaphore_mem>>
      %dma_start3A = arith.constant 0 : i32
      %dma_start3A_17 = tpu.memref_slice %arg3[%add3A, %dma_start3A] : memref<32x10240xf32, #tpu.memory_space<hbm>> -> memref<1x10240xf32, #tpu.memory_space<hbm>>
      %dma_start3A_18 = tpu.memref_squeeze %dma_start3A_17 : memref<1x10240xf32, #tpu.memory_space<hbm>> -> memref<10240xf32, #tpu.memory_space<hbm>>
      %dma_start3A_19 = arith.constant 0 : i32
      %dma_start3A_20 = tpu.memref_slice %arg3[%add3A, %dma_start3A_19] : memref<32x10240xf32, #tpu.memory_space<hbm>> -> memref<1x10240xf32, #tpu.memory_space<hbm>>
      %dma_start3A_21 = tpu.memref_squeeze %dma_start3A_20 : memref<1x10240xf32, #tpu.memory_space<hbm>> -> memref<10240xf32, #tpu.memory_space<hbm>>
      tpu.enqueue_dma source(%arg5 : memref<10240xf32, #tpu.memory_space<vmem>>) target(%dma_start3A_21 : memref<10240xf32, #tpu.memory_space<hbm>>) target_semaphore(%run_scoped3A : memref<!tpu.dma_semaphore, #tpu.memory_space<semaphore_mem>>)
      %dma_wait3A = arith.constant 0 : i32
      %dma_wait3A_22 = tpu.memref_slice %arg3[%add3A, %dma_wait3A] : memref<32x10240xf32, #tpu.memory_space<hbm>> -> memref<1x10240xf32, #tpu.memory_space<hbm>>
      %dma_wait3A_23 = tpu.memref_squeeze %dma_wait3A_22 : memref<1x10240xf32, #tpu.memory_space<hbm>> -> memref<10240xf32, #tpu.memory_space<hbm>>
      %dma_wait3A_24 = arith.constant 0 : i32
      %dma_wait3A_25 = tpu.memref_slice %arg3[%add3A, %dma_wait3A_24] : memref<32x10240xf32, #tpu.memory_space<hbm>> -> memref<1x10240xf32, #tpu.memory_space<hbm>>
      %dma_wait3A_26 = tpu.memref_squeeze %dma_wait3A_25 : memref<1x10240xf32, #tpu.memory_space<hbm>> -> memref<10240xf32, #tpu.memory_space<hbm>>
      tpu.wait_dma2 semaphore(%run_scoped3A : memref<!tpu.dma_semaphore, #tpu.memory_space<semaphore_mem>>) src(%arg5 : memref<10240xf32, #tpu.memory_space<vmem>>) dst(%dma_wait3A_26 : memref<10240xf32, #tpu.memory_space<hbm>>)
      tpu.yield
    }) : () -> ()
    return
  }
}

#map = affine_map<(d0, d1) -> (0, 0)>
#map1 = affine_map<(d0, d1) -> (0, 0, 0)>
module attributes {stable_mosaic.version = 14 : i64} {
  func.func @_sc_scatter(%arg0: i32, %arg1: i32, %arg2: memref<10240x128xf32, #tpu.memory_space<hbm>>, %arg3: memref<32x80x128xi32, #tpu.memory_space<hbm>>, %arg4: memref<32x80x128xi32, #tpu.memory_space<hbm>>, %arg5: memref<2x10240x128xf32, #tpu.memory_space<hbm>>, %arg6: memref<80x128xi32, #tpu.memory_space<vmem>>, %arg7: memref<80x128xi32, #tpu.memory_space<vmem>>, %arg8: memref<128x128xf32, #tpu.memory_space<vmem>>, %arg9: memref<10240x128xf32, #tpu.memory_space<vmem_shared>>) attributes {dimension_semantics = [#tpu.dimension_semantics<core_parallel>, #tpu.dimension_semantics<subcore_parallel>], iteration_bounds = array<i64: 2, 16>, scalar_prefetch = 0 : i64, scratch_operands = 4 : i64, tpu.core_type = #tpu.core_type<sc_vector_subcore>, window_params = [{transform_indices = #map}, {transform_indices = #map1}, {transform_indices = #map1}, {transform_indices = #map1}]} {
    %mul3A = arith.constant 16 : i32
    %mul3A_0 = arith.muli %arg0, %mul3A : i32
    %add3A = arith.addi %mul3A_0, %arg1 : i32
    %broadcast_in_dim3A = arith.constant 0.000000e+00 : f32
    %broadcast_in_dim3A_1 = vector.broadcast %broadcast_in_dim3A : f32 to vector<16xf32>
    %scan3A = arith.constant 0 : i32
    %scan3A_2 = arith.constant 0 : i32
    %scan3A_3 = arith.constant 128 : i32
    %scan3A_4 = arith.addi %scan3A_2, %scan3A_3 : i32
    %scan3A_5 = arith.constant 1 : i32
    %scan3A_6 = scf.for %scan3A_38 = %scan3A_2 to %scan3A_4 step %scan3A_5 iter_args(%scan3A_39 = %scan3A) -> (i32)  : i32 {
      %swap3A = arith.index_cast %scan3A_38 : i32 to index
      %swap3A_40 = arith.constant 0 : index
      %swap3A_41 = tpu.vector_load %arg8[%swap3A, %swap3A_40] {strides = array<i32>} : memref<128x128xf32, #tpu.memory_space<vmem>>, vector<16xf32>,
      tpu.vector_store %arg8[%swap3A, %swap3A_40], %broadcast_in_dim3A_1 {strides = array<i32>} : memref<128x128xf32, #tpu.memory_space<vmem>>, vector<16xf32>,
      %swap3A_42 = arith.index_cast %scan3A_38 : i32 to index
      %swap3A_43 = arith.constant 16 : index
      %swap3A_44 = tpu.vector_load %arg8[%swap3A_42, %swap3A_43] {strides = array<i32>} : memref<128x128xf32, #tpu.memory_space<vmem>>, vector<16xf32>,
      tpu.vector_store %arg8[%swap3A_42, %swap3A_43], %broadcast_in_dim3A_1 {strides = array<i32>} : memref<128x128xf32, #tpu.memory_space<vmem>>, vector<16xf32>,
      %swap3A_45 = arith.index_cast %scan3A_38 : i32 to index
      %swap3A_46 = arith.constant 32 : index
      %swap3A_47 = tpu.vector_load %arg8[%swap3A_45, %swap3A_46] {strides = array<i32>} : memref<128x128xf32, #tpu.memory_space<vmem>>, vector<16xf32>,
      tpu.vector_store %arg8[%swap3A_45, %swap3A_46], %broadcast_in_dim3A_1 {strides = array<i32>} : memref<128x128xf32, #tpu.memory_space<vmem>>, vector<16xf32>,
      %swap3A_48 = arith.index_cast %scan3A_38 : i32 to index
      %swap3A_49 = arith.constant 48 : index
      %swap3A_50 = tpu.vector_load %arg8[%swap3A_48, %swap3A_49] {strides = array<i32>} : memref<128x128xf32, #tpu.memory_space<vmem>>, vector<16xf32>,
      tpu.vector_store %arg8[%swap3A_48, %swap3A_49], %broadcast_in_dim3A_1 {strides = array<i32>} : memref<128x128xf32, #tpu.memory_space<vmem>>, vector<16xf32>,
      %swap3A_51 = arith.index_cast %scan3A_38 : i32 to index
      %swap3A_52 = arith.constant 64 : index
      %swap3A_53 = tpu.vector_load %arg8[%swap3A_51, %swap3A_52] {strides = array<i32>} : memref<128x128xf32, #tpu.memory_space<vmem>>, vector<16xf32>,
      tpu.vector_store %arg8[%swap3A_51, %swap3A_52], %broadcast_in_dim3A_1 {strides = array<i32>} : memref<128x128xf32, #tpu.memory_space<vmem>>, vector<16xf32>,
      %swap3A_54 = arith.index_cast %scan3A_38 : i32 to index
      %swap3A_55 = arith.constant 80 : index
      %swap3A_56 = tpu.vector_load %arg8[%swap3A_54, %swap3A_55] {strides = array<i32>} : memref<128x128xf32, #tpu.memory_space<vmem>>, vector<16xf32>,
      tpu.vector_store %arg8[%swap3A_54, %swap3A_55], %broadcast_in_dim3A_1 {strides = array<i32>} : memref<128x128xf32, #tpu.memory_space<vmem>>, vector<16xf32>,
      %swap3A_57 = arith.index_cast %scan3A_38 : i32 to index
      %swap3A_58 = arith.constant 96 : index
      %swap3A_59 = tpu.vector_load %arg8[%swap3A_57, %swap3A_58] {strides = array<i32>} : memref<128x128xf32, #tpu.memory_space<vmem>>, vector<16xf32>,
      tpu.vector_store %arg8[%swap3A_57, %swap3A_58], %broadcast_in_dim3A_1 {strides = array<i32>} : memref<128x128xf32, #tpu.memory_space<vmem>>, vector<16xf32>,
      %swap3A_60 = arith.index_cast %scan3A_38 : i32 to index
      %swap3A_61 = arith.constant 112 : index
      %swap3A_62 = tpu.vector_load %arg8[%swap3A_60, %swap3A_61] {strides = array<i32>} : memref<128x128xf32, #tpu.memory_space<vmem>>, vector<16xf32>,
      tpu.vector_store %arg8[%swap3A_60, %swap3A_61], %broadcast_in_dim3A_1 {strides = array<i32>} : memref<128x128xf32, #tpu.memory_space<vmem>>, vector<16xf32>,
      %scan3A_63 = arith.constant 0 : i32
      scf.yield %scan3A_63 : i32
    }
    %scan3A_7 = arith.constant 128 : i32
    %mul3A_8 = arith.constant 640 : i32
    %mul3A_9 = arith.muli %arg1, %mul3A_8 : i32
    %add3A_10 = arith.constant 0 : i32
    %add3A_11 = arith.addi %mul3A_9, %add3A_10 : i32
    "tpu.region"() ({
      %run_scoped3A = tpu.sem_alloc : memref<!tpu.dma_semaphore, #tpu.memory_space<semaphore_mem>>
      %dma_start3A = arith.constant 0 : i32
      %dma_start3A_38 = tpu.memref_slice %arg9[%add3A_11, %dma_start3A] : memref<10240x128xf32, #tpu.memory_space<vmem_shared>> -> memref<128x128xf32, #tpu.memory_space<vmem_shared>>
      %dma_start3A_39 = arith.constant 0 : i32
      %dma_start3A_40 = tpu.memref_slice %arg9[%add3A_11, %dma_start3A_39] : memref<10240x128xf32, #tpu.memory_space<vmem_shared>> -> memref<128x128xf32, #tpu.memory_space<vmem_shared>>
      tpu.enqueue_dma source(%arg8 : memref<128x128xf32, #tpu.memory_space<vmem>>) target(%dma_start3A_40 : memref<128x128xf32, #tpu.memory_space<vmem_shared>>) target_semaphore(%run_scoped3A : memref<!tpu.dma_semaphore, #tpu.memory_space<semaphore_mem>>)
      %dma_wait3A = arith.constant 0 : i32
      %dma_wait3A_41 = tpu.memref_slice %arg9[%add3A_11, %dma_wait3A] : memref<10240x128xf32, #tpu.memory_space<vmem_shared>> -> memref<128x128xf32, #tpu.memory_space<vmem_shared>>
      %dma_wait3A_42 = arith.constant 0 : i32
      %dma_wait3A_43 = tpu.memref_slice %arg9[%add3A_11, %dma_wait3A_42] : memref<10240x128xf32, #tpu.memory_space<vmem_shared>> -> memref<128x128xf32, #tpu.memory_space<vmem_shared>>
      tpu.wait_dma2 semaphore(%run_scoped3A : memref<!tpu.dma_semaphore, #tpu.memory_space<semaphore_mem>>) src(%arg8 : memref<128x128xf32, #tpu.memory_space<vmem>>) dst(%dma_wait3A_43 : memref<128x128xf32, #tpu.memory_space<vmem_shared>>)
      tpu.yield
    }) : () -> ()
    %mul3A_12 = arith.constant 640 : i32
    %mul3A_13 = arith.muli %arg1, %mul3A_12 : i32
    %add3A_14 = arith.constant 128 : i32
    %add3A_15 = arith.addi %mul3A_13, %add3A_14 : i32
    "tpu.region"() ({
      %run_scoped3A = tpu.sem_alloc : memref<!tpu.dma_semaphore, #tpu.memory_space<semaphore_mem>>
      %dma_start3A = arith.constant 0 : i32
      %dma_start3A_38 = tpu.memref_slice %arg9[%add3A_15, %dma_start3A] : memref<10240x128xf32, #tpu.memory_space<vmem_shared>> -> memref<128x128xf32, #tpu.memory_space<vmem_shared>>
      %dma_start3A_39 = arith.constant 0 : i32
      %dma_start3A_40 = tpu.memref_slice %arg9[%add3A_15, %dma_start3A_39] : memref<10240x128xf32, #tpu.memory_space<vmem_shared>> -> memref<128x128xf32, #tpu.memory_space<vmem_shared>>
      tpu.enqueue_dma source(%arg8 : memref<128x128xf32, #tpu.memory_space<vmem>>) target(%dma_start3A_40 : memref<128x128xf32, #tpu.memory_space<vmem_shared>>) target_semaphore(%run_scoped3A : memref<!tpu.dma_semaphore, #tpu.memory_space<semaphore_mem>>)
      %dma_wait3A = arith.constant 0 : i32
      %dma_wait3A_41 = tpu.memref_slice %arg9[%add3A_15, %dma_wait3A] : memref<10240x128xf32, #tpu.memory_space<vmem_shared>> -> memref<128x128xf32, #tpu.memory_space<vmem_shared>>
      %dma_wait3A_42 = arith.constant 0 : i32
      %dma_wait3A_43 = tpu.memref_slice %arg9[%add3A_15, %dma_wait3A_42] : memref<10240x128xf32, #tpu.memory_space<vmem_shared>> -> memref<128x128xf32, #tpu.memory_space<vmem_shared>>
      tpu.wait_dma2 semaphore(%run_scoped3A : memref<!tpu.dma_semaphore, #tpu.memory_space<semaphore_mem>>) src(%arg8 : memref<128x128xf32, #tpu.memory_space<vmem>>) dst(%dma_wait3A_43 : memref<128x128xf32, #tpu.memory_space<vmem_shared>>)
      tpu.yield
    }) : () -> ()
    %mul3A_16 = arith.constant 640 : i32
    %mul3A_17 = arith.muli %arg1, %mul3A_16 : i32
    %add3A_18 = arith.constant 256 : i32
    %add3A_19 = arith.addi %mul3A_17, %add3A_18 : i32
    "tpu.region"() ({
      %run_scoped3A = tpu.sem_alloc : memref<!tpu.dma_semaphore, #tpu.memory_space<semaphore_mem>>
      %dma_start3A = arith.constant 0 : i32
      %dma_start3A_38 = tpu.memref_slice %arg9[%add3A_19, %dma_start3A] : memref<10240x128xf32, #tpu.memory_space<vmem_shared>> -> memref<128x128xf32, #tpu.memory_space<vmem_shared>>
      %dma_start3A_39 = arith.constant 0 : i32
      %dma_start3A_40 = tpu.memref_slice %arg9[%add3A_19, %dma_start3A_39] : memref<10240x128xf32, #tpu.memory_space<vmem_shared>> -> memref<128x128xf32, #tpu.memory_space<vmem_shared>>
      tpu.enqueue_dma source(%arg8 : memref<128x128xf32, #tpu.memory_space<vmem>>) target(%dma_start3A_40 : memref<128x128xf32, #tpu.memory_space<vmem_shared>>) target_semaphore(%run_scoped3A : memref<!tpu.dma_semaphore, #tpu.memory_space<semaphore_mem>>)
      %dma_wait3A = arith.constant 0 : i32
      %dma_wait3A_41 = tpu.memref_slice %arg9[%add3A_19, %dma_wait3A] : memref<10240x128xf32, #tpu.memory_space<vmem_shared>> -> memref<128x128xf32, #tpu.memory_space<vmem_shared>>
      %dma_wait3A_42 = arith.constant 0 : i32
      %dma_wait3A_43 = tpu.memref_slice %arg9[%add3A_19, %dma_wait3A_42] : memref<10240x128xf32, #tpu.memory_space<vmem_shared>> -> memref<128x128xf32, #tpu.memory_space<vmem_shared>>
      tpu.wait_dma2 semaphore(%run_scoped3A : memref<!tpu.dma_semaphore, #tpu.memory_space<semaphore_mem>>) src(%arg8 : memref<128x128xf32, #tpu.memory_space<vmem>>) dst(%dma_wait3A_43 : memref<128x128xf32, #tpu.memory_space<vmem_shared>>)
      tpu.yield
    }) : () -> ()
    %mul3A_20 = arith.constant 640 : i32
    %mul3A_21 = arith.muli %arg1, %mul3A_20 : i32
    %add3A_22 = arith.constant 384 : i32
    %add3A_23 = arith.addi %mul3A_21, %add3A_22 : i32
    "tpu.region"() ({
      %run_scoped3A = tpu.sem_alloc : memref<!tpu.dma_semaphore, #tpu.memory_space<semaphore_mem>>
      %dma_start3A = arith.constant 0 : i32
      %dma_start3A_38 = tpu.memref_slice %arg9[%add3A_23, %dma_start3A] : memref<10240x128xf32, #tpu.memory_space<vmem_shared>> -> memref<128x128xf32, #tpu.memory_space<vmem_shared>>
      %dma_start3A_39 = arith.constant 0 : i32
      %dma_start3A_40 = tpu.memref_slice %arg9[%add3A_23, %dma_start3A_39] : memref<10240x128xf32, #tpu.memory_space<vmem_shared>> -> memref<128x128xf32, #tpu.memory_space<vmem_shared>>
      tpu.enqueue_dma source(%arg8 : memref<128x128xf32, #tpu.memory_space<vmem>>) target(%dma_start3A_40 : memref<128x128xf32, #tpu.memory_space<vmem_shared>>) target_semaphore(%run_scoped3A : memref<!tpu.dma_semaphore, #tpu.memory_space<semaphore_mem>>)
      %dma_wait3A = arith.constant 0 : i32
      %dma_wait3A_41 = tpu.memref_slice %arg9[%add3A_23, %dma_wait3A] : memref<10240x128xf32, #tpu.memory_space<vmem_shared>> -> memref<128x128xf32, #tpu.memory_space<vmem_shared>>
      %dma_wait3A_42 = arith.constant 0 : i32
      %dma_wait3A_43 = tpu.memref_slice %arg9[%add3A_23, %dma_wait3A_42] : memref<10240x128xf32, #tpu.memory_space<vmem_shared>> -> memref<128x128xf32, #tpu.memory_space<vmem_shared>>
      tpu.wait_dma2 semaphore(%run_scoped3A : memref<!tpu.dma_semaphore, #tpu.memory_space<semaphore_mem>>) src(%arg8 : memref<128x128xf32, #tpu.memory_space<vmem>>) dst(%dma_wait3A_43 : memref<128x128xf32, #tpu.memory_space<vmem_shared>>)
      tpu.yield
    }) : () -> ()
    %mul3A_24 = arith.constant 640 : i32
    %mul3A_25 = arith.muli %arg1, %mul3A_24 : i32
    %add3A_26 = arith.constant 512 : i32
    %add3A_27 = arith.addi %mul3A_25, %add3A_26 : i32
    "tpu.region"() ({
      %run_scoped3A = tpu.sem_alloc : memref<!tpu.dma_semaphore, #tpu.memory_space<semaphore_mem>>
      %dma_start3A = arith.constant 0 : i32
      %dma_start3A_38 = tpu.memref_slice %arg9[%add3A_27, %dma_start3A] : memref<10240x128xf32, #tpu.memory_space<vmem_shared>> -> memref<128x128xf32, #tpu.memory_space<vmem_shared>>
      %dma_start3A_39 = arith.constant 0 : i32
      %dma_start3A_40 = tpu.memref_slice %arg9[%add3A_27, %dma_start3A_39] : memref<10240x128xf32, #tpu.memory_space<vmem_shared>> -> memref<128x128xf32, #tpu.memory_space<vmem_shared>>
      tpu.enqueue_dma source(%arg8 : memref<128x128xf32, #tpu.memory_space<vmem>>) target(%dma_start3A_40 : memref<128x128xf32, #tpu.memory_space<vmem_shared>>) target_semaphore(%run_scoped3A : memref<!tpu.dma_semaphore, #tpu.memory_space<semaphore_mem>>)
      %dma_wait3A = arith.constant 0 : i32
      %dma_wait3A_41 = tpu.memref_slice %arg9[%add3A_27, %dma_wait3A] : memref<10240x128xf32, #tpu.memory_space<vmem_shared>> -> memref<128x128xf32, #tpu.memory_space<vmem_shared>>
      %dma_wait3A_42 = arith.constant 0 : i32
      %dma_wait3A_43 = tpu.memref_slice %arg9[%add3A_27, %dma_wait3A_42] : memref<10240x128xf32, #tpu.memory_space<vmem_shared>> -> memref<128x128xf32, #tpu.memory_space<vmem_shared>>
      tpu.wait_dma2 semaphore(%run_scoped3A : memref<!tpu.dma_semaphore, #tpu.memory_space<semaphore_mem>>) src(%arg8 : memref<128x128xf32, #tpu.memory_space<vmem>>) dst(%dma_wait3A_43 : memref<128x128xf32, #tpu.memory_space<vmem_shared>>)
      tpu.yield
    }) : () -> ()
    %barrier3A = arith.constant 0 : index
    tpu.barrier barrier_id(%barrier3A)
    "tpu.region"() ({
      %run_scoped3A = tpu.sem_alloc : memref<!tpu.dma_semaphore, #tpu.memory_space<semaphore_mem>>
      %dma_start3A = arith.constant 0 : i32
      %dma_start3A_38 = arith.constant 0 : i32
      %dma_start3A_39 = tpu.memref_slice %arg3[%add3A, %dma_start3A, %dma_start3A_38] : memref<32x80x128xi32, #tpu.memory_space<hbm>> -> memref<1x80x128xi32, #tpu.memory_space<hbm>>
      %dma_start3A_40 = tpu.memref_squeeze %dma_start3A_39 : memref<1x80x128xi32, #tpu.memory_space<hbm>> -> memref<80x128xi32, #tpu.memory_space<hbm>>
      %dma_start3A_41 = arith.constant 0 : i32
      %dma_start3A_42 = arith.constant 0 : i32
      %dma_start3A_43 = tpu.memref_slice %arg3[%add3A, %dma_start3A_41, %dma_start3A_42] : memref<32x80x128xi32, #tpu.memory_space<hbm>> -> memref<1x80x128xi32, #tpu.memory_space<hbm>>
      %dma_start3A_44 = tpu.memref_squeeze %dma_start3A_43 : memref<1x80x128xi32, #tpu.memory_space<hbm>> -> memref<80x128xi32, #tpu.memory_space<hbm>>
      tpu.enqueue_dma source(%dma_start3A_44 : memref<80x128xi32, #tpu.memory_space<hbm>>) target(%arg6 : memref<80x128xi32, #tpu.memory_space<vmem>>) target_semaphore(%run_scoped3A : memref<!tpu.dma_semaphore, #tpu.memory_space<semaphore_mem>>)
      %dma_wait3A = arith.constant 0 : i32
      %dma_wait3A_45 = arith.constant 0 : i32
      %dma_wait3A_46 = tpu.memref_slice %arg3[%add3A, %dma_wait3A, %dma_wait3A_45] : memref<32x80x128xi32, #tpu.memory_space<hbm>> -> memref<1x80x128xi32, #tpu.memory_space<hbm>>
      %dma_wait3A_47 = tpu.memref_squeeze %dma_wait3A_46 : memref<1x80x128xi32, #tpu.memory_space<hbm>> -> memref<80x128xi32, #tpu.memory_space<hbm>>
      %dma_wait3A_48 = arith.constant 0 : i32
      %dma_wait3A_49 = arith.constant 0 : i32
      %dma_wait3A_50 = tpu.memref_slice %arg3[%add3A, %dma_wait3A_48, %dma_wait3A_49] : memref<32x80x128xi32, #tpu.memory_space<hbm>> -> memref<1x80x128xi32, #tpu.memory_space<hbm>>
      %dma_wait3A_51 = tpu.memref_squeeze %dma_wait3A_50 : memref<1x80x128xi32, #tpu.memory_space<hbm>> -> memref<80x128xi32, #tpu.memory_space<hbm>>
      tpu.wait_dma2 semaphore(%run_scoped3A : memref<!tpu.dma_semaphore, #tpu.memory_space<semaphore_mem>>) src(%dma_wait3A_51 : memref<80x128xi32, #tpu.memory_space<hbm>>) dst(%arg6 : memref<80x128xi32, #tpu.memory_space<vmem>>)
      tpu.yield
    }) : () -> ()
    "tpu.region"() ({
      %run_scoped3A = tpu.sem_alloc : memref<!tpu.dma_semaphore, #tpu.memory_space<semaphore_mem>>
      %dma_start3A = arith.constant 0 : i32
      %dma_start3A_38 = arith.constant 0 : i32
      %dma_start3A_39 = tpu.memref_slice %arg4[%add3A, %dma_start3A, %dma_start3A_38] : memref<32x80x128xi32, #tpu.memory_space<hbm>> -> memref<1x80x128xi32, #tpu.memory_space<hbm>>
      %dma_start3A_40 = tpu.memref_squeeze %dma_start3A_39 : memref<1x80x128xi32, #tpu.memory_space<hbm>> -> memref<80x128xi32, #tpu.memory_space<hbm>>
      %dma_start3A_41 = arith.constant 0 : i32
      %dma_start3A_42 = arith.constant 0 : i32
      %dma_start3A_43 = tpu.memref_slice %arg4[%add3A, %dma_start3A_41, %dma_start3A_42] : memref<32x80x128xi32, #tpu.memory_space<hbm>> -> memref<1x80x128xi32, #tpu.memory_space<hbm>>
      %dma_start3A_44 = tpu.memref_squeeze %dma_start3A_43 : memref<1x80x128xi32, #tpu.memory_space<hbm>> -> memref<80x128xi32, #tpu.memory_space<hbm>>
      tpu.enqueue_dma source(%dma_start3A_44 : memref<80x128xi32, #tpu.memory_space<hbm>>) target(%arg7 : memref<80x128xi32, #tpu.memory_space<vmem>>) target_semaphore(%run_scoped3A : memref<!tpu.dma_semaphore, #tpu.memory_space<semaphore_mem>>)
      %dma_wait3A = arith.constant 0 : i32
      %dma_wait3A_45 = arith.constant 0 : i32
      %dma_wait3A_46 = tpu.memref_slice %arg4[%add3A, %dma_wait3A, %dma_wait3A_45] : memref<32x80x128xi32, #tpu.memory_space<hbm>> -> memref<1x80x128xi32, #tpu.memory_space<hbm>>
      %dma_wait3A_47 = tpu.memref_squeeze %dma_wait3A_46 : memref<1x80x128xi32, #tpu.memory_space<hbm>> -> memref<80x128xi32, #tpu.memory_space<hbm>>
      %dma_wait3A_48 = arith.constant 0 : i32
      %dma_wait3A_49 = arith.constant 0 : i32
      %dma_wait3A_50 = tpu.memref_slice %arg4[%add3A, %dma_wait3A_48, %dma_wait3A_49] : memref<32x80x128xi32, #tpu.memory_space<hbm>> -> memref<1x80x128xi32, #tpu.memory_space<hbm>>
      %dma_wait3A_51 = tpu.memref_squeeze %dma_wait3A_50 : memref<1x80x128xi32, #tpu.memory_space<hbm>> -> memref<80x128xi32, #tpu.memory_space<hbm>>
      tpu.wait_dma2 semaphore(%run_scoped3A : memref<!tpu.dma_semaphore, #tpu.memory_space<semaphore_mem>>) src(%dma_wait3A_51 : memref<80x128xi32, #tpu.memory_space<hbm>>) dst(%arg7 : memref<80x128xi32, #tpu.memory_space<vmem>>)
      tpu.yield
    }) : () -> ()
    "tpu.trace_start"() <{level = 10 : i32, message = "edges"}> : () -> ()
    %scan3A_28 = arith.constant 0 : i32
    %scan3A_29 = arith.constant 0 : i32
    %scan3A_30 = arith.constant 80 : i32
    %scan3A_31 = arith.addi %scan3A_29, %scan3A_30 : i32
    %scan3A_32 = arith.constant 1 : i32
    %scan3A_33 = scf.for %scan3A_38 = %scan3A_29 to %scan3A_31 step %scan3A_32 iter_args(%scan3A_39 = %scan3A_28) -> (i32)  : i32 {
      "tpu.region"() ({
        %run_scoped3A = tpu.sem_alloc : memref<!tpu.dma_semaphore, #tpu.memory_space<semaphore_mem>>
        %dma_start3A = arith.constant 0 : i32
        %dma_start3A_41 = tpu.memref_slice %arg6[%scan3A_38, %dma_start3A] : memref<80x128xi32, #tpu.memory_space<vmem>> -> memref<1x128xi32, #tpu.memory_space<vmem>>
        %dma_start3A_42 = tpu.memref_squeeze %dma_start3A_41 : memref<1x128xi32, #tpu.memory_space<vmem>> -> memref<128xi32, #tpu.memory_space<vmem>>
        %dma_start3A_43 = arith.constant 0 : i32
        %dma_start3A_44 = arith.constant 0 : i32
        %dma_start3A_45 = tpu.memref_slice %arg2[%dma_start3A_43, %dma_start3A_44] : memref<10240x128xf32, #tpu.memory_space<hbm>> -> memref<10240x128xf32, #tpu.memory_space<hbm>>
        tpu.enqueue_indirect_dma source(%dma_start3A_45 : memref<10240x128xf32, #tpu.memory_space<hbm>>) target(%arg8 : memref<128x128xf32, #tpu.memory_space<vmem>>) offsets(%dma_start3A_42 : memref<128xi32, #tpu.memory_space<vmem>>) semaphore(%run_scoped3A : memref<!tpu.dma_semaphore, #tpu.memory_space<semaphore_mem>>)
        %dma_wait3A = arith.constant 0 : i32
        %dma_wait3A_46 = tpu.memref_slice %arg6[%scan3A_38, %dma_wait3A] : memref<80x128xi32, #tpu.memory_space<vmem>> -> memref<1x128xi32, #tpu.memory_space<vmem>>
        %dma_wait3A_47 = tpu.memref_squeeze %dma_wait3A_46 : memref<1x128xi32, #tpu.memory_space<vmem>> -> memref<128xi32, #tpu.memory_space<vmem>>
        %dma_wait3A_48 = arith.constant 0 : i32
        %dma_wait3A_49 = arith.constant 0 : i32
        %dma_wait3A_50 = tpu.memref_slice %arg2[%dma_wait3A_48, %dma_wait3A_49] : memref<10240x128xf32, #tpu.memory_space<hbm>> -> memref<10240x128xf32, #tpu.memory_space<hbm>>
        tpu.wait_indirect_dma semaphore(%run_scoped3A : memref<!tpu.dma_semaphore, #tpu.memory_space<semaphore_mem>>) src(%dma_wait3A_50 : memref<10240x128xf32, #tpu.memory_space<hbm>>) dst(%arg8 : memref<128x128xf32, #tpu.memory_space<vmem>>)
        tpu.yield
      }) : () -> ()
      "tpu.region"() ({
        %run_scoped3A = tpu.sem_alloc : memref<!tpu.dma_semaphore, #tpu.memory_space<semaphore_mem>>
        %dma_start3A = arith.constant 0 : i32
        %dma_start3A_41 = tpu.memref_slice %arg7[%scan3A_38, %dma_start3A] : memref<80x128xi32, #tpu.memory_space<vmem>> -> memref<1x128xi32, #tpu.memory_space<vmem>>
        %dma_start3A_42 = tpu.memref_squeeze %dma_start3A_41 : memref<1x128xi32, #tpu.memory_space<vmem>> -> memref<128xi32, #tpu.memory_space<vmem>>
        %dma_start3A_43 = arith.constant 0 : i32
        %dma_start3A_44 = arith.constant 0 : i32
        %dma_start3A_45 = tpu.memref_slice %arg9[%dma_start3A_43, %dma_start3A_44] : memref<10240x128xf32, #tpu.memory_space<vmem_shared>> -> memref<10240x128xf32, #tpu.memory_space<vmem_shared>>
        tpu.enqueue_indirect_dma source(%arg8 : memref<128x128xf32, #tpu.memory_space<vmem>>) target(%dma_start3A_45 : memref<10240x128xf32, #tpu.memory_space<vmem_shared>>) offsets(%dma_start3A_42 : memref<128xi32, #tpu.memory_space<vmem>>) semaphore(%run_scoped3A : memref<!tpu.dma_semaphore, #tpu.memory_space<semaphore_mem>>) {add = true}
        %dma_wait3A = arith.constant 0 : i32
        %dma_wait3A_46 = tpu.memref_slice %arg7[%scan3A_38, %dma_wait3A] : memref<80x128xi32, #tpu.memory_space<vmem>> -> memref<1x128xi32, #tpu.memory_space<vmem>>
        %dma_wait3A_47 = tpu.memref_squeeze %dma_wait3A_46 : memref<1x128xi32, #tpu.memory_space<vmem>> -> memref<128xi32, #tpu.memory_space<vmem>>
        %dma_wait3A_48 = arith.constant 0 : i32
        %dma_wait3A_49 = arith.constant 0 : i32
        %dma_wait3A_50 = tpu.memref_slice %arg9[%dma_wait3A_48, %dma_wait3A_49] : memref<10240x128xf32, #tpu.memory_space<vmem_shared>> -> memref<10240x128xf32, #tpu.memory_space<vmem_shared>>
        tpu.wait_indirect_dma semaphore(%run_scoped3A : memref<!tpu.dma_semaphore, #tpu.memory_space<semaphore_mem>>) src(%arg8 : memref<128x128xf32, #tpu.memory_space<vmem>>) dst(%dma_wait3A_50 : memref<10240x128xf32, #tpu.memory_space<vmem_shared>>)
        tpu.yield
      }) : () -> ()
      %scan3A_40 = arith.constant 0 : i32
      scf.yield %scan3A_40 : i32
    }
    %scan3A_34 = arith.constant 80 : i32
    "tpu.trace_stop"() : () -> ()
    %barrier3A_35 = arith.constant 0 : index
    tpu.barrier barrier_id(%barrier3A_35)
    "tpu.trace_start"() <{level = 10 : i32, message = "copyout"}> : () -> ()
    %mul3A_36 = arith.constant 640 : i32
    %mul3A_37 = arith.muli %arg1, %mul3A_36 : i32
    "tpu.region"() ({
      %run_scoped3A = tpu.sem_alloc : memref<!tpu.dma_semaphore, #tpu.memory_space<semaphore_mem>>
      %dma_start3A = arith.constant 0 : i32
      %dma_start3A_38 = tpu.memref_slice %arg5[%arg0, %mul3A_37, %dma_start3A] : memref<2x10240x128xf32, #tpu.memory_space<hbm>> -> memref<1x640x128xf32, #tpu.memory_space<hbm>>
      %dma_start3A_39 = tpu.memref_squeeze %dma_start3A_38 : memref<1x640x128xf32, #tpu.memory_space<hbm>> -> memref<640x128xf32, #tpu.memory_space<hbm>>
      %dma_start3A_40 = arith.constant 0 : i32
      %dma_start3A_41 = tpu.memref_slice %arg9[%mul3A_37, %dma_start3A_40] : memref<10240x128xf32, #tpu.memory_space<vmem_shared>> -> memref<640x128xf32, #tpu.memory_space<vmem_shared>>
      tpu.enqueue_dma source(%dma_start3A_41 : memref<640x128xf32, #tpu.memory_space<vmem_shared>>) target(%dma_start3A_39 : memref<640x128xf32, #tpu.memory_space<hbm>>) target_semaphore(%run_scoped3A : memref<!tpu.dma_semaphore, #tpu.memory_space<semaphore_mem>>)
      %dma_wait3A = arith.constant 0 : i32
      %dma_wait3A_42 = tpu.memref_slice %arg5[%arg0, %mul3A_37, %dma_wait3A] : memref<2x10240x128xf32, #tpu.memory_space<hbm>> -> memref<1x640x128xf32, #tpu.memory_space<hbm>>
      %dma_wait3A_43 = tpu.memref_squeeze %dma_wait3A_42 : memref<1x640x128xf32, #tpu.memory_space<hbm>> -> memref<640x128xf32, #tpu.memory_space<hbm>>
      %dma_wait3A_44 = arith.constant 0 : i32
      %dma_wait3A_45 = tpu.memref_slice %arg9[%mul3A_37, %dma_wait3A_44] : memref<10240x128xf32, #tpu.memory_space<vmem_shared>> -> memref<640x128xf32, #tpu.memory_space<vmem_shared>>
      tpu.wait_dma2 semaphore(%run_scoped3A : memref<!tpu.dma_semaphore, #tpu.memory_space<semaphore_mem>>) src(%dma_wait3A_45 : memref<640x128xf32, #tpu.memory_space<vmem_shared>>) dst(%dma_wait3A_43 : memref<640x128xf32, #tpu.memory_space<hbm>>)
      tpu.yield
    }) : () -> ()
    "tpu.trace_stop"() : () -> ()
    return
  }
}

#map = affine_map<(d0, d1) -> (0, 0)>
#map1 = affine_map<(d0, d1) -> (0, 0, 0)>
module attributes {stable_mosaic.version = 14 : i64} {
  func.func @_sc_scatter(%arg0: i32, %arg1: i32, %arg2: memref<10240x128xf32, #tpu.memory_space<hbm>>, %arg3: memref<32x80x128xi32, #tpu.memory_space<hbm>>, %arg4: memref<32x80x128xi32, #tpu.memory_space<hbm>>, %arg5: memref<2x10240x128xf32, #tpu.memory_space<hbm>>, %arg6: memref<80x128xi32, #tpu.memory_space<vmem>>, %arg7: memref<80x128xi32, #tpu.memory_space<vmem>>, %arg8: memref<128x128xf32, #tpu.memory_space<vmem>>, %arg9: memref<10240x128xf32, #tpu.memory_space<vmem_shared>>) attributes {dimension_semantics = [#tpu.dimension_semantics<core_parallel>, #tpu.dimension_semantics<subcore_parallel>], iteration_bounds = array<i64: 2, 16>, scalar_prefetch = 0 : i64, scratch_operands = 4 : i64, tpu.core_type = #tpu.core_type<sc_vector_subcore>, window_params = [{transform_indices = #map}, {transform_indices = #map1}, {transform_indices = #map1}, {transform_indices = #map1}]} {
    %mul3A = arith.constant 16 : i32
    %mul3A_0 = arith.muli %arg0, %mul3A : i32
    %add3A = arith.addi %mul3A_0, %arg1 : i32
    %broadcast_in_dim3A = arith.constant 0.000000e+00 : f32
    %broadcast_in_dim3A_1 = vector.broadcast %broadcast_in_dim3A : f32 to vector<16xf32>
    %scan3A = arith.constant 0 : i32
    %scan3A_2 = arith.constant 0 : i32
    %scan3A_3 = arith.constant 128 : i32
    %scan3A_4 = arith.addi %scan3A_2, %scan3A_3 : i32
    %scan3A_5 = arith.constant 1 : i32
    %scan3A_6 = scf.for %scan3A_38 = %scan3A_2 to %scan3A_4 step %scan3A_5 iter_args(%scan3A_39 = %scan3A) -> (i32)  : i32 {
      %swap3A = arith.index_cast %scan3A_38 : i32 to index
      %swap3A_40 = arith.constant 0 : index
      %swap3A_41 = tpu.vector_load %arg8[%swap3A, %swap3A_40] {strides = array<i32>} : memref<128x128xf32, #tpu.memory_space<vmem>>, vector<16xf32>,
      tpu.vector_store %arg8[%swap3A, %swap3A_40], %broadcast_in_dim3A_1 {strides = array<i32>} : memref<128x128xf32, #tpu.memory_space<vmem>>, vector<16xf32>,
      %swap3A_42 = arith.index_cast %scan3A_38 : i32 to index
      %swap3A_43 = arith.constant 16 : index
      %swap3A_44 = tpu.vector_load %arg8[%swap3A_42, %swap3A_43] {strides = array<i32>} : memref<128x128xf32, #tpu.memory_space<vmem>>, vector<16xf32>,
      tpu.vector_store %arg8[%swap3A_42, %swap3A_43], %broadcast_in_dim3A_1 {strides = array<i32>} : memref<128x128xf32, #tpu.memory_space<vmem>>, vector<16xf32>,
      %swap3A_45 = arith.index_cast %scan3A_38 : i32 to index
      %swap3A_46 = arith.constant 32 : index
      %swap3A_47 = tpu.vector_load %arg8[%swap3A_45, %swap3A_46] {strides = array<i32>} : memref<128x128xf32, #tpu.memory_space<vmem>>, vector<16xf32>,
      tpu.vector_store %arg8[%swap3A_45, %swap3A_46], %broadcast_in_dim3A_1 {strides = array<i32>} : memref<128x128xf32, #tpu.memory_space<vmem>>, vector<16xf32>,
      %swap3A_48 = arith.index_cast %scan3A_38 : i32 to index
      %swap3A_49 = arith.constant 48 : index
      %swap3A_50 = tpu.vector_load %arg8[%swap3A_48, %swap3A_49] {strides = array<i32>} : memref<128x128xf32, #tpu.memory_space<vmem>>, vector<16xf32>,
      tpu.vector_store %arg8[%swap3A_48, %swap3A_49], %broadcast_in_dim3A_1 {strides = array<i32>} : memref<128x128xf32, #tpu.memory_space<vmem>>, vector<16xf32>,
      %swap3A_51 = arith.index_cast %scan3A_38 : i32 to index
      %swap3A_52 = arith.constant 64 : index
      %swap3A_53 = tpu.vector_load %arg8[%swap3A_51, %swap3A_52] {strides = array<i32>} : memref<128x128xf32, #tpu.memory_space<vmem>>, vector<16xf32>,
      tpu.vector_store %arg8[%swap3A_51, %swap3A_52], %broadcast_in_dim3A_1 {strides = array<i32>} : memref<128x128xf32, #tpu.memory_space<vmem>>, vector<16xf32>,
      %swap3A_54 = arith.index_cast %scan3A_38 : i32 to index
      %swap3A_55 = arith.constant 80 : index
      %swap3A_56 = tpu.vector_load %arg8[%swap3A_54, %swap3A_55] {strides = array<i32>} : memref<128x128xf32, #tpu.memory_space<vmem>>, vector<16xf32>,
      tpu.vector_store %arg8[%swap3A_54, %swap3A_55], %broadcast_in_dim3A_1 {strides = array<i32>} : memref<128x128xf32, #tpu.memory_space<vmem>>, vector<16xf32>,
      %swap3A_57 = arith.index_cast %scan3A_38 : i32 to index
      %swap3A_58 = arith.constant 96 : index
      %swap3A_59 = tpu.vector_load %arg8[%swap3A_57, %swap3A_58] {strides = array<i32>} : memref<128x128xf32, #tpu.memory_space<vmem>>, vector<16xf32>,
      tpu.vector_store %arg8[%swap3A_57, %swap3A_58], %broadcast_in_dim3A_1 {strides = array<i32>} : memref<128x128xf32, #tpu.memory_space<vmem>>, vector<16xf32>,
      %swap3A_60 = arith.index_cast %scan3A_38 : i32 to index
      %swap3A_61 = arith.constant 112 : index
      %swap3A_62 = tpu.vector_load %arg8[%swap3A_60, %swap3A_61] {strides = array<i32>} : memref<128x128xf32, #tpu.memory_space<vmem>>, vector<16xf32>,
      tpu.vector_store %arg8[%swap3A_60, %swap3A_61], %broadcast_in_dim3A_1 {strides = array<i32>} : memref<128x128xf32, #tpu.memory_space<vmem>>, vector<16xf32>,
      %scan3A_63 = arith.constant 0 : i32
      scf.yield %scan3A_63 : i32
    }
    %scan3A_7 = arith.constant 128 : i32
    %mul3A_8 = arith.constant 640 : i32
    %mul3A_9 = arith.muli %arg1, %mul3A_8 : i32
    %add3A_10 = arith.constant 0 : i32
    %add3A_11 = arith.addi %mul3A_9, %add3A_10 : i32
    "tpu.region"() ({
      %run_scoped3A = tpu.sem_alloc : memref<!tpu.dma_semaphore, #tpu.memory_space<semaphore_mem>>
      %dma_start3A = arith.constant 0 : i32
      %dma_start3A_38 = tpu.memref_slice %arg9[%add3A_11, %dma_start3A] : memref<10240x128xf32, #tpu.memory_space<vmem_shared>> -> memref<128x128xf32, #tpu.memory_space<vmem_shared>>
      %dma_start3A_39 = arith.constant 0 : i32
      %dma_start3A_40 = tpu.memref_slice %arg9[%add3A_11, %dma_start3A_39] : memref<10240x128xf32, #tpu.memory_space<vmem_shared>> -> memref<128x128xf32, #tpu.memory_space<vmem_shared>>
      tpu.enqueue_dma source(%arg8 : memref<128x128xf32, #tpu.memory_space<vmem>>) target(%dma_start3A_40 : memref<128x128xf32, #tpu.memory_space<vmem_shared>>) target_semaphore(%run_scoped3A : memref<!tpu.dma_semaphore, #tpu.memory_space<semaphore_mem>>)
      %dma_wait3A = arith.constant 0 : i32
      %dma_wait3A_41 = tpu.memref_slice %arg9[%add3A_11, %dma_wait3A] : memref<10240x128xf32, #tpu.memory_space<vmem_shared>> -> memref<128x128xf32, #tpu.memory_space<vmem_shared>>
      %dma_wait3A_42 = arith.constant 0 : i32
      %dma_wait3A_43 = tpu.memref_slice %arg9[%add3A_11, %dma_wait3A_42] : memref<10240x128xf32, #tpu.memory_space<vmem_shared>> -> memref<128x128xf32, #tpu.memory_space<vmem_shared>>
      tpu.wait_dma2 semaphore(%run_scoped3A : memref<!tpu.dma_semaphore, #tpu.memory_space<semaphore_mem>>) src(%arg8 : memref<128x128xf32, #tpu.memory_space<vmem>>) dst(%dma_wait3A_43 : memref<128x128xf32, #tpu.memory_space<vmem_shared>>)
      tpu.yield
    }) : () -> ()
    %mul3A_12 = arith.constant 640 : i32
    %mul3A_13 = arith.muli %arg1, %mul3A_12 : i32
    %add3A_14 = arith.constant 128 : i32
    %add3A_15 = arith.addi %mul3A_13, %add3A_14 : i32
    "tpu.region"() ({
      %run_scoped3A = tpu.sem_alloc : memref<!tpu.dma_semaphore, #tpu.memory_space<semaphore_mem>>
      %dma_start3A = arith.constant 0 : i32
      %dma_start3A_38 = tpu.memref_slice %arg9[%add3A_15, %dma_start3A] : memref<10240x128xf32, #tpu.memory_space<vmem_shared>> -> memref<128x128xf32, #tpu.memory_space<vmem_shared>>
      %dma_start3A_39 = arith.constant 0 : i32
      %dma_start3A_40 = tpu.memref_slice %arg9[%add3A_15, %dma_start3A_39] : memref<10240x128xf32, #tpu.memory_space<vmem_shared>> -> memref<128x128xf32, #tpu.memory_space<vmem_shared>>
      tpu.enqueue_dma source(%arg8 : memref<128x128xf32, #tpu.memory_space<vmem>>) target(%dma_start3A_40 : memref<128x128xf32, #tpu.memory_space<vmem_shared>>) target_semaphore(%run_scoped3A : memref<!tpu.dma_semaphore, #tpu.memory_space<semaphore_mem>>)
      %dma_wait3A = arith.constant 0 : i32
      %dma_wait3A_41 = tpu.memref_slice %arg9[%add3A_15, %dma_wait3A] : memref<10240x128xf32, #tpu.memory_space<vmem_shared>> -> memref<128x128xf32, #tpu.memory_space<vmem_shared>>
      %dma_wait3A_42 = arith.constant 0 : i32
      %dma_wait3A_43 = tpu.memref_slice %arg9[%add3A_15, %dma_wait3A_42] : memref<10240x128xf32, #tpu.memory_space<vmem_shared>> -> memref<128x128xf32, #tpu.memory_space<vmem_shared>>
      tpu.wait_dma2 semaphore(%run_scoped3A : memref<!tpu.dma_semaphore, #tpu.memory_space<semaphore_mem>>) src(%arg8 : memref<128x128xf32, #tpu.memory_space<vmem>>) dst(%dma_wait3A_43 : memref<128x128xf32, #tpu.memory_space<vmem_shared>>)
      tpu.yield
    }) : () -> ()
    %mul3A_16 = arith.constant 640 : i32
    %mul3A_17 = arith.muli %arg1, %mul3A_16 : i32
    %add3A_18 = arith.constant 256 : i32
    %add3A_19 = arith.addi %mul3A_17, %add3A_18 : i32
    "tpu.region"() ({
      %run_scoped3A = tpu.sem_alloc : memref<!tpu.dma_semaphore, #tpu.memory_space<semaphore_mem>>
      %dma_start3A = arith.constant 0 : i32
      %dma_start3A_38 = tpu.memref_slice %arg9[%add3A_19, %dma_start3A] : memref<10240x128xf32, #tpu.memory_space<vmem_shared>> -> memref<128x128xf32, #tpu.memory_space<vmem_shared>>
      %dma_start3A_39 = arith.constant 0 : i32
      %dma_start3A_40 = tpu.memref_slice %arg9[%add3A_19, %dma_start3A_39] : memref<10240x128xf32, #tpu.memory_space<vmem_shared>> -> memref<128x128xf32, #tpu.memory_space<vmem_shared>>
      tpu.enqueue_dma source(%arg8 : memref<128x128xf32, #tpu.memory_space<vmem>>) target(%dma_start3A_40 : memref<128x128xf32, #tpu.memory_space<vmem_shared>>) target_semaphore(%run_scoped3A : memref<!tpu.dma_semaphore, #tpu.memory_space<semaphore_mem>>)
      %dma_wait3A = arith.constant 0 : i32
      %dma_wait3A_41 = tpu.memref_slice %arg9[%add3A_19, %dma_wait3A] : memref<10240x128xf32, #tpu.memory_space<vmem_shared>> -> memref<128x128xf32, #tpu.memory_space<vmem_shared>>
      %dma_wait3A_42 = arith.constant 0 : i32
      %dma_wait3A_43 = tpu.memref_slice %arg9[%add3A_19, %dma_wait3A_42] : memref<10240x128xf32, #tpu.memory_space<vmem_shared>> -> memref<128x128xf32, #tpu.memory_space<vmem_shared>>
      tpu.wait_dma2 semaphore(%run_scoped3A : memref<!tpu.dma_semaphore, #tpu.memory_space<semaphore_mem>>) src(%arg8 : memref<128x128xf32, #tpu.memory_space<vmem>>) dst(%dma_wait3A_43 : memref<128x128xf32, #tpu.memory_space<vmem_shared>>)
      tpu.yield
    }) : () -> ()
    %mul3A_20 = arith.constant 640 : i32
    %mul3A_21 = arith.muli %arg1, %mul3A_20 : i32
    %add3A_22 = arith.constant 384 : i32
    %add3A_23 = arith.addi %mul3A_21, %add3A_22 : i32
    "tpu.region"() ({
      %run_scoped3A = tpu.sem_alloc : memref<!tpu.dma_semaphore, #tpu.memory_space<semaphore_mem>>
      %dma_start3A = arith.constant 0 : i32
      %dma_start3A_38 = tpu.memref_slice %arg9[%add3A_23, %dma_start3A] : memref<10240x128xf32, #tpu.memory_space<vmem_shared>> -> memref<128x128xf32, #tpu.memory_space<vmem_shared>>
      %dma_start3A_39 = arith.constant 0 : i32
      %dma_start3A_40 = tpu.memref_slice %arg9[%add3A_23, %dma_start3A_39] : memref<10240x128xf32, #tpu.memory_space<vmem_shared>> -> memref<128x128xf32, #tpu.memory_space<vmem_shared>>
      tpu.enqueue_dma source(%arg8 : memref<128x128xf32, #tpu.memory_space<vmem>>) target(%dma_start3A_40 : memref<128x128xf32, #tpu.memory_space<vmem_shared>>) target_semaphore(%run_scoped3A : memref<!tpu.dma_semaphore, #tpu.memory_space<semaphore_mem>>)
      %dma_wait3A = arith.constant 0 : i32
      %dma_wait3A_41 = tpu.memref_slice %arg9[%add3A_23, %dma_wait3A] : memref<10240x128xf32, #tpu.memory_space<vmem_shared>> -> memref<128x128xf32, #tpu.memory_space<vmem_shared>>
      %dma_wait3A_42 = arith.constant 0 : i32
      %dma_wait3A_43 = tpu.memref_slice %arg9[%add3A_23, %dma_wait3A_42] : memref<10240x128xf32, #tpu.memory_space<vmem_shared>> -> memref<128x128xf32, #tpu.memory_space<vmem_shared>>
      tpu.wait_dma2 semaphore(%run_scoped3A : memref<!tpu.dma_semaphore, #tpu.memory_space<semaphore_mem>>) src(%arg8 : memref<128x128xf32, #tpu.memory_space<vmem>>) dst(%dma_wait3A_43 : memref<128x128xf32, #tpu.memory_space<vmem_shared>>)
      tpu.yield
    }) : () -> ()
    %mul3A_24 = arith.constant 640 : i32
    %mul3A_25 = arith.muli %arg1, %mul3A_24 : i32
    %add3A_26 = arith.constant 512 : i32
    %add3A_27 = arith.addi %mul3A_25, %add3A_26 : i32
    "tpu.region"() ({
      %run_scoped3A = tpu.sem_alloc : memref<!tpu.dma_semaphore, #tpu.memory_space<semaphore_mem>>
      %dma_start3A = arith.constant 0 : i32
      %dma_start3A_38 = tpu.memref_slice %arg9[%add3A_27, %dma_start3A] : memref<10240x128xf32, #tpu.memory_space<vmem_shared>> -> memref<128x128xf32, #tpu.memory_space<vmem_shared>>
      %dma_start3A_39 = arith.constant 0 : i32
      %dma_start3A_40 = tpu.memref_slice %arg9[%add3A_27, %dma_start3A_39] : memref<10240x128xf32, #tpu.memory_space<vmem_shared>> -> memref<128x128xf32, #tpu.memory_space<vmem_shared>>
      tpu.enqueue_dma source(%arg8 : memref<128x128xf32, #tpu.memory_space<vmem>>) target(%dma_start3A_40 : memref<128x128xf32, #tpu.memory_space<vmem_shared>>) target_semaphore(%run_scoped3A : memref<!tpu.dma_semaphore, #tpu.memory_space<semaphore_mem>>)
      %dma_wait3A = arith.constant 0 : i32
      %dma_wait3A_41 = tpu.memref_slice %arg9[%add3A_27, %dma_wait3A] : memref<10240x128xf32, #tpu.memory_space<vmem_shared>> -> memref<128x128xf32, #tpu.memory_space<vmem_shared>>
      %dma_wait3A_42 = arith.constant 0 : i32
      %dma_wait3A_43 = tpu.memref_slice %arg9[%add3A_27, %dma_wait3A_42] : memref<10240x128xf32, #tpu.memory_space<vmem_shared>> -> memref<128x128xf32, #tpu.memory_space<vmem_shared>>
      tpu.wait_dma2 semaphore(%run_scoped3A : memref<!tpu.dma_semaphore, #tpu.memory_space<semaphore_mem>>) src(%arg8 : memref<128x128xf32, #tpu.memory_space<vmem>>) dst(%dma_wait3A_43 : memref<128x128xf32, #tpu.memory_space<vmem_shared>>)
      tpu.yield
    }) : () -> ()
    %barrier3A = arith.constant 0 : index
    tpu.barrier barrier_id(%barrier3A)
    "tpu.region"() ({
      %run_scoped3A = tpu.sem_alloc : memref<!tpu.dma_semaphore, #tpu.memory_space<semaphore_mem>>
      %dma_start3A = arith.constant 0 : i32
      %dma_start3A_38 = arith.constant 0 : i32
      %dma_start3A_39 = tpu.memref_slice %arg3[%add3A, %dma_start3A, %dma_start3A_38] : memref<32x80x128xi32, #tpu.memory_space<hbm>> -> memref<1x80x128xi32, #tpu.memory_space<hbm>>
      %dma_start3A_40 = tpu.memref_squeeze %dma_start3A_39 : memref<1x80x128xi32, #tpu.memory_space<hbm>> -> memref<80x128xi32, #tpu.memory_space<hbm>>
      %dma_start3A_41 = arith.constant 0 : i32
      %dma_start3A_42 = arith.constant 0 : i32
      %dma_start3A_43 = tpu.memref_slice %arg3[%add3A, %dma_start3A_41, %dma_start3A_42] : memref<32x80x128xi32, #tpu.memory_space<hbm>> -> memref<1x80x128xi32, #tpu.memory_space<hbm>>
      %dma_start3A_44 = tpu.memref_squeeze %dma_start3A_43 : memref<1x80x128xi32, #tpu.memory_space<hbm>> -> memref<80x128xi32, #tpu.memory_space<hbm>>
      tpu.enqueue_dma source(%dma_start3A_44 : memref<80x128xi32, #tpu.memory_space<hbm>>) target(%arg6 : memref<80x128xi32, #tpu.memory_space<vmem>>) target_semaphore(%run_scoped3A : memref<!tpu.dma_semaphore, #tpu.memory_space<semaphore_mem>>)
      %dma_wait3A = arith.constant 0 : i32
      %dma_wait3A_45 = arith.constant 0 : i32
      %dma_wait3A_46 = tpu.memref_slice %arg3[%add3A, %dma_wait3A, %dma_wait3A_45] : memref<32x80x128xi32, #tpu.memory_space<hbm>> -> memref<1x80x128xi32, #tpu.memory_space<hbm>>
      %dma_wait3A_47 = tpu.memref_squeeze %dma_wait3A_46 : memref<1x80x128xi32, #tpu.memory_space<hbm>> -> memref<80x128xi32, #tpu.memory_space<hbm>>
      %dma_wait3A_48 = arith.constant 0 : i32
      %dma_wait3A_49 = arith.constant 0 : i32
      %dma_wait3A_50 = tpu.memref_slice %arg3[%add3A, %dma_wait3A_48, %dma_wait3A_49] : memref<32x80x128xi32, #tpu.memory_space<hbm>> -> memref<1x80x128xi32, #tpu.memory_space<hbm>>
      %dma_wait3A_51 = tpu.memref_squeeze %dma_wait3A_50 : memref<1x80x128xi32, #tpu.memory_space<hbm>> -> memref<80x128xi32, #tpu.memory_space<hbm>>
      tpu.wait_dma2 semaphore(%run_scoped3A : memref<!tpu.dma_semaphore, #tpu.memory_space<semaphore_mem>>) src(%dma_wait3A_51 : memref<80x128xi32, #tpu.memory_space<hbm>>) dst(%arg6 : memref<80x128xi32, #tpu.memory_space<vmem>>)
      tpu.yield
    }) : () -> ()
    "tpu.region"() ({
      %run_scoped3A = tpu.sem_alloc : memref<!tpu.dma_semaphore, #tpu.memory_space<semaphore_mem>>
      %dma_start3A = arith.constant 0 : i32
      %dma_start3A_38 = arith.constant 0 : i32
      %dma_start3A_39 = tpu.memref_slice %arg4[%add3A, %dma_start3A, %dma_start3A_38] : memref<32x80x128xi32, #tpu.memory_space<hbm>> -> memref<1x80x128xi32, #tpu.memory_space<hbm>>
      %dma_start3A_40 = tpu.memref_squeeze %dma_start3A_39 : memref<1x80x128xi32, #tpu.memory_space<hbm>> -> memref<80x128xi32, #tpu.memory_space<hbm>>
      %dma_start3A_41 = arith.constant 0 : i32
      %dma_start3A_42 = arith.constant 0 : i32
      %dma_start3A_43 = tpu.memref_slice %arg4[%add3A, %dma_start3A_41, %dma_start3A_42] : memref<32x80x128xi32, #tpu.memory_space<hbm>> -> memref<1x80x128xi32, #tpu.memory_space<hbm>>
      %dma_start3A_44 = tpu.memref_squeeze %dma_start3A_43 : memref<1x80x128xi32, #tpu.memory_space<hbm>> -> memref<80x128xi32, #tpu.memory_space<hbm>>
      tpu.enqueue_dma source(%dma_start3A_44 : memref<80x128xi32, #tpu.memory_space<hbm>>) target(%arg7 : memref<80x128xi32, #tpu.memory_space<vmem>>) target_semaphore(%run_scoped3A : memref<!tpu.dma_semaphore, #tpu.memory_space<semaphore_mem>>)
      %dma_wait3A = arith.constant 0 : i32
      %dma_wait3A_45 = arith.constant 0 : i32
      %dma_wait3A_46 = tpu.memref_slice %arg4[%add3A, %dma_wait3A, %dma_wait3A_45] : memref<32x80x128xi32, #tpu.memory_space<hbm>> -> memref<1x80x128xi32, #tpu.memory_space<hbm>>
      %dma_wait3A_47 = tpu.memref_squeeze %dma_wait3A_46 : memref<1x80x128xi32, #tpu.memory_space<hbm>> -> memref<80x128xi32, #tpu.memory_space<hbm>>
      %dma_wait3A_48 = arith.constant 0 : i32
      %dma_wait3A_49 = arith.constant 0 : i32
      %dma_wait3A_50 = tpu.memref_slice %arg4[%add3A, %dma_wait3A_48, %dma_wait3A_49] : memref<32x80x128xi32, #tpu.memory_space<hbm>> -> memref<1x80x128xi32, #tpu.memory_space<hbm>>
      %dma_wait3A_51 = tpu.memref_squeeze %dma_wait3A_50 : memref<1x80x128xi32, #tpu.memory_space<hbm>> -> memref<80x128xi32, #tpu.memory_space<hbm>>
      tpu.wait_dma2 semaphore(%run_scoped3A : memref<!tpu.dma_semaphore, #tpu.memory_space<semaphore_mem>>) src(%dma_wait3A_51 : memref<80x128xi32, #tpu.memory_space<hbm>>) dst(%arg7 : memref<80x128xi32, #tpu.memory_space<vmem>>)
      tpu.yield
    }) : () -> ()
    "tpu.trace_start"() <{level = 10 : i32, message = "edges"}> : () -> ()
    %scan3A_28 = arith.constant 0 : i32
    %scan3A_29 = arith.constant 0 : i32
    %scan3A_30 = arith.constant 80 : i32
    %scan3A_31 = arith.addi %scan3A_29, %scan3A_30 : i32
    %scan3A_32 = arith.constant 1 : i32
    %scan3A_33 = scf.for %scan3A_38 = %scan3A_29 to %scan3A_31 step %scan3A_32 iter_args(%scan3A_39 = %scan3A_28) -> (i32)  : i32 {
      "tpu.region"() ({
        %run_scoped3A = tpu.sem_alloc : memref<!tpu.dma_semaphore, #tpu.memory_space<semaphore_mem>>
        %dma_start3A = arith.constant 0 : i32
        %dma_start3A_41 = tpu.memref_slice %arg6[%scan3A_38, %dma_start3A] : memref<80x128xi32, #tpu.memory_space<vmem>> -> memref<1x128xi32, #tpu.memory_space<vmem>>
        %dma_start3A_42 = tpu.memref_squeeze %dma_start3A_41 : memref<1x128xi32, #tpu.memory_space<vmem>> -> memref<128xi32, #tpu.memory_space<vmem>>
        %dma_start3A_43 = arith.constant 0 : i32
        %dma_start3A_44 = arith.constant 0 : i32
        %dma_start3A_45 = tpu.memref_slice %arg2[%dma_start3A_43, %dma_start3A_44] : memref<10240x128xf32, #tpu.memory_space<hbm>> -> memref<10240x128xf32, #tpu.memory_space<hbm>>
        tpu.enqueue_indirect_dma source(%dma_start3A_45 : memref<10240x128xf32, #tpu.memory_space<hbm>>) target(%arg8 : memref<128x128xf32, #tpu.memory_space<vmem>>) offsets(%dma_start3A_42 : memref<128xi32, #tpu.memory_space<vmem>>) semaphore(%run_scoped3A : memref<!tpu.dma_semaphore, #tpu.memory_space<semaphore_mem>>)
        %dma_wait3A = arith.constant 0 : i32
        %dma_wait3A_46 = tpu.memref_slice %arg6[%scan3A_38, %dma_wait3A] : memref<80x128xi32, #tpu.memory_space<vmem>> -> memref<1x128xi32, #tpu.memory_space<vmem>>
        %dma_wait3A_47 = tpu.memref_squeeze %dma_wait3A_46 : memref<1x128xi32, #tpu.memory_space<vmem>> -> memref<128xi32, #tpu.memory_space<vmem>>
        %dma_wait3A_48 = arith.constant 0 : i32
        %dma_wait3A_49 = arith.constant 0 : i32
        %dma_wait3A_50 = tpu.memref_slice %arg2[%dma_wait3A_48, %dma_wait3A_49] : memref<10240x128xf32, #tpu.memory_space<hbm>> -> memref<10240x128xf32, #tpu.memory_space<hbm>>
        tpu.wait_indirect_dma semaphore(%run_scoped3A : memref<!tpu.dma_semaphore, #tpu.memory_space<semaphore_mem>>) src(%dma_wait3A_50 : memref<10240x128xf32, #tpu.memory_space<hbm>>) dst(%arg8 : memref<128x128xf32, #tpu.memory_space<vmem>>)
        tpu.yield
      }) : () -> ()
      "tpu.region"() ({
        %run_scoped3A = tpu.sem_alloc : memref<!tpu.dma_semaphore, #tpu.memory_space<semaphore_mem>>
        %dma_start3A = arith.constant 0 : i32
        %dma_start3A_41 = tpu.memref_slice %arg7[%scan3A_38, %dma_start3A] : memref<80x128xi32, #tpu.memory_space<vmem>> -> memref<1x128xi32, #tpu.memory_space<vmem>>
        %dma_start3A_42 = tpu.memref_squeeze %dma_start3A_41 : memref<1x128xi32, #tpu.memory_space<vmem>> -> memref<128xi32, #tpu.memory_space<vmem>>
        %dma_start3A_43 = arith.constant 0 : i32
        %dma_start3A_44 = arith.constant 0 : i32
        %dma_start3A_45 = tpu.memref_slice %arg9[%dma_start3A_43, %dma_start3A_44] : memref<10240x128xf32, #tpu.memory_space<vmem_shared>> -> memref<10240x128xf32, #tpu.memory_space<vmem_shared>>
        tpu.enqueue_indirect_dma source(%arg8 : memref<128x128xf32, #tpu.memory_space<vmem>>) target(%dma_start3A_45 : memref<10240x128xf32, #tpu.memory_space<vmem_shared>>) offsets(%dma_start3A_42 : memref<128xi32, #tpu.memory_space<vmem>>) semaphore(%run_scoped3A : memref<!tpu.dma_semaphore, #tpu.memory_space<semaphore_mem>>) {add = true}
        %dma_wait3A = arith.constant 0 : i32
        %dma_wait3A_46 = tpu.memref_slice %arg7[%scan3A_38, %dma_wait3A] : memref<80x128xi32, #tpu.memory_space<vmem>> -> memref<1x128xi32, #tpu.memory_space<vmem>>
        %dma_wait3A_47 = tpu.memref_squeeze %dma_wait3A_46 : memref<1x128xi32, #tpu.memory_space<vmem>> -> memref<128xi32, #tpu.memory_space<vmem>>
        %dma_wait3A_48 = arith.constant 0 : i32
        %dma_wait3A_49 = arith.constant 0 : i32
        %dma_wait3A_50 = tpu.memref_slice %arg9[%dma_wait3A_48, %dma_wait3A_49] : memref<10240x128xf32, #tpu.memory_space<vmem_shared>> -> memref<10240x128xf32, #tpu.memory_space<vmem_shared>>
        tpu.wait_indirect_dma semaphore(%run_scoped3A : memref<!tpu.dma_semaphore, #tpu.memory_space<semaphore_mem>>) src(%arg8 : memref<128x128xf32, #tpu.memory_space<vmem>>) dst(%dma_wait3A_50 : memref<10240x128xf32, #tpu.memory_space<vmem_shared>>)
        tpu.yield
      }) : () -> ()
      %scan3A_40 = arith.constant 0 : i32
      scf.yield %scan3A_40 : i32
    }
    %scan3A_34 = arith.constant 80 : i32
    "tpu.trace_stop"() : () -> ()
    %barrier3A_35 = arith.constant 0 : index
    tpu.barrier barrier_id(%barrier3A_35)
    "tpu.trace_start"() <{level = 10 : i32, message = "copyout"}> : () -> ()
    %mul3A_36 = arith.constant 640 : i32
    %mul3A_37 = arith.muli %arg1, %mul3A_36 : i32
    "tpu.region"() ({
      %run_scoped3A = tpu.sem_alloc : memref<!tpu.dma_semaphore, #tpu.memory_space<semaphore_mem>>
      %dma_start3A = arith.constant 0 : i32
      %dma_start3A_38 = tpu.memref_slice %arg5[%arg0, %mul3A_37, %dma_start3A] : memref<2x10240x128xf32, #tpu.memory_space<hbm>> -> memref<1x640x128xf32, #tpu.memory_space<hbm>>
      %dma_start3A_39 = tpu.memref_squeeze %dma_start3A_38 : memref<1x640x128xf32, #tpu.memory_space<hbm>> -> memref<640x128xf32, #tpu.memory_space<hbm>>
      %dma_start3A_40 = arith.constant 0 : i32
      %dma_start3A_41 = tpu.memref_slice %arg9[%mul3A_37, %dma_start3A_40] : memref<10240x128xf32, #tpu.memory_space<vmem_shared>> -> memref<640x128xf32, #tpu.memory_space<vmem_shared>>
      tpu.enqueue_dma source(%dma_start3A_41 : memref<640x128xf32, #tpu.memory_space<vmem_shared>>) target(%dma_start3A_39 : memref<640x128xf32, #tpu.memory_space<hbm>>) target_semaphore(%run_scoped3A : memref<!tpu.dma_semaphore, #tpu.memory_space<semaphore_mem>>)
      %dma_wait3A = arith.constant 0 : i32
      %dma_wait3A_42 = tpu.memref_slice %arg5[%arg0, %mul3A_37, %dma_wait3A] : memref<2x10240x128xf32, #tpu.memory_space<hbm>> -> memref<1x640x128xf32, #tpu.memory_space<hbm>>
      %dma_wait3A_43 = tpu.memref_squeeze %dma_wait3A_42 : memref<1x640x128xf32, #tpu.memory_space<hbm>> -> memref<640x128xf32, #tpu.memory_space<hbm>>
      %dma_wait3A_44 = arith.constant 0 : i32
      %dma_wait3A_45 = tpu.memref_slice %arg9[%mul3A_37, %dma_wait3A_44] : memref<10240x128xf32, #tpu.memory_space<vmem_shared>> -> memref<640x128xf32, #tpu.memory_space<vmem_shared>>
      tpu.wait_dma2 semaphore(%run_scoped3A : memref<!tpu.dma_semaphore, #tpu.memory_space<semaphore_mem>>) src(%dma_wait3A_45 : memref<640x128xf32, #tpu.memory_space<vmem_shared>>) dst(%dma_wait3A_43 : memref<640x128xf32, #tpu.memory_space<hbm>>)
      tpu.yield
    }) : () -> ()
    "tpu.trace_stop"() : () -> ()
    return
  }
}

#map = affine_map<(d0, d1) -> (0, 0)>
#map1 = affine_map<(d0, d1) -> (0, 0, 0)>
module attributes {stable_mosaic.version = 14 : i64} {
  func.func @_sc_scatter(%arg0: i32, %arg1: i32, %arg2: memref<10240x128xf32, #tpu.memory_space<hbm>>, %arg3: memref<32x80x128xi32, #tpu.memory_space<hbm>>, %arg4: memref<32x80x128xi32, #tpu.memory_space<hbm>>, %arg5: memref<2x10240x128xf32, #tpu.memory_space<hbm>>, %arg6: memref<80x128xi32, #tpu.memory_space<vmem>>, %arg7: memref<80x128xi32, #tpu.memory_space<vmem>>, %arg8: memref<128x128xf32, #tpu.memory_space<vmem>>, %arg9: memref<10240x128xf32, #tpu.memory_space<vmem_shared>>) attributes {dimension_semantics = [#tpu.dimension_semantics<core_parallel>, #tpu.dimension_semantics<subcore_parallel>], iteration_bounds = array<i64: 2, 16>, scalar_prefetch = 0 : i64, scratch_operands = 4 : i64, tpu.core_type = #tpu.core_type<sc_vector_subcore>, window_params = [{transform_indices = #map}, {transform_indices = #map1}, {transform_indices = #map1}, {transform_indices = #map1}]} {
    %mul3A = arith.constant 16 : i32
    %mul3A_0 = arith.muli %arg0, %mul3A : i32
    %add3A = arith.addi %mul3A_0, %arg1 : i32
    %broadcast_in_dim3A = arith.constant 0.000000e+00 : f32
    %broadcast_in_dim3A_1 = vector.broadcast %broadcast_in_dim3A : f32 to vector<16xf32>
    %scan3A = arith.constant 0 : i32
    %scan3A_2 = arith.constant 0 : i32
    %scan3A_3 = arith.constant 128 : i32
    %scan3A_4 = arith.addi %scan3A_2, %scan3A_3 : i32
    %scan3A_5 = arith.constant 1 : i32
    %scan3A_6 = scf.for %scan3A_38 = %scan3A_2 to %scan3A_4 step %scan3A_5 iter_args(%scan3A_39 = %scan3A) -> (i32)  : i32 {
      %swap3A = arith.index_cast %scan3A_38 : i32 to index
      %swap3A_40 = arith.constant 0 : index
      %swap3A_41 = tpu.vector_load %arg8[%swap3A, %swap3A_40] {strides = array<i32>} : memref<128x128xf32, #tpu.memory_space<vmem>>, vector<16xf32>,
      tpu.vector_store %arg8[%swap3A, %swap3A_40], %broadcast_in_dim3A_1 {strides = array<i32>} : memref<128x128xf32, #tpu.memory_space<vmem>>, vector<16xf32>,
      %swap3A_42 = arith.index_cast %scan3A_38 : i32 to index
      %swap3A_43 = arith.constant 16 : index
      %swap3A_44 = tpu.vector_load %arg8[%swap3A_42, %swap3A_43] {strides = array<i32>} : memref<128x128xf32, #tpu.memory_space<vmem>>, vector<16xf32>,
      tpu.vector_store %arg8[%swap3A_42, %swap3A_43], %broadcast_in_dim3A_1 {strides = array<i32>} : memref<128x128xf32, #tpu.memory_space<vmem>>, vector<16xf32>,
      %swap3A_45 = arith.index_cast %scan3A_38 : i32 to index
      %swap3A_46 = arith.constant 32 : index
      %swap3A_47 = tpu.vector_load %arg8[%swap3A_45, %swap3A_46] {strides = array<i32>} : memref<128x128xf32, #tpu.memory_space<vmem>>, vector<16xf32>,
      tpu.vector_store %arg8[%swap3A_45, %swap3A_46], %broadcast_in_dim3A_1 {strides = array<i32>} : memref<128x128xf32, #tpu.memory_space<vmem>>, vector<16xf32>,
      %swap3A_48 = arith.index_cast %scan3A_38 : i32 to index
      %swap3A_49 = arith.constant 48 : index
      %swap3A_50 = tpu.vector_load %arg8[%swap3A_48, %swap3A_49] {strides = array<i32>} : memref<128x128xf32, #tpu.memory_space<vmem>>, vector<16xf32>,
      tpu.vector_store %arg8[%swap3A_48, %swap3A_49], %broadcast_in_dim3A_1 {strides = array<i32>} : memref<128x128xf32, #tpu.memory_space<vmem>>, vector<16xf32>,
      %swap3A_51 = arith.index_cast %scan3A_38 : i32 to index
      %swap3A_52 = arith.constant 64 : index
      %swap3A_53 = tpu.vector_load %arg8[%swap3A_51, %swap3A_52] {strides = array<i32>} : memref<128x128xf32, #tpu.memory_space<vmem>>, vector<16xf32>,
      tpu.vector_store %arg8[%swap3A_51, %swap3A_52], %broadcast_in_dim3A_1 {strides = array<i32>} : memref<128x128xf32, #tpu.memory_space<vmem>>, vector<16xf32>,
      %swap3A_54 = arith.index_cast %scan3A_38 : i32 to index
      %swap3A_55 = arith.constant 80 : index
      %swap3A_56 = tpu.vector_load %arg8[%swap3A_54, %swap3A_55] {strides = array<i32>} : memref<128x128xf32, #tpu.memory_space<vmem>>, vector<16xf32>,
      tpu.vector_store %arg8[%swap3A_54, %swap3A_55], %broadcast_in_dim3A_1 {strides = array<i32>} : memref<128x128xf32, #tpu.memory_space<vmem>>, vector<16xf32>,
      %swap3A_57 = arith.index_cast %scan3A_38 : i32 to index
      %swap3A_58 = arith.constant 96 : index
      %swap3A_59 = tpu.vector_load %arg8[%swap3A_57, %swap3A_58] {strides = array<i32>} : memref<128x128xf32, #tpu.memory_space<vmem>>, vector<16xf32>,
      tpu.vector_store %arg8[%swap3A_57, %swap3A_58], %broadcast_in_dim3A_1 {strides = array<i32>} : memref<128x128xf32, #tpu.memory_space<vmem>>, vector<16xf32>,
      %swap3A_60 = arith.index_cast %scan3A_38 : i32 to index
      %swap3A_61 = arith.constant 112 : index
      %swap3A_62 = tpu.vector_load %arg8[%swap3A_60, %swap3A_61] {strides = array<i32>} : memref<128x128xf32, #tpu.memory_space<vmem>>, vector<16xf32>,
      tpu.vector_store %arg8[%swap3A_60, %swap3A_61], %broadcast_in_dim3A_1 {strides = array<i32>} : memref<128x128xf32, #tpu.memory_space<vmem>>, vector<16xf32>,
      %scan3A_63 = arith.constant 0 : i32
      scf.yield %scan3A_63 : i32
    }
    %scan3A_7 = arith.constant 128 : i32
    %mul3A_8 = arith.constant 640 : i32
    %mul3A_9 = arith.muli %arg1, %mul3A_8 : i32
    %add3A_10 = arith.constant 0 : i32
    %add3A_11 = arith.addi %mul3A_9, %add3A_10 : i32
    "tpu.region"() ({
      %run_scoped3A = tpu.sem_alloc : memref<!tpu.dma_semaphore, #tpu.memory_space<semaphore_mem>>
      %dma_start3A = arith.constant 0 : i32
      %dma_start3A_38 = tpu.memref_slice %arg9[%add3A_11, %dma_start3A] : memref<10240x128xf32, #tpu.memory_space<vmem_shared>> -> memref<128x128xf32, #tpu.memory_space<vmem_shared>>
      %dma_start3A_39 = arith.constant 0 : i32
      %dma_start3A_40 = tpu.memref_slice %arg9[%add3A_11, %dma_start3A_39] : memref<10240x128xf32, #tpu.memory_space<vmem_shared>> -> memref<128x128xf32, #tpu.memory_space<vmem_shared>>
      tpu.enqueue_dma source(%arg8 : memref<128x128xf32, #tpu.memory_space<vmem>>) target(%dma_start3A_40 : memref<128x128xf32, #tpu.memory_space<vmem_shared>>) target_semaphore(%run_scoped3A : memref<!tpu.dma_semaphore, #tpu.memory_space<semaphore_mem>>)
      %dma_wait3A = arith.constant 0 : i32
      %dma_wait3A_41 = tpu.memref_slice %arg9[%add3A_11, %dma_wait3A] : memref<10240x128xf32, #tpu.memory_space<vmem_shared>> -> memref<128x128xf32, #tpu.memory_space<vmem_shared>>
      %dma_wait3A_42 = arith.constant 0 : i32
      %dma_wait3A_43 = tpu.memref_slice %arg9[%add3A_11, %dma_wait3A_42] : memref<10240x128xf32, #tpu.memory_space<vmem_shared>> -> memref<128x128xf32, #tpu.memory_space<vmem_shared>>
      tpu.wait_dma2 semaphore(%run_scoped3A : memref<!tpu.dma_semaphore, #tpu.memory_space<semaphore_mem>>) src(%arg8 : memref<128x128xf32, #tpu.memory_space<vmem>>) dst(%dma_wait3A_43 : memref<128x128xf32, #tpu.memory_space<vmem_shared>>)
      tpu.yield
    }) : () -> ()
    %mul3A_12 = arith.constant 640 : i32
    %mul3A_13 = arith.muli %arg1, %mul3A_12 : i32
    %add3A_14 = arith.constant 128 : i32
    %add3A_15 = arith.addi %mul3A_13, %add3A_14 : i32
    "tpu.region"() ({
      %run_scoped3A = tpu.sem_alloc : memref<!tpu.dma_semaphore, #tpu.memory_space<semaphore_mem>>
      %dma_start3A = arith.constant 0 : i32
      %dma_start3A_38 = tpu.memref_slice %arg9[%add3A_15, %dma_start3A] : memref<10240x128xf32, #tpu.memory_space<vmem_shared>> -> memref<128x128xf32, #tpu.memory_space<vmem_shared>>
      %dma_start3A_39 = arith.constant 0 : i32
      %dma_start3A_40 = tpu.memref_slice %arg9[%add3A_15, %dma_start3A_39] : memref<10240x128xf32, #tpu.memory_space<vmem_shared>> -> memref<128x128xf32, #tpu.memory_space<vmem_shared>>
      tpu.enqueue_dma source(%arg8 : memref<128x128xf32, #tpu.memory_space<vmem>>) target(%dma_start3A_40 : memref<128x128xf32, #tpu.memory_space<vmem_shared>>) target_semaphore(%run_scoped3A : memref<!tpu.dma_semaphore, #tpu.memory_space<semaphore_mem>>)
      %dma_wait3A = arith.constant 0 : i32
      %dma_wait3A_41 = tpu.memref_slice %arg9[%add3A_15, %dma_wait3A] : memref<10240x128xf32, #tpu.memory_space<vmem_shared>> -> memref<128x128xf32, #tpu.memory_space<vmem_shared>>
      %dma_wait3A_42 = arith.constant 0 : i32
      %dma_wait3A_43 = tpu.memref_slice %arg9[%add3A_15, %dma_wait3A_42] : memref<10240x128xf32, #tpu.memory_space<vmem_shared>> -> memref<128x128xf32, #tpu.memory_space<vmem_shared>>
      tpu.wait_dma2 semaphore(%run_scoped3A : memref<!tpu.dma_semaphore, #tpu.memory_space<semaphore_mem>>) src(%arg8 : memref<128x128xf32, #tpu.memory_space<vmem>>) dst(%dma_wait3A_43 : memref<128x128xf32, #tpu.memory_space<vmem_shared>>)
      tpu.yield
    }) : () -> ()
    %mul3A_16 = arith.constant 640 : i32
    %mul3A_17 = arith.muli %arg1, %mul3A_16 : i32
    %add3A_18 = arith.constant 256 : i32
    %add3A_19 = arith.addi %mul3A_17, %add3A_18 : i32
    "tpu.region"() ({
      %run_scoped3A = tpu.sem_alloc : memref<!tpu.dma_semaphore, #tpu.memory_space<semaphore_mem>>
      %dma_start3A = arith.constant 0 : i32
      %dma_start3A_38 = tpu.memref_slice %arg9[%add3A_19, %dma_start3A] : memref<10240x128xf32, #tpu.memory_space<vmem_shared>> -> memref<128x128xf32, #tpu.memory_space<vmem_shared>>
      %dma_start3A_39 = arith.constant 0 : i32
      %dma_start3A_40 = tpu.memref_slice %arg9[%add3A_19, %dma_start3A_39] : memref<10240x128xf32, #tpu.memory_space<vmem_shared>> -> memref<128x128xf32, #tpu.memory_space<vmem_shared>>
      tpu.enqueue_dma source(%arg8 : memref<128x128xf32, #tpu.memory_space<vmem>>) target(%dma_start3A_40 : memref<128x128xf32, #tpu.memory_space<vmem_shared>>) target_semaphore(%run_scoped3A : memref<!tpu.dma_semaphore, #tpu.memory_space<semaphore_mem>>)
      %dma_wait3A = arith.constant 0 : i32
      %dma_wait3A_41 = tpu.memref_slice %arg9[%add3A_19, %dma_wait3A] : memref<10240x128xf32, #tpu.memory_space<vmem_shared>> -> memref<128x128xf32, #tpu.memory_space<vmem_shared>>
      %dma_wait3A_42 = arith.constant 0 : i32
      %dma_wait3A_43 = tpu.memref_slice %arg9[%add3A_19, %dma_wait3A_42] : memref<10240x128xf32, #tpu.memory_space<vmem_shared>> -> memref<128x128xf32, #tpu.memory_space<vmem_shared>>
      tpu.wait_dma2 semaphore(%run_scoped3A : memref<!tpu.dma_semaphore, #tpu.memory_space<semaphore_mem>>) src(%arg8 : memref<128x128xf32, #tpu.memory_space<vmem>>) dst(%dma_wait3A_43 : memref<128x128xf32, #tpu.memory_space<vmem_shared>>)
      tpu.yield
    }) : () -> ()
    %mul3A_20 = arith.constant 640 : i32
    %mul3A_21 = arith.muli %arg1, %mul3A_20 : i32
    %add3A_22 = arith.constant 384 : i32
    %add3A_23 = arith.addi %mul3A_21, %add3A_22 : i32
    "tpu.region"() ({
      %run_scoped3A = tpu.sem_alloc : memref<!tpu.dma_semaphore, #tpu.memory_space<semaphore_mem>>
      %dma_start3A = arith.constant 0 : i32
      %dma_start3A_38 = tpu.memref_slice %arg9[%add3A_23, %dma_start3A] : memref<10240x128xf32, #tpu.memory_space<vmem_shared>> -> memref<128x128xf32, #tpu.memory_space<vmem_shared>>
      %dma_start3A_39 = arith.constant 0 : i32
      %dma_start3A_40 = tpu.memref_slice %arg9[%add3A_23, %dma_start3A_39] : memref<10240x128xf32, #tpu.memory_space<vmem_shared>> -> memref<128x128xf32, #tpu.memory_space<vmem_shared>>
      tpu.enqueue_dma source(%arg8 : memref<128x128xf32, #tpu.memory_space<vmem>>) target(%dma_start3A_40 : memref<128x128xf32, #tpu.memory_space<vmem_shared>>) target_semaphore(%run_scoped3A : memref<!tpu.dma_semaphore, #tpu.memory_space<semaphore_mem>>)
      %dma_wait3A = arith.constant 0 : i32
      %dma_wait3A_41 = tpu.memref_slice %arg9[%add3A_23, %dma_wait3A] : memref<10240x128xf32, #tpu.memory_space<vmem_shared>> -> memref<128x128xf32, #tpu.memory_space<vmem_shared>>
      %dma_wait3A_42 = arith.constant 0 : i32
      %dma_wait3A_43 = tpu.memref_slice %arg9[%add3A_23, %dma_wait3A_42] : memref<10240x128xf32, #tpu.memory_space<vmem_shared>> -> memref<128x128xf32, #tpu.memory_space<vmem_shared>>
      tpu.wait_dma2 semaphore(%run_scoped3A : memref<!tpu.dma_semaphore, #tpu.memory_space<semaphore_mem>>) src(%arg8 : memref<128x128xf32, #tpu.memory_space<vmem>>) dst(%dma_wait3A_43 : memref<128x128xf32, #tpu.memory_space<vmem_shared>>)
      tpu.yield
    }) : () -> ()
    %mul3A_24 = arith.constant 640 : i32
    %mul3A_25 = arith.muli %arg1, %mul3A_24 : i32
    %add3A_26 = arith.constant 512 : i32
    %add3A_27 = arith.addi %mul3A_25, %add3A_26 : i32
    "tpu.region"() ({
      %run_scoped3A = tpu.sem_alloc : memref<!tpu.dma_semaphore, #tpu.memory_space<semaphore_mem>>
      %dma_start3A = arith.constant 0 : i32
      %dma_start3A_38 = tpu.memref_slice %arg9[%add3A_27, %dma_start3A] : memref<10240x128xf32, #tpu.memory_space<vmem_shared>> -> memref<128x128xf32, #tpu.memory_space<vmem_shared>>
      %dma_start3A_39 = arith.constant 0 : i32
      %dma_start3A_40 = tpu.memref_slice %arg9[%add3A_27, %dma_start3A_39] : memref<10240x128xf32, #tpu.memory_space<vmem_shared>> -> memref<128x128xf32, #tpu.memory_space<vmem_shared>>
      tpu.enqueue_dma source(%arg8 : memref<128x128xf32, #tpu.memory_space<vmem>>) target(%dma_start3A_40 : memref<128x128xf32, #tpu.memory_space<vmem_shared>>) target_semaphore(%run_scoped3A : memref<!tpu.dma_semaphore, #tpu.memory_space<semaphore_mem>>)
      %dma_wait3A = arith.constant 0 : i32
      %dma_wait3A_41 = tpu.memref_slice %arg9[%add3A_27, %dma_wait3A] : memref<10240x128xf32, #tpu.memory_space<vmem_shared>> -> memref<128x128xf32, #tpu.memory_space<vmem_shared>>
      %dma_wait3A_42 = arith.constant 0 : i32
      %dma_wait3A_43 = tpu.memref_slice %arg9[%add3A_27, %dma_wait3A_42] : memref<10240x128xf32, #tpu.memory_space<vmem_shared>> -> memref<128x128xf32, #tpu.memory_space<vmem_shared>>
      tpu.wait_dma2 semaphore(%run_scoped3A : memref<!tpu.dma_semaphore, #tpu.memory_space<semaphore_mem>>) src(%arg8 : memref<128x128xf32, #tpu.memory_space<vmem>>) dst(%dma_wait3A_43 : memref<128x128xf32, #tpu.memory_space<vmem_shared>>)
      tpu.yield
    }) : () -> ()
    %barrier3A = arith.constant 0 : index
    tpu.barrier barrier_id(%barrier3A)
    "tpu.region"() ({
      %run_scoped3A = tpu.sem_alloc : memref<!tpu.dma_semaphore, #tpu.memory_space<semaphore_mem>>
      %dma_start3A = arith.constant 0 : i32
      %dma_start3A_38 = arith.constant 0 : i32
      %dma_start3A_39 = tpu.memref_slice %arg3[%add3A, %dma_start3A, %dma_start3A_38] : memref<32x80x128xi32, #tpu.memory_space<hbm>> -> memref<1x80x128xi32, #tpu.memory_space<hbm>>
      %dma_start3A_40 = tpu.memref_squeeze %dma_start3A_39 : memref<1x80x128xi32, #tpu.memory_space<hbm>> -> memref<80x128xi32, #tpu.memory_space<hbm>>
      %dma_start3A_41 = arith.constant 0 : i32
      %dma_start3A_42 = arith.constant 0 : i32
      %dma_start3A_43 = tpu.memref_slice %arg3[%add3A, %dma_start3A_41, %dma_start3A_42] : memref<32x80x128xi32, #tpu.memory_space<hbm>> -> memref<1x80x128xi32, #tpu.memory_space<hbm>>
      %dma_start3A_44 = tpu.memref_squeeze %dma_start3A_43 : memref<1x80x128xi32, #tpu.memory_space<hbm>> -> memref<80x128xi32, #tpu.memory_space<hbm>>
      tpu.enqueue_dma source(%dma_start3A_44 : memref<80x128xi32, #tpu.memory_space<hbm>>) target(%arg6 : memref<80x128xi32, #tpu.memory_space<vmem>>) target_semaphore(%run_scoped3A : memref<!tpu.dma_semaphore, #tpu.memory_space<semaphore_mem>>)
      %dma_wait3A = arith.constant 0 : i32
      %dma_wait3A_45 = arith.constant 0 : i32
      %dma_wait3A_46 = tpu.memref_slice %arg3[%add3A, %dma_wait3A, %dma_wait3A_45] : memref<32x80x128xi32, #tpu.memory_space<hbm>> -> memref<1x80x128xi32, #tpu.memory_space<hbm>>
      %dma_wait3A_47 = tpu.memref_squeeze %dma_wait3A_46 : memref<1x80x128xi32, #tpu.memory_space<hbm>> -> memref<80x128xi32, #tpu.memory_space<hbm>>
      %dma_wait3A_48 = arith.constant 0 : i32
      %dma_wait3A_49 = arith.constant 0 : i32
      %dma_wait3A_50 = tpu.memref_slice %arg3[%add3A, %dma_wait3A_48, %dma_wait3A_49] : memref<32x80x128xi32, #tpu.memory_space<hbm>> -> memref<1x80x128xi32, #tpu.memory_space<hbm>>
      %dma_wait3A_51 = tpu.memref_squeeze %dma_wait3A_50 : memref<1x80x128xi32, #tpu.memory_space<hbm>> -> memref<80x128xi32, #tpu.memory_space<hbm>>
      tpu.wait_dma2 semaphore(%run_scoped3A : memref<!tpu.dma_semaphore, #tpu.memory_space<semaphore_mem>>) src(%dma_wait3A_51 : memref<80x128xi32, #tpu.memory_space<hbm>>) dst(%arg6 : memref<80x128xi32, #tpu.memory_space<vmem>>)
      tpu.yield
    }) : () -> ()
    "tpu.region"() ({
      %run_scoped3A = tpu.sem_alloc : memref<!tpu.dma_semaphore, #tpu.memory_space<semaphore_mem>>
      %dma_start3A = arith.constant 0 : i32
      %dma_start3A_38 = arith.constant 0 : i32
      %dma_start3A_39 = tpu.memref_slice %arg4[%add3A, %dma_start3A, %dma_start3A_38] : memref<32x80x128xi32, #tpu.memory_space<hbm>> -> memref<1x80x128xi32, #tpu.memory_space<hbm>>
      %dma_start3A_40 = tpu.memref_squeeze %dma_start3A_39 : memref<1x80x128xi32, #tpu.memory_space<hbm>> -> memref<80x128xi32, #tpu.memory_space<hbm>>
      %dma_start3A_41 = arith.constant 0 : i32
      %dma_start3A_42 = arith.constant 0 : i32
      %dma_start3A_43 = tpu.memref_slice %arg4[%add3A, %dma_start3A_41, %dma_start3A_42] : memref<32x80x128xi32, #tpu.memory_space<hbm>> -> memref<1x80x128xi32, #tpu.memory_space<hbm>>
      %dma_start3A_44 = tpu.memref_squeeze %dma_start3A_43 : memref<1x80x128xi32, #tpu.memory_space<hbm>> -> memref<80x128xi32, #tpu.memory_space<hbm>>
      tpu.enqueue_dma source(%dma_start3A_44 : memref<80x128xi32, #tpu.memory_space<hbm>>) target(%arg7 : memref<80x128xi32, #tpu.memory_space<vmem>>) target_semaphore(%run_scoped3A : memref<!tpu.dma_semaphore, #tpu.memory_space<semaphore_mem>>)
      %dma_wait3A = arith.constant 0 : i32
      %dma_wait3A_45 = arith.constant 0 : i32
      %dma_wait3A_46 = tpu.memref_slice %arg4[%add3A, %dma_wait3A, %dma_wait3A_45] : memref<32x80x128xi32, #tpu.memory_space<hbm>> -> memref<1x80x128xi32, #tpu.memory_space<hbm>>
      %dma_wait3A_47 = tpu.memref_squeeze %dma_wait3A_46 : memref<1x80x128xi32, #tpu.memory_space<hbm>> -> memref<80x128xi32, #tpu.memory_space<hbm>>
      %dma_wait3A_48 = arith.constant 0 : i32
      %dma_wait3A_49 = arith.constant 0 : i32
      %dma_wait3A_50 = tpu.memref_slice %arg4[%add3A, %dma_wait3A_48, %dma_wait3A_49] : memref<32x80x128xi32, #tpu.memory_space<hbm>> -> memref<1x80x128xi32, #tpu.memory_space<hbm>>
      %dma_wait3A_51 = tpu.memref_squeeze %dma_wait3A_50 : memref<1x80x128xi32, #tpu.memory_space<hbm>> -> memref<80x128xi32, #tpu.memory_space<hbm>>
      tpu.wait_dma2 semaphore(%run_scoped3A : memref<!tpu.dma_semaphore, #tpu.memory_space<semaphore_mem>>) src(%dma_wait3A_51 : memref<80x128xi32, #tpu.memory_space<hbm>>) dst(%arg7 : memref<80x128xi32, #tpu.memory_space<vmem>>)
      tpu.yield
    }) : () -> ()
    "tpu.trace_start"() <{level = 10 : i32, message = "edges"}> : () -> ()
    %scan3A_28 = arith.constant 0 : i32
    %scan3A_29 = arith.constant 0 : i32
    %scan3A_30 = arith.constant 80 : i32
    %scan3A_31 = arith.addi %scan3A_29, %scan3A_30 : i32
    %scan3A_32 = arith.constant 1 : i32
    %scan3A_33 = scf.for %scan3A_38 = %scan3A_29 to %scan3A_31 step %scan3A_32 iter_args(%scan3A_39 = %scan3A_28) -> (i32)  : i32 {
      "tpu.region"() ({
        %run_scoped3A = tpu.sem_alloc : memref<!tpu.dma_semaphore, #tpu.memory_space<semaphore_mem>>
        %dma_start3A = arith.constant 0 : i32
        %dma_start3A_41 = tpu.memref_slice %arg6[%scan3A_38, %dma_start3A] : memref<80x128xi32, #tpu.memory_space<vmem>> -> memref<1x128xi32, #tpu.memory_space<vmem>>
        %dma_start3A_42 = tpu.memref_squeeze %dma_start3A_41 : memref<1x128xi32, #tpu.memory_space<vmem>> -> memref<128xi32, #tpu.memory_space<vmem>>
        %dma_start3A_43 = arith.constant 0 : i32
        %dma_start3A_44 = arith.constant 0 : i32
        %dma_start3A_45 = tpu.memref_slice %arg2[%dma_start3A_43, %dma_start3A_44] : memref<10240x128xf32, #tpu.memory_space<hbm>> -> memref<10240x128xf32, #tpu.memory_space<hbm>>
        tpu.enqueue_indirect_dma source(%dma_start3A_45 : memref<10240x128xf32, #tpu.memory_space<hbm>>) target(%arg8 : memref<128x128xf32, #tpu.memory_space<vmem>>) offsets(%dma_start3A_42 : memref<128xi32, #tpu.memory_space<vmem>>) semaphore(%run_scoped3A : memref<!tpu.dma_semaphore, #tpu.memory_space<semaphore_mem>>)
        %dma_wait3A = arith.constant 0 : i32
        %dma_wait3A_46 = tpu.memref_slice %arg6[%scan3A_38, %dma_wait3A] : memref<80x128xi32, #tpu.memory_space<vmem>> -> memref<1x128xi32, #tpu.memory_space<vmem>>
        %dma_wait3A_47 = tpu.memref_squeeze %dma_wait3A_46 : memref<1x128xi32, #tpu.memory_space<vmem>> -> memref<128xi32, #tpu.memory_space<vmem>>
        %dma_wait3A_48 = arith.constant 0 : i32
        %dma_wait3A_49 = arith.constant 0 : i32
        %dma_wait3A_50 = tpu.memref_slice %arg2[%dma_wait3A_48, %dma_wait3A_49] : memref<10240x128xf32, #tpu.memory_space<hbm>> -> memref<10240x128xf32, #tpu.memory_space<hbm>>
        tpu.wait_indirect_dma semaphore(%run_scoped3A : memref<!tpu.dma_semaphore, #tpu.memory_space<semaphore_mem>>) src(%dma_wait3A_50 : memref<10240x128xf32, #tpu.memory_space<hbm>>) dst(%arg8 : memref<128x128xf32, #tpu.memory_space<vmem>>)
        tpu.yield
      }) : () -> ()
      "tpu.region"() ({
        %run_scoped3A = tpu.sem_alloc : memref<!tpu.dma_semaphore, #tpu.memory_space<semaphore_mem>>
        %dma_start3A = arith.constant 0 : i32
        %dma_start3A_41 = tpu.memref_slice %arg7[%scan3A_38, %dma_start3A] : memref<80x128xi32, #tpu.memory_space<vmem>> -> memref<1x128xi32, #tpu.memory_space<vmem>>
        %dma_start3A_42 = tpu.memref_squeeze %dma_start3A_41 : memref<1x128xi32, #tpu.memory_space<vmem>> -> memref<128xi32, #tpu.memory_space<vmem>>
        %dma_start3A_43 = arith.constant 0 : i32
        %dma_start3A_44 = arith.constant 0 : i32
        %dma_start3A_45 = tpu.memref_slice %arg9[%dma_start3A_43, %dma_start3A_44] : memref<10240x128xf32, #tpu.memory_space<vmem_shared>> -> memref<10240x128xf32, #tpu.memory_space<vmem_shared>>
        tpu.enqueue_indirect_dma source(%arg8 : memref<128x128xf32, #tpu.memory_space<vmem>>) target(%dma_start3A_45 : memref<10240x128xf32, #tpu.memory_space<vmem_shared>>) offsets(%dma_start3A_42 : memref<128xi32, #tpu.memory_space<vmem>>) semaphore(%run_scoped3A : memref<!tpu.dma_semaphore, #tpu.memory_space<semaphore_mem>>) {add = true}
        %dma_wait3A = arith.constant 0 : i32
        %dma_wait3A_46 = tpu.memref_slice %arg7[%scan3A_38, %dma_wait3A] : memref<80x128xi32, #tpu.memory_space<vmem>> -> memref<1x128xi32, #tpu.memory_space<vmem>>
        %dma_wait3A_47 = tpu.memref_squeeze %dma_wait3A_46 : memref<1x128xi32, #tpu.memory_space<vmem>> -> memref<128xi32, #tpu.memory_space<vmem>>
        %dma_wait3A_48 = arith.constant 0 : i32
        %dma_wait3A_49 = arith.constant 0 : i32
        %dma_wait3A_50 = tpu.memref_slice %arg9[%dma_wait3A_48, %dma_wait3A_49] : memref<10240x128xf32, #tpu.memory_space<vmem_shared>> -> memref<10240x128xf32, #tpu.memory_space<vmem_shared>>
        tpu.wait_indirect_dma semaphore(%run_scoped3A : memref<!tpu.dma_semaphore, #tpu.memory_space<semaphore_mem>>) src(%arg8 : memref<128x128xf32, #tpu.memory_space<vmem>>) dst(%dma_wait3A_50 : memref<10240x128xf32, #tpu.memory_space<vmem_shared>>)
        tpu.yield
      }) : () -> ()
      %scan3A_40 = arith.constant 0 : i32
      scf.yield %scan3A_40 : i32
    }
    %scan3A_34 = arith.constant 80 : i32
    "tpu.trace_stop"() : () -> ()
    %barrier3A_35 = arith.constant 0 : index
    tpu.barrier barrier_id(%barrier3A_35)
    "tpu.trace_start"() <{level = 10 : i32, message = "copyout"}> : () -> ()
    %mul3A_36 = arith.constant 640 : i32
    %mul3A_37 = arith.muli %arg1, %mul3A_36 : i32
    "tpu.region"() ({
      %run_scoped3A = tpu.sem_alloc : memref<!tpu.dma_semaphore, #tpu.memory_space<semaphore_mem>>
      %dma_start3A = arith.constant 0 : i32
      %dma_start3A_38 = tpu.memref_slice %arg5[%arg0, %mul3A_37, %dma_start3A] : memref<2x10240x128xf32, #tpu.memory_space<hbm>> -> memref<1x640x128xf32, #tpu.memory_space<hbm>>
      %dma_start3A_39 = tpu.memref_squeeze %dma_start3A_38 : memref<1x640x128xf32, #tpu.memory_space<hbm>> -> memref<640x128xf32, #tpu.memory_space<hbm>>
      %dma_start3A_40 = arith.constant 0 : i32
      %dma_start3A_41 = tpu.memref_slice %arg9[%mul3A_37, %dma_start3A_40] : memref<10240x128xf32, #tpu.memory_space<vmem_shared>> -> memref<640x128xf32, #tpu.memory_space<vmem_shared>>
      tpu.enqueue_dma source(%dma_start3A_41 : memref<640x128xf32, #tpu.memory_space<vmem_shared>>) target(%dma_start3A_39 : memref<640x128xf32, #tpu.memory_space<hbm>>) target_semaphore(%run_scoped3A : memref<!tpu.dma_semaphore, #tpu.memory_space<semaphore_mem>>)
      %dma_wait3A = arith.constant 0 : i32
      %dma_wait3A_42 = tpu.memref_slice %arg5[%arg0, %mul3A_37, %dma_wait3A] : memref<2x10240x128xf32, #tpu.memory_space<hbm>> -> memref<1x640x128xf32, #tpu.memory_space<hbm>>
      %dma_wait3A_43 = tpu.memref_squeeze %dma_wait3A_42 : memref<1x640x128xf32, #tpu.memory_space<hbm>> -> memref<640x128xf32, #tpu.memory_space<hbm>>
      %dma_wait3A_44 = arith.constant 0 : i32
      %dma_wait3A_45 = tpu.memref_slice %arg9[%mul3A_37, %dma_wait3A_44] : memref<10240x128xf32, #tpu.memory_space<vmem_shared>> -> memref<640x128xf32, #tpu.memory_space<vmem_shared>>
      tpu.wait_dma2 semaphore(%run_scoped3A : memref<!tpu.dma_semaphore, #tpu.memory_space<semaphore_mem>>) src(%dma_wait3A_45 : memref<640x128xf32, #tpu.memory_space<vmem_shared>>) dst(%dma_wait3A_43 : memref<640x128xf32, #tpu.memory_space<hbm>>)
      tpu.yield
    }) : () -> ()
    "tpu.trace_stop"() : () -> ()
    return
  }
}

#map = affine_map<(d0, d1) -> (0, 0)>
#map1 = affine_map<(d0, d1) -> (0, 0, 0)>
module attributes {stable_mosaic.version = 14 : i64} {
  func.func @_sc_scatter(%arg0: i32, %arg1: i32, %arg2: memref<10240x128xf32, #tpu.memory_space<hbm>>, %arg3: memref<32x80x128xi32, #tpu.memory_space<hbm>>, %arg4: memref<32x80x128xi32, #tpu.memory_space<hbm>>, %arg5: memref<2x10240x128xf32, #tpu.memory_space<hbm>>, %arg6: memref<80x128xi32, #tpu.memory_space<vmem>>, %arg7: memref<80x128xi32, #tpu.memory_space<vmem>>, %arg8: memref<128x128xf32, #tpu.memory_space<vmem>>, %arg9: memref<10240x128xf32, #tpu.memory_space<vmem_shared>>) attributes {dimension_semantics = [#tpu.dimension_semantics<core_parallel>, #tpu.dimension_semantics<subcore_parallel>], iteration_bounds = array<i64: 2, 16>, scalar_prefetch = 0 : i64, scratch_operands = 4 : i64, tpu.core_type = #tpu.core_type<sc_vector_subcore>, window_params = [{transform_indices = #map}, {transform_indices = #map1}, {transform_indices = #map1}, {transform_indices = #map1}]} {
    %mul3A = arith.constant 16 : i32
    %mul3A_0 = arith.muli %arg0, %mul3A : i32
    %add3A = arith.addi %mul3A_0, %arg1 : i32
    %broadcast_in_dim3A = arith.constant 0.000000e+00 : f32
    %broadcast_in_dim3A_1 = vector.broadcast %broadcast_in_dim3A : f32 to vector<16xf32>
    %scan3A = arith.constant 0 : i32
    %scan3A_2 = arith.constant 0 : i32
    %scan3A_3 = arith.constant 128 : i32
    %scan3A_4 = arith.addi %scan3A_2, %scan3A_3 : i32
    %scan3A_5 = arith.constant 1 : i32
    %scan3A_6 = scf.for %scan3A_38 = %scan3A_2 to %scan3A_4 step %scan3A_5 iter_args(%scan3A_39 = %scan3A) -> (i32)  : i32 {
      %swap3A = arith.index_cast %scan3A_38 : i32 to index
      %swap3A_40 = arith.constant 0 : index
      %swap3A_41 = tpu.vector_load %arg8[%swap3A, %swap3A_40] {strides = array<i32>} : memref<128x128xf32, #tpu.memory_space<vmem>>, vector<16xf32>,
      tpu.vector_store %arg8[%swap3A, %swap3A_40], %broadcast_in_dim3A_1 {strides = array<i32>} : memref<128x128xf32, #tpu.memory_space<vmem>>, vector<16xf32>,
      %swap3A_42 = arith.index_cast %scan3A_38 : i32 to index
      %swap3A_43 = arith.constant 16 : index
      %swap3A_44 = tpu.vector_load %arg8[%swap3A_42, %swap3A_43] {strides = array<i32>} : memref<128x128xf32, #tpu.memory_space<vmem>>, vector<16xf32>,
      tpu.vector_store %arg8[%swap3A_42, %swap3A_43], %broadcast_in_dim3A_1 {strides = array<i32>} : memref<128x128xf32, #tpu.memory_space<vmem>>, vector<16xf32>,
      %swap3A_45 = arith.index_cast %scan3A_38 : i32 to index
      %swap3A_46 = arith.constant 32 : index
      %swap3A_47 = tpu.vector_load %arg8[%swap3A_45, %swap3A_46] {strides = array<i32>} : memref<128x128xf32, #tpu.memory_space<vmem>>, vector<16xf32>,
      tpu.vector_store %arg8[%swap3A_45, %swap3A_46], %broadcast_in_dim3A_1 {strides = array<i32>} : memref<128x128xf32, #tpu.memory_space<vmem>>, vector<16xf32>,
      %swap3A_48 = arith.index_cast %scan3A_38 : i32 to index
      %swap3A_49 = arith.constant 48 : index
      %swap3A_50 = tpu.vector_load %arg8[%swap3A_48, %swap3A_49] {strides = array<i32>} : memref<128x128xf32, #tpu.memory_space<vmem>>, vector<16xf32>,
      tpu.vector_store %arg8[%swap3A_48, %swap3A_49], %broadcast_in_dim3A_1 {strides = array<i32>} : memref<128x128xf32, #tpu.memory_space<vmem>>, vector<16xf32>,
      %swap3A_51 = arith.index_cast %scan3A_38 : i32 to index
      %swap3A_52 = arith.constant 64 : index
      %swap3A_53 = tpu.vector_load %arg8[%swap3A_51, %swap3A_52] {strides = array<i32>} : memref<128x128xf32, #tpu.memory_space<vmem>>, vector<16xf32>,
      tpu.vector_store %arg8[%swap3A_51, %swap3A_52], %broadcast_in_dim3A_1 {strides = array<i32>} : memref<128x128xf32, #tpu.memory_space<vmem>>, vector<16xf32>,
      %swap3A_54 = arith.index_cast %scan3A_38 : i32 to index
      %swap3A_55 = arith.constant 80 : index
      %swap3A_56 = tpu.vector_load %arg8[%swap3A_54, %swap3A_55] {strides = array<i32>} : memref<128x128xf32, #tpu.memory_space<vmem>>, vector<16xf32>,
      tpu.vector_store %arg8[%swap3A_54, %swap3A_55], %broadcast_in_dim3A_1 {strides = array<i32>} : memref<128x128xf32, #tpu.memory_space<vmem>>, vector<16xf32>,
      %swap3A_57 = arith.index_cast %scan3A_38 : i32 to index
      %swap3A_58 = arith.constant 96 : index
      %swap3A_59 = tpu.vector_load %arg8[%swap3A_57, %swap3A_58] {strides = array<i32>} : memref<128x128xf32, #tpu.memory_space<vmem>>, vector<16xf32>,
      tpu.vector_store %arg8[%swap3A_57, %swap3A_58], %broadcast_in_dim3A_1 {strides = array<i32>} : memref<128x128xf32, #tpu.memory_space<vmem>>, vector<16xf32>,
      %swap3A_60 = arith.index_cast %scan3A_38 : i32 to index
      %swap3A_61 = arith.constant 112 : index
      %swap3A_62 = tpu.vector_load %arg8[%swap3A_60, %swap3A_61] {strides = array<i32>} : memref<128x128xf32, #tpu.memory_space<vmem>>, vector<16xf32>,
      tpu.vector_store %arg8[%swap3A_60, %swap3A_61], %broadcast_in_dim3A_1 {strides = array<i32>} : memref<128x128xf32, #tpu.memory_space<vmem>>, vector<16xf32>,
      %scan3A_63 = arith.constant 0 : i32
      scf.yield %scan3A_63 : i32
    }
    %scan3A_7 = arith.constant 128 : i32
    %mul3A_8 = arith.constant 640 : i32
    %mul3A_9 = arith.muli %arg1, %mul3A_8 : i32
    %add3A_10 = arith.constant 0 : i32
    %add3A_11 = arith.addi %mul3A_9, %add3A_10 : i32
    "tpu.region"() ({
      %run_scoped3A = tpu.sem_alloc : memref<!tpu.dma_semaphore, #tpu.memory_space<semaphore_mem>>
      %dma_start3A = arith.constant 0 : i32
      %dma_start3A_38 = tpu.memref_slice %arg9[%add3A_11, %dma_start3A] : memref<10240x128xf32, #tpu.memory_space<vmem_shared>> -> memref<128x128xf32, #tpu.memory_space<vmem_shared>>
      %dma_start3A_39 = arith.constant 0 : i32
      %dma_start3A_40 = tpu.memref_slice %arg9[%add3A_11, %dma_start3A_39] : memref<10240x128xf32, #tpu.memory_space<vmem_shared>> -> memref<128x128xf32, #tpu.memory_space<vmem_shared>>
      tpu.enqueue_dma source(%arg8 : memref<128x128xf32, #tpu.memory_space<vmem>>) target(%dma_start3A_40 : memref<128x128xf32, #tpu.memory_space<vmem_shared>>) target_semaphore(%run_scoped3A : memref<!tpu.dma_semaphore, #tpu.memory_space<semaphore_mem>>)
      %dma_wait3A = arith.constant 0 : i32
      %dma_wait3A_41 = tpu.memref_slice %arg9[%add3A_11, %dma_wait3A] : memref<10240x128xf32, #tpu.memory_space<vmem_shared>> -> memref<128x128xf32, #tpu.memory_space<vmem_shared>>
      %dma_wait3A_42 = arith.constant 0 : i32
      %dma_wait3A_43 = tpu.memref_slice %arg9[%add3A_11, %dma_wait3A_42] : memref<10240x128xf32, #tpu.memory_space<vmem_shared>> -> memref<128x128xf32, #tpu.memory_space<vmem_shared>>
      tpu.wait_dma2 semaphore(%run_scoped3A : memref<!tpu.dma_semaphore, #tpu.memory_space<semaphore_mem>>) src(%arg8 : memref<128x128xf32, #tpu.memory_space<vmem>>) dst(%dma_wait3A_43 : memref<128x128xf32, #tpu.memory_space<vmem_shared>>)
      tpu.yield
    }) : () -> ()
    %mul3A_12 = arith.constant 640 : i32
    %mul3A_13 = arith.muli %arg1, %mul3A_12 : i32
    %add3A_14 = arith.constant 128 : i32
    %add3A_15 = arith.addi %mul3A_13, %add3A_14 : i32
    "tpu.region"() ({
      %run_scoped3A = tpu.sem_alloc : memref<!tpu.dma_semaphore, #tpu.memory_space<semaphore_mem>>
      %dma_start3A = arith.constant 0 : i32
      %dma_start3A_38 = tpu.memref_slice %arg9[%add3A_15, %dma_start3A] : memref<10240x128xf32, #tpu.memory_space<vmem_shared>> -> memref<128x128xf32, #tpu.memory_space<vmem_shared>>
      %dma_start3A_39 = arith.constant 0 : i32
      %dma_start3A_40 = tpu.memref_slice %arg9[%add3A_15, %dma_start3A_39] : memref<10240x128xf32, #tpu.memory_space<vmem_shared>> -> memref<128x128xf32, #tpu.memory_space<vmem_shared>>
      tpu.enqueue_dma source(%arg8 : memref<128x128xf32, #tpu.memory_space<vmem>>) target(%dma_start3A_40 : memref<128x128xf32, #tpu.memory_space<vmem_shared>>) target_semaphore(%run_scoped3A : memref<!tpu.dma_semaphore, #tpu.memory_space<semaphore_mem>>)
      %dma_wait3A = arith.constant 0 : i32
      %dma_wait3A_41 = tpu.memref_slice %arg9[%add3A_15, %dma_wait3A] : memref<10240x128xf32, #tpu.memory_space<vmem_shared>> -> memref<128x128xf32, #tpu.memory_space<vmem_shared>>
      %dma_wait3A_42 = arith.constant 0 : i32
      %dma_wait3A_43 = tpu.memref_slice %arg9[%add3A_15, %dma_wait3A_42] : memref<10240x128xf32, #tpu.memory_space<vmem_shared>> -> memref<128x128xf32, #tpu.memory_space<vmem_shared>>
      tpu.wait_dma2 semaphore(%run_scoped3A : memref<!tpu.dma_semaphore, #tpu.memory_space<semaphore_mem>>) src(%arg8 : memref<128x128xf32, #tpu.memory_space<vmem>>) dst(%dma_wait3A_43 : memref<128x128xf32, #tpu.memory_space<vmem_shared>>)
      tpu.yield
    }) : () -> ()
    %mul3A_16 = arith.constant 640 : i32
    %mul3A_17 = arith.muli %arg1, %mul3A_16 : i32
    %add3A_18 = arith.constant 256 : i32
    %add3A_19 = arith.addi %mul3A_17, %add3A_18 : i32
    "tpu.region"() ({
      %run_scoped3A = tpu.sem_alloc : memref<!tpu.dma_semaphore, #tpu.memory_space<semaphore_mem>>
      %dma_start3A = arith.constant 0 : i32
      %dma_start3A_38 = tpu.memref_slice %arg9[%add3A_19, %dma_start3A] : memref<10240x128xf32, #tpu.memory_space<vmem_shared>> -> memref<128x128xf32, #tpu.memory_space<vmem_shared>>
      %dma_start3A_39 = arith.constant 0 : i32
      %dma_start3A_40 = tpu.memref_slice %arg9[%add3A_19, %dma_start3A_39] : memref<10240x128xf32, #tpu.memory_space<vmem_shared>> -> memref<128x128xf32, #tpu.memory_space<vmem_shared>>
      tpu.enqueue_dma source(%arg8 : memref<128x128xf32, #tpu.memory_space<vmem>>) target(%dma_start3A_40 : memref<128x128xf32, #tpu.memory_space<vmem_shared>>) target_semaphore(%run_scoped3A : memref<!tpu.dma_semaphore, #tpu.memory_space<semaphore_mem>>)
      %dma_wait3A = arith.constant 0 : i32
      %dma_wait3A_41 = tpu.memref_slice %arg9[%add3A_19, %dma_wait3A] : memref<10240x128xf32, #tpu.memory_space<vmem_shared>> -> memref<128x128xf32, #tpu.memory_space<vmem_shared>>
      %dma_wait3A_42 = arith.constant 0 : i32
      %dma_wait3A_43 = tpu.memref_slice %arg9[%add3A_19, %dma_wait3A_42] : memref<10240x128xf32, #tpu.memory_space<vmem_shared>> -> memref<128x128xf32, #tpu.memory_space<vmem_shared>>
      tpu.wait_dma2 semaphore(%run_scoped3A : memref<!tpu.dma_semaphore, #tpu.memory_space<semaphore_mem>>) src(%arg8 : memref<128x128xf32, #tpu.memory_space<vmem>>) dst(%dma_wait3A_43 : memref<128x128xf32, #tpu.memory_space<vmem_shared>>)
      tpu.yield
    }) : () -> ()
    %mul3A_20 = arith.constant 640 : i32
    %mul3A_21 = arith.muli %arg1, %mul3A_20 : i32
    %add3A_22 = arith.constant 384 : i32
    %add3A_23 = arith.addi %mul3A_21, %add3A_22 : i32
    "tpu.region"() ({
      %run_scoped3A = tpu.sem_alloc : memref<!tpu.dma_semaphore, #tpu.memory_space<semaphore_mem>>
      %dma_start3A = arith.constant 0 : i32
      %dma_start3A_38 = tpu.memref_slice %arg9[%add3A_23, %dma_start3A] : memref<10240x128xf32, #tpu.memory_space<vmem_shared>> -> memref<128x128xf32, #tpu.memory_space<vmem_shared>>
      %dma_start3A_39 = arith.constant 0 : i32
      %dma_start3A_40 = tpu.memref_slice %arg9[%add3A_23, %dma_start3A_39] : memref<10240x128xf32, #tpu.memory_space<vmem_shared>> -> memref<128x128xf32, #tpu.memory_space<vmem_shared>>
      tpu.enqueue_dma source(%arg8 : memref<128x128xf32, #tpu.memory_space<vmem>>) target(%dma_start3A_40 : memref<128x128xf32, #tpu.memory_space<vmem_shared>>) target_semaphore(%run_scoped3A : memref<!tpu.dma_semaphore, #tpu.memory_space<semaphore_mem>>)
      %dma_wait3A = arith.constant 0 : i32
      %dma_wait3A_41 = tpu.memref_slice %arg9[%add3A_23, %dma_wait3A] : memref<10240x128xf32, #tpu.memory_space<vmem_shared>> -> memref<128x128xf32, #tpu.memory_space<vmem_shared>>
      %dma_wait3A_42 = arith.constant 0 : i32
      %dma_wait3A_43 = tpu.memref_slice %arg9[%add3A_23, %dma_wait3A_42] : memref<10240x128xf32, #tpu.memory_space<vmem_shared>> -> memref<128x128xf32, #tpu.memory_space<vmem_shared>>
      tpu.wait_dma2 semaphore(%run_scoped3A : memref<!tpu.dma_semaphore, #tpu.memory_space<semaphore_mem>>) src(%arg8 : memref<128x128xf32, #tpu.memory_space<vmem>>) dst(%dma_wait3A_43 : memref<128x128xf32, #tpu.memory_space<vmem_shared>>)
      tpu.yield
    }) : () -> ()
    %mul3A_24 = arith.constant 640 : i32
    %mul3A_25 = arith.muli %arg1, %mul3A_24 : i32
    %add3A_26 = arith.constant 512 : i32
    %add3A_27 = arith.addi %mul3A_25, %add3A_26 : i32
    "tpu.region"() ({
      %run_scoped3A = tpu.sem_alloc : memref<!tpu.dma_semaphore, #tpu.memory_space<semaphore_mem>>
      %dma_start3A = arith.constant 0 : i32
      %dma_start3A_38 = tpu.memref_slice %arg9[%add3A_27, %dma_start3A] : memref<10240x128xf32, #tpu.memory_space<vmem_shared>> -> memref<128x128xf32, #tpu.memory_space<vmem_shared>>
      %dma_start3A_39 = arith.constant 0 : i32
      %dma_start3A_40 = tpu.memref_slice %arg9[%add3A_27, %dma_start3A_39] : memref<10240x128xf32, #tpu.memory_space<vmem_shared>> -> memref<128x128xf32, #tpu.memory_space<vmem_shared>>
      tpu.enqueue_dma source(%arg8 : memref<128x128xf32, #tpu.memory_space<vmem>>) target(%dma_start3A_40 : memref<128x128xf32, #tpu.memory_space<vmem_shared>>) target_semaphore(%run_scoped3A : memref<!tpu.dma_semaphore, #tpu.memory_space<semaphore_mem>>)
      %dma_wait3A = arith.constant 0 : i32
      %dma_wait3A_41 = tpu.memref_slice %arg9[%add3A_27, %dma_wait3A] : memref<10240x128xf32, #tpu.memory_space<vmem_shared>> -> memref<128x128xf32, #tpu.memory_space<vmem_shared>>
      %dma_wait3A_42 = arith.constant 0 : i32
      %dma_wait3A_43 = tpu.memref_slice %arg9[%add3A_27, %dma_wait3A_42] : memref<10240x128xf32, #tpu.memory_space<vmem_shared>> -> memref<128x128xf32, #tpu.memory_space<vmem_shared>>
      tpu.wait_dma2 semaphore(%run_scoped3A : memref<!tpu.dma_semaphore, #tpu.memory_space<semaphore_mem>>) src(%arg8 : memref<128x128xf32, #tpu.memory_space<vmem>>) dst(%dma_wait3A_43 : memref<128x128xf32, #tpu.memory_space<vmem_shared>>)
      tpu.yield
    }) : () -> ()
    %barrier3A = arith.constant 0 : index
    tpu.barrier barrier_id(%barrier3A)
    "tpu.region"() ({
      %run_scoped3A = tpu.sem_alloc : memref<!tpu.dma_semaphore, #tpu.memory_space<semaphore_mem>>
      %dma_start3A = arith.constant 0 : i32
      %dma_start3A_38 = arith.constant 0 : i32
      %dma_start3A_39 = tpu.memref_slice %arg3[%add3A, %dma_start3A, %dma_start3A_38] : memref<32x80x128xi32, #tpu.memory_space<hbm>> -> memref<1x80x128xi32, #tpu.memory_space<hbm>>
      %dma_start3A_40 = tpu.memref_squeeze %dma_start3A_39 : memref<1x80x128xi32, #tpu.memory_space<hbm>> -> memref<80x128xi32, #tpu.memory_space<hbm>>
      %dma_start3A_41 = arith.constant 0 : i32
      %dma_start3A_42 = arith.constant 0 : i32
      %dma_start3A_43 = tpu.memref_slice %arg3[%add3A, %dma_start3A_41, %dma_start3A_42] : memref<32x80x128xi32, #tpu.memory_space<hbm>> -> memref<1x80x128xi32, #tpu.memory_space<hbm>>
      %dma_start3A_44 = tpu.memref_squeeze %dma_start3A_43 : memref<1x80x128xi32, #tpu.memory_space<hbm>> -> memref<80x128xi32, #tpu.memory_space<hbm>>
      tpu.enqueue_dma source(%dma_start3A_44 : memref<80x128xi32, #tpu.memory_space<hbm>>) target(%arg6 : memref<80x128xi32, #tpu.memory_space<vmem>>) target_semaphore(%run_scoped3A : memref<!tpu.dma_semaphore, #tpu.memory_space<semaphore_mem>>)
      %dma_wait3A = arith.constant 0 : i32
      %dma_wait3A_45 = arith.constant 0 : i32
      %dma_wait3A_46 = tpu.memref_slice %arg3[%add3A, %dma_wait3A, %dma_wait3A_45] : memref<32x80x128xi32, #tpu.memory_space<hbm>> -> memref<1x80x128xi32, #tpu.memory_space<hbm>>
      %dma_wait3A_47 = tpu.memref_squeeze %dma_wait3A_46 : memref<1x80x128xi32, #tpu.memory_space<hbm>> -> memref<80x128xi32, #tpu.memory_space<hbm>>
      %dma_wait3A_48 = arith.constant 0 : i32
      %dma_wait3A_49 = arith.constant 0 : i32
      %dma_wait3A_50 = tpu.memref_slice %arg3[%add3A, %dma_wait3A_48, %dma_wait3A_49] : memref<32x80x128xi32, #tpu.memory_space<hbm>> -> memref<1x80x128xi32, #tpu.memory_space<hbm>>
      %dma_wait3A_51 = tpu.memref_squeeze %dma_wait3A_50 : memref<1x80x128xi32, #tpu.memory_space<hbm>> -> memref<80x128xi32, #tpu.memory_space<hbm>>
      tpu.wait_dma2 semaphore(%run_scoped3A : memref<!tpu.dma_semaphore, #tpu.memory_space<semaphore_mem>>) src(%dma_wait3A_51 : memref<80x128xi32, #tpu.memory_space<hbm>>) dst(%arg6 : memref<80x128xi32, #tpu.memory_space<vmem>>)
      tpu.yield
    }) : () -> ()
    "tpu.region"() ({
      %run_scoped3A = tpu.sem_alloc : memref<!tpu.dma_semaphore, #tpu.memory_space<semaphore_mem>>
      %dma_start3A = arith.constant 0 : i32
      %dma_start3A_38 = arith.constant 0 : i32
      %dma_start3A_39 = tpu.memref_slice %arg4[%add3A, %dma_start3A, %dma_start3A_38] : memref<32x80x128xi32, #tpu.memory_space<hbm>> -> memref<1x80x128xi32, #tpu.memory_space<hbm>>
      %dma_start3A_40 = tpu.memref_squeeze %dma_start3A_39 : memref<1x80x128xi32, #tpu.memory_space<hbm>> -> memref<80x128xi32, #tpu.memory_space<hbm>>
      %dma_start3A_41 = arith.constant 0 : i32
      %dma_start3A_42 = arith.constant 0 : i32
      %dma_start3A_43 = tpu.memref_slice %arg4[%add3A, %dma_start3A_41, %dma_start3A_42] : memref<32x80x128xi32, #tpu.memory_space<hbm>> -> memref<1x80x128xi32, #tpu.memory_space<hbm>>
      %dma_start3A_44 = tpu.memref_squeeze %dma_start3A_43 : memref<1x80x128xi32, #tpu.memory_space<hbm>> -> memref<80x128xi32, #tpu.memory_space<hbm>>
      tpu.enqueue_dma source(%dma_start3A_44 : memref<80x128xi32, #tpu.memory_space<hbm>>) target(%arg7 : memref<80x128xi32, #tpu.memory_space<vmem>>) target_semaphore(%run_scoped3A : memref<!tpu.dma_semaphore, #tpu.memory_space<semaphore_mem>>)
      %dma_wait3A = arith.constant 0 : i32
      %dma_wait3A_45 = arith.constant 0 : i32
      %dma_wait3A_46 = tpu.memref_slice %arg4[%add3A, %dma_wait3A, %dma_wait3A_45] : memref<32x80x128xi32, #tpu.memory_space<hbm>> -> memref<1x80x128xi32, #tpu.memory_space<hbm>>
      %dma_wait3A_47 = tpu.memref_squeeze %dma_wait3A_46 : memref<1x80x128xi32, #tpu.memory_space<hbm>> -> memref<80x128xi32, #tpu.memory_space<hbm>>
      %dma_wait3A_48 = arith.constant 0 : i32
      %dma_wait3A_49 = arith.constant 0 : i32
      %dma_wait3A_50 = tpu.memref_slice %arg4[%add3A, %dma_wait3A_48, %dma_wait3A_49] : memref<32x80x128xi32, #tpu.memory_space<hbm>> -> memref<1x80x128xi32, #tpu.memory_space<hbm>>
      %dma_wait3A_51 = tpu.memref_squeeze %dma_wait3A_50 : memref<1x80x128xi32, #tpu.memory_space<hbm>> -> memref<80x128xi32, #tpu.memory_space<hbm>>
      tpu.wait_dma2 semaphore(%run_scoped3A : memref<!tpu.dma_semaphore, #tpu.memory_space<semaphore_mem>>) src(%dma_wait3A_51 : memref<80x128xi32, #tpu.memory_space<hbm>>) dst(%arg7 : memref<80x128xi32, #tpu.memory_space<vmem>>)
      tpu.yield
    }) : () -> ()
    "tpu.trace_start"() <{level = 10 : i32, message = "edges"}> : () -> ()
    %scan3A_28 = arith.constant 0 : i32
    %scan3A_29 = arith.constant 0 : i32
    %scan3A_30 = arith.constant 80 : i32
    %scan3A_31 = arith.addi %scan3A_29, %scan3A_30 : i32
    %scan3A_32 = arith.constant 1 : i32
    %scan3A_33 = scf.for %scan3A_38 = %scan3A_29 to %scan3A_31 step %scan3A_32 iter_args(%scan3A_39 = %scan3A_28) -> (i32)  : i32 {
      "tpu.region"() ({
        %run_scoped3A = tpu.sem_alloc : memref<!tpu.dma_semaphore, #tpu.memory_space<semaphore_mem>>
        %dma_start3A = arith.constant 0 : i32
        %dma_start3A_41 = tpu.memref_slice %arg6[%scan3A_38, %dma_start3A] : memref<80x128xi32, #tpu.memory_space<vmem>> -> memref<1x128xi32, #tpu.memory_space<vmem>>
        %dma_start3A_42 = tpu.memref_squeeze %dma_start3A_41 : memref<1x128xi32, #tpu.memory_space<vmem>> -> memref<128xi32, #tpu.memory_space<vmem>>
        %dma_start3A_43 = arith.constant 0 : i32
        %dma_start3A_44 = arith.constant 0 : i32
        %dma_start3A_45 = tpu.memref_slice %arg2[%dma_start3A_43, %dma_start3A_44] : memref<10240x128xf32, #tpu.memory_space<hbm>> -> memref<10240x128xf32, #tpu.memory_space<hbm>>
        tpu.enqueue_indirect_dma source(%dma_start3A_45 : memref<10240x128xf32, #tpu.memory_space<hbm>>) target(%arg8 : memref<128x128xf32, #tpu.memory_space<vmem>>) offsets(%dma_start3A_42 : memref<128xi32, #tpu.memory_space<vmem>>) semaphore(%run_scoped3A : memref<!tpu.dma_semaphore, #tpu.memory_space<semaphore_mem>>)
        %dma_wait3A = arith.constant 0 : i32
        %dma_wait3A_46 = tpu.memref_slice %arg6[%scan3A_38, %dma_wait3A] : memref<80x128xi32, #tpu.memory_space<vmem>> -> memref<1x128xi32, #tpu.memory_space<vmem>>
        %dma_wait3A_47 = tpu.memref_squeeze %dma_wait3A_46 : memref<1x128xi32, #tpu.memory_space<vmem>> -> memref<128xi32, #tpu.memory_space<vmem>>
        %dma_wait3A_48 = arith.constant 0 : i32
        %dma_wait3A_49 = arith.constant 0 : i32
        %dma_wait3A_50 = tpu.memref_slice %arg2[%dma_wait3A_48, %dma_wait3A_49] : memref<10240x128xf32, #tpu.memory_space<hbm>> -> memref<10240x128xf32, #tpu.memory_space<hbm>>
        tpu.wait_indirect_dma semaphore(%run_scoped3A : memref<!tpu.dma_semaphore, #tpu.memory_space<semaphore_mem>>) src(%dma_wait3A_50 : memref<10240x128xf32, #tpu.memory_space<hbm>>) dst(%arg8 : memref<128x128xf32, #tpu.memory_space<vmem>>)
        tpu.yield
      }) : () -> ()
      "tpu.region"() ({
        %run_scoped3A = tpu.sem_alloc : memref<!tpu.dma_semaphore, #tpu.memory_space<semaphore_mem>>
        %dma_start3A = arith.constant 0 : i32
        %dma_start3A_41 = tpu.memref_slice %arg7[%scan3A_38, %dma_start3A] : memref<80x128xi32, #tpu.memory_space<vmem>> -> memref<1x128xi32, #tpu.memory_space<vmem>>
        %dma_start3A_42 = tpu.memref_squeeze %dma_start3A_41 : memref<1x128xi32, #tpu.memory_space<vmem>> -> memref<128xi32, #tpu.memory_space<vmem>>
        %dma_start3A_43 = arith.constant 0 : i32
        %dma_start3A_44 = arith.constant 0 : i32
        %dma_start3A_45 = tpu.memref_slice %arg9[%dma_start3A_43, %dma_start3A_44] : memref<10240x128xf32, #tpu.memory_space<vmem_shared>> -> memref<10240x128xf32, #tpu.memory_space<vmem_shared>>
        tpu.enqueue_indirect_dma source(%arg8 : memref<128x128xf32, #tpu.memory_space<vmem>>) target(%dma_start3A_45 : memref<10240x128xf32, #tpu.memory_space<vmem_shared>>) offsets(%dma_start3A_42 : memref<128xi32, #tpu.memory_space<vmem>>) semaphore(%run_scoped3A : memref<!tpu.dma_semaphore, #tpu.memory_space<semaphore_mem>>) {add = true}
        %dma_wait3A = arith.constant 0 : i32
        %dma_wait3A_46 = tpu.memref_slice %arg7[%scan3A_38, %dma_wait3A] : memref<80x128xi32, #tpu.memory_space<vmem>> -> memref<1x128xi32, #tpu.memory_space<vmem>>
        %dma_wait3A_47 = tpu.memref_squeeze %dma_wait3A_46 : memref<1x128xi32, #tpu.memory_space<vmem>> -> memref<128xi32, #tpu.memory_space<vmem>>
        %dma_wait3A_48 = arith.constant 0 : i32
        %dma_wait3A_49 = arith.constant 0 : i32
        %dma_wait3A_50 = tpu.memref_slice %arg9[%dma_wait3A_48, %dma_wait3A_49] : memref<10240x128xf32, #tpu.memory_space<vmem_shared>> -> memref<10240x128xf32, #tpu.memory_space<vmem_shared>>
        tpu.wait_indirect_dma semaphore(%run_scoped3A : memref<!tpu.dma_semaphore, #tpu.memory_space<semaphore_mem>>) src(%arg8 : memref<128x128xf32, #tpu.memory_space<vmem>>) dst(%dma_wait3A_50 : memref<10240x128xf32, #tpu.memory_space<vmem_shared>>)
        tpu.yield
      }) : () -> ()
      %scan3A_40 = arith.constant 0 : i32
      scf.yield %scan3A_40 : i32
    }
    %scan3A_34 = arith.constant 80 : i32
    "tpu.trace_stop"() : () -> ()
    %barrier3A_35 = arith.constant 0 : index
    tpu.barrier barrier_id(%barrier3A_35)
    "tpu.trace_start"() <{level = 10 : i32, message = "copyout"}> : () -> ()
    %mul3A_36 = arith.constant 640 : i32
    %mul3A_37 = arith.muli %arg1, %mul3A_36 : i32
    "tpu.region"() ({
      %run_scoped3A = tpu.sem_alloc : memref<!tpu.dma_semaphore, #tpu.memory_space<semaphore_mem>>
      %dma_start3A = arith.constant 0 : i32
      %dma_start3A_38 = tpu.memref_slice %arg5[%arg0, %mul3A_37, %dma_start3A] : memref<2x10240x128xf32, #tpu.memory_space<hbm>> -> memref<1x640x128xf32, #tpu.memory_space<hbm>>
      %dma_start3A_39 = tpu.memref_squeeze %dma_start3A_38 : memref<1x640x128xf32, #tpu.memory_space<hbm>> -> memref<640x128xf32, #tpu.memory_space<hbm>>
      %dma_start3A_40 = arith.constant 0 : i32
      %dma_start3A_41 = tpu.memref_slice %arg9[%mul3A_37, %dma_start3A_40] : memref<10240x128xf32, #tpu.memory_space<vmem_shared>> -> memref<640x128xf32, #tpu.memory_space<vmem_shared>>
      tpu.enqueue_dma source(%dma_start3A_41 : memref<640x128xf32, #tpu.memory_space<vmem_shared>>) target(%dma_start3A_39 : memref<640x128xf32, #tpu.memory_space<hbm>>) target_semaphore(%run_scoped3A : memref<!tpu.dma_semaphore, #tpu.memory_space<semaphore_mem>>)
      %dma_wait3A = arith.constant 0 : i32
      %dma_wait3A_42 = tpu.memref_slice %arg5[%arg0, %mul3A_37, %dma_wait3A] : memref<2x10240x128xf32, #tpu.memory_space<hbm>> -> memref<1x640x128xf32, #tpu.memory_space<hbm>>
      %dma_wait3A_43 = tpu.memref_squeeze %dma_wait3A_42 : memref<1x640x128xf32, #tpu.memory_space<hbm>> -> memref<640x128xf32, #tpu.memory_space<hbm>>
      %dma_wait3A_44 = arith.constant 0 : i32
      %dma_wait3A_45 = tpu.memref_slice %arg9[%mul3A_37, %dma_wait3A_44] : memref<10240x128xf32, #tpu.memory_space<vmem_shared>> -> memref<640x128xf32, #tpu.memory_space<vmem_shared>>
      tpu.wait_dma2 semaphore(%run_scoped3A : memref<!tpu.dma_semaphore, #tpu.memory_space<semaphore_mem>>) src(%dma_wait3A_45 : memref<640x128xf32, #tpu.memory_space<vmem_shared>>) dst(%dma_wait3A_43 : memref<640x128xf32, #tpu.memory_space<hbm>>)
      tpu.yield
    }) : () -> ()
    "tpu.trace_stop"() : () -> ()
    return
  }
}

module attributes {stable_mosaic.version = 14 : i64} {
  func.func @_tc_prep_body(%arg0: i32, %arg1: memref<32x1024xf32, #tpu.memory_space<vmem>>, %arg2: memref<1024x128xf32, #tpu.memory_space<vmem>>, %arg3: memref<128x128xf32, #tpu.memory_space<vmem>>, %arg4: memref<1024x128xf32, #tpu.memory_space<vmem>>, %arg5: memref<1024x128xf32, #tpu.memory_space<vmem>>) attributes {dimension_semantics = [#tpu.dimension_semantics<arbitrary>], iteration_bounds = array<i64: 10>, scalar_prefetch = 0 : i64, scratch_operands = 0 : i64, tpu.core_type = #tpu.core_type<tc>, window_params = [{transform_indices = @transform_0, window_bounds = array<i64: 32, 1024>}, {transform_indices = @transform_1, window_bounds = array<i64: 1024, 128>}, {pipeline_mode = #tpu.pipeline_mode<synchronous>, transform_indices = @transform_2, window_bounds = array<i64: 128, 128>}, {transform_indices = @transform_3, window_bounds = array<i64: 1024, 128>}, {transform_indices = @transform_4, window_bounds = array<i64: 1024, 128>}]} {
    %get3A = arith.constant 0 : index
    %get3A_0 = arith.constant 0 : index
    %get3A_1 = vector.load %arg1[%get3A, %get3A_0] : memref<32x1024xf32, #tpu.memory_space<vmem>>, vector<32x1024xf32>
    %reduce_sum3A = arith.constant dense<0.000000e+00> : vector<1024xf32>
    %reduce_sum3A_2 = vector.multi_reduction <add>, %get3A_1, %reduce_sum3A [0] : vector<32x1024xf32> to vector<1024xf32>
    %add3A = arith.constant 1.000000e+00 : f32
    %add3A_3 = vector.broadcast %add3A : f32 to vector<1024xf32>
    %add3A_4 = arith.addf %reduce_sum3A_2, %add3A_3 : vector<1024xf32>
    %rsqrt3A = math.rsqrt %add3A_4 : vector<1024xf32>
    %broadcast_in_dim3A = vector.shape_cast %rsqrt3A : vector<1024xf32> to vector<1024x1xf32>
    %broadcast_in_dim3A_5 = vector.shape_cast %broadcast_in_dim3A : vector<1024x1xf32> to vector<1024x1xf32>
    %broadcast_in_dim3A_6 = vector.broadcast %broadcast_in_dim3A_5 : vector<1024x1xf32> to vector<1024x128xf32>
    %swap3A = arith.constant 0 : index
    %swap3A_7 = arith.constant 0 : index
    %swap3A_8 = vector.load %arg4[%swap3A, %swap3A_7] : memref<1024x128xf32, #tpu.memory_space<vmem>>, vector<1024x128xf32>
    tpu.vector_store %arg4[%swap3A, %swap3A_7], %broadcast_in_dim3A_6 {strides = array<i32>} : memref<1024x128xf32, #tpu.memory_space<vmem>>, vector<1024x128xf32>,
    %get3A_9 = arith.constant 0 : index
    %get3A_10 = arith.constant 0 : index
    %get3A_11 = vector.load %arg2[%get3A_9, %get3A_10] : memref<1024x128xf32, #tpu.memory_space<vmem>>, vector<1024x128xf32>
    %get3A_12 = arith.constant 0 : index
    %get3A_13 = arith.constant 0 : index
    %get3A_14 = vector.load %arg3[%get3A_12, %get3A_13] : memref<128x128xf32, #tpu.memory_space<vmem>>, vector<128x128xf32>
    %dot_general3A = arith.constant dense<0.000000e+00> : vector<1024x128xf32>
    %dot_general3A_15 = tpu.matmul %get3A_11, %get3A_14, %dot_general3A {dimension_numbers = #tpu.dot_dimension_numbers<[1], [0], [0], [1], [0, 0, 1, 1], [], []>, transpose_lhs_hint = false} : vector<1024x128xf32>, vector<128x128xf32>, vector<1024x128xf32> -> vector<1024x128xf32>
    %mul3A = vector.broadcast %broadcast_in_dim3A : vector<1024x1xf32> to vector<1024x128xf32>
    %mul3A_16 = arith.mulf %dot_general3A_15, %mul3A : vector<1024x128xf32>
    %swap3A_17 = arith.constant 0 : index
    %swap3A_18 = arith.constant 0 : index
    %swap3A_19 = vector.load %arg5[%swap3A_17, %swap3A_18] : memref<1024x128xf32, #tpu.memory_space<vmem>>, vector<1024x128xf32>
    tpu.vector_store %arg5[%swap3A_17, %swap3A_18], %mul3A_16 {strides = array<i32>} : memref<1024x128xf32, #tpu.memory_space<vmem>>, vector<1024x128xf32>,
    return
  }
  func.func @transform_0(%arg0: i32) -> (i32, i32) {
    %c0_i32 = arith.constant 0 : i32
    %c0_i32_0 = arith.constant 0 : i32
    return %c0_i32, %arg0 : i32, i32
  }
  func.func @transform_1(%arg0: i32) -> (i32, i32) {
    %c0_i32 = arith.constant 0 : i32
    %c0_i32_0 = arith.constant 0 : i32
    return %arg0, %c0_i32 : i32, i32
  }
  func.func @transform_2(%arg0: i32) -> (i32, i32) {
    %c0_i32 = arith.constant 0 : i32
    %c0_i32_0 = arith.constant 0 : i32
    %c0_i32_1 = arith.constant 0 : i32
    return %c0_i32, %c0_i32_0 : i32, i32
  }
  func.func @transform_3(%arg0: i32) -> (i32, i32) {
    %c0_i32 = arith.constant 0 : i32
    %c0_i32_0 = arith.constant 0 : i32
    return %arg0, %c0_i32 : i32, i32
  }
  func.func @transform_4(%arg0: i32) -> (i32, i32) {
    %c0_i32 = arith.constant 0 : i32
    %c0_i32_0 = arith.constant 0 : i32
    return %arg0, %c0_i32 : i32, i32
  }
}

module attributes {stable_mosaic.version = 14 : i64} {
  func.func @_tc_combine_body(%arg0: i32, %arg1: memref<2x1024x128xf32, #tpu.memory_space<vmem>>, %arg2: memref<1024x128xf32, #tpu.memory_space<vmem>>, %arg3: memref<1024x128xf32, #tpu.memory_space<vmem>>, %arg4: memref<1024x128xf32, #tpu.memory_space<vmem>>, %arg5: memref<8x128xf32, #tpu.memory_space<vmem>>, %arg6: memref<128x128xf32, #tpu.memory_space<vmem>>, %arg7: memref<1024x128xf32, #tpu.memory_space<vmem>>, %arg8: memref<1024x128xf32, #tpu.memory_space<vmem>>) attributes {dimension_semantics = [#tpu.dimension_semantics<arbitrary>], iteration_bounds = array<i64: 10>, scalar_prefetch = 0 : i64, scratch_operands = 0 : i64, tpu.core_type = #tpu.core_type<tc>, window_params = [{transform_indices = @transform_0, window_bounds = array<i64: 2, 1024, 128>}, {transform_indices = @transform_1, window_bounds = array<i64: 1024, 128>}, {transform_indices = @transform_2, window_bounds = array<i64: 1024, 128>}, {transform_indices = @transform_3, window_bounds = array<i64: 1024, 128>}, {pipeline_mode = #tpu.pipeline_mode<synchronous>, transform_indices = @transform_4, window_bounds = array<i64: 8, 128>}, {pipeline_mode = #tpu.pipeline_mode<synchronous>, transform_indices = @transform_5, window_bounds = array<i64: 128, 128>}, {transform_indices = @transform_6, window_bounds = array<i64: 1024, 128>}, {transform_indices = @transform_7, window_bounds = array<i64: 1024, 128>}]} {
    %get3A = arith.constant 0 : index
    %get3A_0 = arith.constant 0 : index
    %get3A_1 = arith.constant 0 : index
    %get3A_2 = vector.load %arg1[%get3A, %get3A_0, %get3A_1] : memref<2x1024x128xf32, #tpu.memory_space<vmem>>, vector<1x1024x128xf32>
    %get3A_3 = vector.shape_cast %get3A_2 : vector<1x1024x128xf32> to vector<1024x128xf32>
    %get3A_4 = arith.constant 1 : index
    %get3A_5 = arith.constant 0 : index
    %get3A_6 = arith.constant 0 : index
    %get3A_7 = vector.load %arg1[%get3A_4, %get3A_5, %get3A_6] : memref<2x1024x128xf32, #tpu.memory_space<vmem>>, vector<1x1024x128xf32>
    %get3A_8 = vector.shape_cast %get3A_7 : vector<1x1024x128xf32> to vector<1024x128xf32>
    %add3A = arith.addf %get3A_3, %get3A_8 : vector<1024x128xf32>
    %get3A_9 = arith.constant 0 : index
    %get3A_10 = arith.constant 0 : index
    %get3A_11 = vector.load %arg3[%get3A_9, %get3A_10] : memref<1024x128xf32, #tpu.memory_space<vmem>>, vector<1024x128xf32>
    %get3A_12 = arith.constant 0 : index
    %get3A_13 = arith.constant 0 : index
    %get3A_14 = vector.load %arg2[%get3A_12, %get3A_13] : memref<1024x128xf32, #tpu.memory_space<vmem>>, vector<1024x128xf32>
    %add3A_15 = arith.addf %add3A, %get3A_14 : vector<1024x128xf32>
    %mul3A = arith.mulf %add3A_15, %get3A_11 : vector<1024x128xf32>
    %get3A_16 = arith.constant 0 : index
    %get3A_17 = arith.constant 0 : index
    %get3A_18 = vector.load %arg5[%get3A_16, %get3A_17] : memref<8x128xf32, #tpu.memory_space<vmem>>, vector<8x128xf32>
    %slice3A = vector.extract_strided_slice %get3A_18 {offsets = [0, 0], sizes = [1, 128], strides = [1, 1]} : vector<8x128xf32> to vector<1x128xf32>
    %add3A_19 = vector.broadcast %slice3A : vector<1x128xf32> to vector<1024x128xf32>
    %add3A_20 = arith.addf %mul3A, %add3A_19 : vector<1024x128xf32>
    %max3A = arith.constant 0.000000e+00 : f32
    %max3A_21 = vector.broadcast %max3A : f32 to vector<1024x128xf32>
    %max3A_22 = arith.maximumf %add3A_20, %max3A_21 : vector<1024x128xf32>
    %get3A_23 = arith.constant 0 : index
    %get3A_24 = arith.constant 0 : index
    %get3A_25 = vector.load %arg4[%get3A_23, %get3A_24] : memref<1024x128xf32, #tpu.memory_space<vmem>>, vector<1024x128xf32>
    %max3A_26 = arith.maximumf %get3A_25, %max3A_22 : vector<1024x128xf32>
    %swap3A = arith.constant 0 : index
    %swap3A_27 = arith.constant 0 : index
    %swap3A_28 = vector.load %arg7[%swap3A, %swap3A_27] : memref<1024x128xf32, #tpu.memory_space<vmem>>, vector<1024x128xf32>
    tpu.vector_store %arg7[%swap3A, %swap3A_27], %max3A_26 {strides = array<i32>} : memref<1024x128xf32, #tpu.memory_space<vmem>>, vector<1024x128xf32>,
    %get3A_29 = arith.constant 0 : index
    %get3A_30 = arith.constant 0 : index
    %get3A_31 = vector.load %arg6[%get3A_29, %get3A_30] : memref<128x128xf32, #tpu.memory_space<vmem>>, vector<128x128xf32>
    %dot_general3A = arith.constant dense<0.000000e+00> : vector<1024x128xf32>
    %dot_general3A_32 = tpu.matmul %max3A_22, %get3A_31, %dot_general3A {dimension_numbers = #tpu.dot_dimension_numbers<[1], [0], [0], [1], [0, 0, 1, 1], [], []>, transpose_lhs_hint = false} : vector<1024x128xf32>, vector<128x128xf32>, vector<1024x128xf32> -> vector<1024x128xf32>
    %mul3A_33 = arith.mulf %dot_general3A_32, %get3A_11 : vector<1024x128xf32>
    %swap3A_34 = arith.constant 0 : index
    %swap3A_35 = arith.constant 0 : index
    %swap3A_36 = vector.load %arg8[%swap3A_34, %swap3A_35] : memref<1024x128xf32, #tpu.memory_space<vmem>>, vector<1024x128xf32>
    tpu.vector_store %arg8[%swap3A_34, %swap3A_35], %mul3A_33 {strides = array<i32>} : memref<1024x128xf32, #tpu.memory_space<vmem>>, vector<1024x128xf32>,
    return
  }
  func.func @transform_0(%arg0: i32) -> (i32, i32, i32) {
    %c0_i32 = arith.constant 0 : i32
    %c0_i32_0 = arith.constant 0 : i32
    %c0_i32_1 = arith.constant 0 : i32
    return %c0_i32, %arg0, %c0_i32_0 : i32, i32, i32
  }
  func.func @transform_1(%arg0: i32) -> (i32, i32) {
    %c0_i32 = arith.constant 0 : i32
    %c0_i32_0 = arith.constant 0 : i32
    return %arg0, %c0_i32 : i32, i32
  }
  func.func @transform_2(%arg0: i32) -> (i32, i32) {
    %c0_i32 = arith.constant 0 : i32
    %c0_i32_0 = arith.constant 0 : i32
    return %arg0, %c0_i32 : i32, i32
  }
  func.func @transform_3(%arg0: i32) -> (i32, i32) {
    %c0_i32 = arith.constant 0 : i32
    %c0_i32_0 = arith.constant 0 : i32
    return %arg0, %c0_i32 : i32, i32
  }
  func.func @transform_4(%arg0: i32) -> (i32, i32) {
    %c0_i32 = arith.constant 0 : i32
    %c0_i32_0 = arith.constant 0 : i32
    %c0_i32_1 = arith.constant 0 : i32
    return %c0_i32, %c0_i32_0 : i32, i32
  }
  func.func @transform_5(%arg0: i32) -> (i32, i32) {
    %c0_i32 = arith.constant 0 : i32
    %c0_i32_0 = arith.constant 0 : i32
    %c0_i32_1 = arith.constant 0 : i32
    return %c0_i32, %c0_i32_0 : i32, i32
  }
  func.func @transform_6(%arg0: i32) -> (i32, i32) {
    %c0_i32 = arith.constant 0 : i32
    %c0_i32_0 = arith.constant 0 : i32
    return %arg0, %c0_i32 : i32, i32
  }
  func.func @transform_7(%arg0: i32) -> (i32, i32) {
    %c0_i32 = arith.constant 0 : i32
    %c0_i32_0 = arith.constant 0 : i32
    return %arg0, %c0_i32 : i32, i32
  }
}

module attributes {stable_mosaic.version = 14 : i64} {
  func.func @_tc_final_body(%arg0: i32, %arg1: memref<2x1024x128xf32, #tpu.memory_space<vmem>>, %arg2: memref<1024x128xf32, #tpu.memory_space<vmem>>, %arg3: memref<1024x128xf32, #tpu.memory_space<vmem>>, %arg4: memref<1024x128xf32, #tpu.memory_space<vmem>>, %arg5: memref<8x128xf32, #tpu.memory_space<vmem>>, %arg6: memref<128x128xf32, #tpu.memory_space<vmem>>, %arg7: memref<8x128xf32, #tpu.memory_space<vmem>>, %arg8: memref<1024x128xf32, #tpu.memory_space<vmem>>) attributes {dimension_semantics = [#tpu.dimension_semantics<arbitrary>], iteration_bounds = array<i64: 10>, scalar_prefetch = 0 : i64, scratch_operands = 0 : i64, tpu.core_type = #tpu.core_type<tc>, window_params = [{transform_indices = @transform_0, window_bounds = array<i64: 2, 1024, 128>}, {transform_indices = @transform_1, window_bounds = array<i64: 1024, 128>}, {transform_indices = @transform_2, window_bounds = array<i64: 1024, 128>}, {transform_indices = @transform_3, window_bounds = array<i64: 1024, 128>}, {pipeline_mode = #tpu.pipeline_mode<synchronous>, transform_indices = @transform_4, window_bounds = array<i64: 8, 128>}, {pipeline_mode = #tpu.pipeline_mode<synchronous>, transform_indices = @transform_5, window_bounds = array<i64: 128, 128>}, {pipeline_mode = #tpu.pipeline_mode<synchronous>, transform_indices = @transform_6, window_bounds = array<i64: 8, 128>}, {transform_indices = @transform_7, window_bounds = array<i64: 1024, 128>}]} {
    %get3A = arith.constant 0 : index
    %get3A_0 = arith.constant 0 : index
    %get3A_1 = arith.constant 0 : index
    %get3A_2 = vector.load %arg1[%get3A, %get3A_0, %get3A_1] : memref<2x1024x128xf32, #tpu.memory_space<vmem>>, vector<1x1024x128xf32>
    %get3A_3 = vector.shape_cast %get3A_2 : vector<1x1024x128xf32> to vector<1024x128xf32>
    %get3A_4 = arith.constant 1 : index
    %get3A_5 = arith.constant 0 : index
    %get3A_6 = arith.constant 0 : index
    %get3A_7 = vector.load %arg1[%get3A_4, %get3A_5, %get3A_6] : memref<2x1024x128xf32, #tpu.memory_space<vmem>>, vector<1x1024x128xf32>
    %get3A_8 = vector.shape_cast %get3A_7 : vector<1x1024x128xf32> to vector<1024x128xf32>
    %add3A = arith.addf %get3A_3, %get3A_8 : vector<1024x128xf32>
    %get3A_9 = arith.constant 0 : index
    %get3A_10 = arith.constant 0 : index
    %get3A_11 = vector.load %arg2[%get3A_9, %get3A_10] : memref<1024x128xf32, #tpu.memory_space<vmem>>, vector<1024x128xf32>
    %add3A_12 = arith.addf %add3A, %get3A_11 : vector<1024x128xf32>
    %get3A_13 = arith.constant 0 : index
    %get3A_14 = arith.constant 0 : index
    %get3A_15 = vector.load %arg3[%get3A_13, %get3A_14] : memref<1024x128xf32, #tpu.memory_space<vmem>>, vector<1024x128xf32>
    %mul3A = arith.mulf %add3A_12, %get3A_15 : vector<1024x128xf32>
    %get3A_16 = arith.constant 0 : index
    %get3A_17 = arith.constant 0 : index
    %get3A_18 = vector.load %arg5[%get3A_16, %get3A_17] : memref<8x128xf32, #tpu.memory_space<vmem>>, vector<8x128xf32>
    %slice3A = vector.extract_strided_slice %get3A_18 {offsets = [0, 0], sizes = [1, 128], strides = [1, 1]} : vector<8x128xf32> to vector<1x128xf32>
    %add3A_19 = vector.broadcast %slice3A : vector<1x128xf32> to vector<1024x128xf32>
    %add3A_20 = arith.addf %mul3A, %add3A_19 : vector<1024x128xf32>
    %max3A = arith.constant 0.000000e+00 : f32
    %max3A_21 = vector.broadcast %max3A : f32 to vector<1024x128xf32>
    %max3A_22 = arith.maximumf %add3A_20, %max3A_21 : vector<1024x128xf32>
    %get3A_23 = arith.constant 0 : index
    %get3A_24 = arith.constant 0 : index
    %get3A_25 = vector.load %arg4[%get3A_23, %get3A_24] : memref<1024x128xf32, #tpu.memory_space<vmem>>, vector<1024x128xf32>
    %max3A_26 = arith.maximumf %get3A_25, %max3A_22 : vector<1024x128xf32>
    %get3A_27 = arith.constant 0 : index
    %get3A_28 = arith.constant 0 : index
    %get3A_29 = vector.load %arg6[%get3A_27, %get3A_28] : memref<128x128xf32, #tpu.memory_space<vmem>>, vector<128x128xf32>
    %dot_general3A = arith.constant dense<0.000000e+00> : vector<1024x128xf32>
    %dot_general3A_30 = tpu.matmul %max3A_26, %get3A_29, %dot_general3A {dimension_numbers = #tpu.dot_dimension_numbers<[1], [0], [0], [1], [0, 0, 1, 1], [], []>, transpose_lhs_hint = false} : vector<1024x128xf32>, vector<128x128xf32>, vector<1024x128xf32> -> vector<1024x128xf32>
    %get3A_31 = arith.constant 0 : index
    %get3A_32 = arith.constant 0 : index
    %get3A_33 = vector.load %arg7[%get3A_31, %get3A_32] : memref<8x128xf32, #tpu.memory_space<vmem>>, vector<8x128xf32>
    %slice3A_34 = vector.extract_strided_slice %get3A_33 {offsets = [0, 0], sizes = [1, 128], strides = [1, 1]} : vector<8x128xf32> to vector<1x128xf32>
    %add3A_35 = vector.broadcast %slice3A_34 : vector<1x128xf32> to vector<1024x128xf32>
    %add3A_36 = arith.addf %dot_general3A_30, %add3A_35 : vector<1024x128xf32>
    %swap3A = arith.constant 0 : index
    %swap3A_37 = arith.constant 0 : index
    %swap3A_38 = vector.load %arg8[%swap3A, %swap3A_37] : memref<1024x128xf32, #tpu.memory_space<vmem>>, vector<1024x128xf32>
    tpu.vector_store %arg8[%swap3A, %swap3A_37], %add3A_36 {strides = array<i32>} : memref<1024x128xf32, #tpu.memory_space<vmem>>, vector<1024x128xf32>,
    return
  }
  func.func @transform_0(%arg0: i32) -> (i32, i32, i32) {
    %c0_i32 = arith.constant 0 : i32
    %c0_i32_0 = arith.constant 0 : i32
    %c0_i32_1 = arith.constant 0 : i32
    return %c0_i32, %arg0, %c0_i32_0 : i32, i32, i32
  }
  func.func @transform_1(%arg0: i32) -> (i32, i32) {
    %c0_i32 = arith.constant 0 : i32
    %c0_i32_0 = arith.constant 0 : i32
    return %arg0, %c0_i32 : i32, i32
  }
  func.func @transform_2(%arg0: i32) -> (i32, i32) {
    %c0_i32 = arith.constant 0 : i32
    %c0_i32_0 = arith.constant 0 : i32
    return %arg0, %c0_i32 : i32, i32
  }
  func.func @transform_3(%arg0: i32) -> (i32, i32) {
    %c0_i32 = arith.constant 0 : i32
    %c0_i32_0 = arith.constant 0 : i32
    return %arg0, %c0_i32 : i32, i32
  }
  func.func @transform_4(%arg0: i32) -> (i32, i32) {
    %c0_i32 = arith.constant 0 : i32
    %c0_i32_0 = arith.constant 0 : i32
    %c0_i32_1 = arith.constant 0 : i32
    return %c0_i32, %c0_i32_0 : i32, i32
  }
  func.func @transform_5(%arg0: i32) -> (i32, i32) {
    %c0_i32 = arith.constant 0 : i32
    %c0_i32_0 = arith.constant 0 : i32
    %c0_i32_1 = arith.constant 0 : i32
    return %c0_i32, %c0_i32_0 : i32, i32
  }
  func.func @transform_6(%arg0: i32) -> (i32, i32) {
    %c0_i32 = arith.constant 0 : i32
    %c0_i32_0 = arith.constant 0 : i32
    %c0_i32_1 = arith.constant 0 : i32
    return %c0_i32, %c0_i32_0 : i32, i32
  }
  func.func @transform_7(%arg0: i32) -> (i32, i32) {
    %c0_i32 = arith.constant 0 : i32
    %c0_i32_0 = arith.constant 0 : i32
    return %arg0, %c0_i32 : i32, i32
  }
}

</mosaic_0001>

<sc_bundles>
// kernel: kernel.12.cloned.1.call-start
scs
__scs_entry_jumppad:
0x0: {  	(pc) =	sbr.rel $0x88, $3  }
0x1: {  	(tag) =	ssettag $0x0;
	lr =	simm.s32 $0x1  }
0x2: {  	[smem:$0x3F95] =	sst lr;
	_ =	strace $0xD0000000  }
0x3: {  	_ = 	snop  }
0x4: {  	_ = 	snop  }
0x5: {  	_ = 	snop  }
0x6: {  	_ = 	snop  }
0x7: {  	_ = 	snop  }
__scs_overlays_trampoline_lowered:
0x8: {  	[smem:$0x3FA4] =	sst s0  }
0x9: {  	[smem:$0x3FA5] =	sst s1  }
0xa: {  	[smem:$0x3FA6] =	sst s2  }
0xb: {  	[smem:$0x3FA7] =	sst s3  }
0xc: {  	[smem:$0x3FA8] =	sst s4  }
0xd: {  	[smem:$0x3FA9] =	sst s5  }
0xe: {  	[smem:$0x3FAA] =	sst s6  }
0xf: {  	[smem:$0x3FAB] =	sst s7  }
0x10: {  	[smem:$0x3FAC] =	sst s8  }
0x11: {  	[smem:$0x3FAD] =	sst s9;
	s0 =	simm.s32 @!p0 $0x0  }
0x12: {  	s1 =	sld [smem:$0x3F93];
	s0 =	simm.s32 @p0 $0x1  }
0x13: {  	[smem:$0x3FAE] =	sst s0;
	s0 =	simm.s32 @!p1 $0x0  }
0x14: {  	s2 =	sld [smem:$0x3F92];
	s0 =	simm.s32 @p1 $0x1  }
0x15: {  	[smem:$0x3FAF] =	sst s0;
	s0 =	simm.s32 @!p2 $0x0  }
0x16: {  	s3 =	sld [smem:$0x3FDB];
	s0 =	simm.s32 @p2 $0x1  }
0x17: {  	s4 =	simm.s32 $0x1BF5;
	[smem:$0x3FB1] =	sst s0  }
0x18: {  	s0 =	sld [smem:$0x3F94];
	_ =	swait.ge [sflag:s4], $0x0  }
0x19: {  	s7 =	sld [smem:$0x3F95]  }
0x1a: {  	s8 =	sadd.s32 $0xFFFFE003, lr  }
0x1b: {  	s9 =	sadd.s32 $0xFFFFFEF7, lr;
	s5 =	simm.s32 $0xFFFFFFFF;
	p2 =	slt.u32 s8, $0xFFFFF086  }
0x1c: {  	p1 =	slt.u32 s9, $0xF7A;
	s5 =	simm.s32 @!p2 $0x0  }
0x1d: {  	s5 =	simm.s32 @p1 $0x1;
	p0 =	seq.s32 s7, s2  }
0x1e: {  	s7 =	smul.u32 @!p0 $0xF7A, s2;
	p2 =	seq.s32 @!p0 s5, $0x0  }
0x1f: {  	s9 =	smul.u32 $0xF7A, s1;
	s8 =	simm.s32 @!p0 $0x1BF5;
	p2 =	por !p2, p0  }
0x20: {  	[sflag:s8] =	ssyncset.s32 @!p0 $0xFFFFF086;
	s6 =	sadd.s32 @!p0 s3, s7;
	s7 =	simm.s32 @!p0 $0x108  }
0x21: {  	s3 =	sadd.s32 s3, s9;
	s6 =	sadd.s32 @!p0 $0x88, s6;
	s7 =	simm.s32 @p2 $0x1082  }
0x22: {  	[simem:s7], [sflag:s8] =	dma.local @!p0 [hbm:s6], $0xF7A  }
0x23: {  	s9 =	sor.u32 $0xD0000000, s2;
	s6 =	simm.s32 $0x108;
	_ =	swait.ge @!p0 [sflag:s8], $0x0  }
0x24: {  	s3 =	sadd.s32 $0x88, s3;
	s6 =	simm.s32 @!p1 $0x1082;
	[sflag:s4] =	ssyncset.s32 $0xFFFFF086  }
0x25: {  	[simem:s6], [sflag:s4] =	dma.local [hbm:s3], $0xF7A  }
0x26: {  	[smem:$0x3F95] =	sst s1;
	(tag) =	ssettag s2;
	_ =	strace s9  }
0x27: {  	s1 =	sld [smem:$0x3FA5]  }
0x28: {  	s2 =	sld [smem:$0x3FA6]  }
0x29: {  	s4 =	sld [smem:$0x3FA8]  }
0x2a: {  	p0 =	seq.s32 s5, $0x0;
	s5 =	sld [smem:$0x3FA9]  }
0x2b: {  	s6 =	sld [smem:$0x3FAA]  }
0x2c: {  	s7 =	sld [smem:$0x3FAB]  }
0x2d: {  	s3 =	simm.s32 $0x108;
	s8 =	sld [smem:$0x3FAC]  }
0x2e: {  	s3 =	simm.s32 @!p0 $0x1082;
	s9 =	sld [smem:$0x3FAD]  }
0x2f: {  	lr =	sadd.s32 s0, s3;
	s0 =	sld [smem:$0x3FA4]  }
0x30: {  	s3 =	sld [smem:$0x3FA7]  }
0x31: {  	[smem:$0x3FB0] =	sst s10  }
0x32: {  	s10 =	sld [smem:$0x3FAE];
	_ =	sdelay $0x3  }
0x33: {  	p0 =	seq.s32 s10, $0x1;
	s10 =	sld [smem:$0x3FB0];
	_ =	sdelay $0x3  }
0x34: {  	[smem:$0x3FB0] =	sst s10  }
0x35: {  	s10 =	sld [smem:$0x3FAF];
	_ =	sdelay $0x3  }
0x36: {  	p1 =	seq.s32 s10, $0x1;
	s10 =	sld [smem:$0x3FB0];
	_ =	sdelay $0x3  }
0x37: {  	[smem:$0x3FB0] =	sst s10  }
0x38: {  	s10 =	sld [smem:$0x3FB1]  }
0x39: {  	_ = 	snop;
	(pc) =	sbr.ind lr, $3  }
0x3a: {  	_ = 	snop  }
0x3b: {  	_ = 	snop  }
0x3c: {  	p2 =	seq.s32 s10, $0x1;
	s10 =	sld [smem:$0x3FB0]  }
0x3d: {  	_ =	shalt  }
0x3e: {  	_ =	shalt  }
0x3f: {  	_ =	shalt  }
0x40: {  	_ =	shalt  }
0x41: {  	_ =	shalt  }
0x42: {  	_ =	shalt  }
0x43: {  	_ =	shalt  }
0x44: {  	_ =	shalt  }
0x45: {  	_ =	shalt  }
0x46: {  	_ =	shalt  }
0x47: {  	_ =	shalt  }
0x48: {  	_ =	shalt  }
0x49: {  	_ =	shalt  }
0x4a: {  	_ =	shalt  }
0x4b: {  	_ =	shalt  }
0x4c: {  	_ =	shalt  }
0x4d: {  	_ =	shalt  }
0x4e: {  	_ =	shalt  }
0x4f: {  	_ =	shalt  }
0x50: {  	_ =	shalt  }
0x51: {  	_ =	shalt  }
0x52: {  	_ =	shalt  }
0x53: {  	_ =	shalt  }
0x54: {  	_ =	shalt  }
0x55: {  	_ =	shalt  }
0x56: {  	_ =	shalt  }
0x57: {  	_ =	shalt  }
0x58: {  	_ =	shalt  }
0x59: {  	_ =	shalt  }
0x5a: {  	_ =	shalt  }
0x5b: {  	_ =	shalt  }
0x5c: {  	_ =	shalt  }
0x5d: {  	_ =	shalt  }
0x5e: {  	_ =	shalt  }
0x5f: {  	_ =	shalt  }
0x60: {  	_ =	shalt  }
0x61: {  	_ =	shalt  }
0x62: {  	_ =	shalt  }
0x63: {  	_ =	shalt  }
0x64: {  	_ =	shalt  }
0x65: {  	_ =	shalt  }
0x66: {  	_ =	shalt  }
0x67: {  	_ =	shalt  }
0x68: {  	_ =	shalt  }
0x69: {  	_ =	shalt  }
0x6a: {  	_ =	shalt  }
0x6b: {  	_ =	shalt  }
0x6c: {  	_ =	shalt  }
0x6d: {  	_ =	shalt  }
0x6e: {  	_ =	shalt  }
0x6f: {  	_ =	shalt  }
0x70: {  	_ =	shalt  }
0x71: {  	_ =	shalt  }
0x72: {  	_ =	shalt  }
0x73: {  	_ =	shalt  }
0x74: {  	_ =	shalt  }
0x75: {  	_ =	shalt  }
0x76: {  	_ =	shalt  }
0x77: {  	_ =	shalt  }
0x78: {  	_ =	shalt  }
0x79: {  	_ =	shalt  }
0x7a: {  	_ =	shalt  }
0x7b: {  	_ =	shalt  }
0x7c: {  	_ =	shalt  }
0x7d: {  	_ =	shalt  }
0x7e: {  	_ =	shalt  }
0x7f: {  	_ =	shalt  }
0x80: {  	_ =	shalt  }
0x81: {  	_ =	shalt  }
0x82: {  	_ =	shalt  }
0x83: {  	_ =	shalt  }
0x84: {  	_ =	shalt  }
0x85: {  	_ =	shalt  }
0x86: {  	_ =	shalt  }
0x87: {  	_ =	shalt  }
.Lfunc_end0:
.L_simem_size_0:
called_computation_lowered:
.L_overlay_start_0:
0x88: {  	s2 =	sld [smem:$0x3FD9]  }
0x89: {  	s3 =	sld [smem:$0x3FFE];
	_ =	sdelay $0x1  }
0x8a: {  	s1 =	srdreg.scid  }
0x8b: {  	s0 =	sand.u32 $0x1, s1  }
0x8c: {  	s17 =	sshll.u32 s0, $0xA;
	s2 =	sadd.s32 s3, s2  }
0x8d: {  	s2 =	sadd.s32 s2, s17  }
0x8e: {  	[smem:$0x3FBC] =	sst s2  }
0x8f: {  	_ = 	snop  }
0x90: {  	s2 =	sld [smem:$0x3FD0];
	(tm) =	ssettm $0x1  }
0x91: {  	s18 =	sld [smem:$0x3FFB];
	_ =	sdelay $0x3  }
0x92: {  	_ =	strace s18  }
0x93: {  	s3 =	sld [smem:$0x3FFC];
	_ =	sdelay $0x3  }
0x94: {  	_ =	strace s3  }
0x95: {  	s3 =	sld [smem:$0x3FFD];
	_ =	sdelay $0x3  }
0x96: {  	_ =	strace s3  }
0x97: {  	_ =	strace $0x8FFFFFFF  }
0x98: {  	s19 =	sld [smem:$0x3FDB];
	_ =	sdelay $0x1  }
0x99: {  	s4 =	simm.s32 $_scs_section_size  }
0x9a: {  	s5 =	simm.s32 $_size__tile_overlayer_lowered;
	s6 =	simm.s32 $_tile_overlayer_lowered  }
0x9b: {  	s22 =	simm.s32 $0x1BFF;
	s21 =	sshll.u32 s6, $0x1;
	s3 =	sadd.s32 s4, s19  }
0x9c: {  	s7 =	simm.s32 $0x0;
	s20 =	sshll.u32 s5, $0x1;
	s5 =	sadd.s32 s21, s3  }
0x9d: {  	[timem:s7], [sflag:s22] =	dma.local [hbm:s5], s20  }
0x9e: {  	_ =	swait.ge [sflag:s22], s20  }
0x9f: {  	s4 =	ssub.s32 $0x0, s20;
	[sflag:s22] =	ssyncset.done $0x0  }
0xa0: {  	[sflag:s22] =	ssyncadd.s32 s4;
	_ =	sdelay $0x1  }
0xa1: {  	s23 =	simm.s32 $0x1B8B  }
0xa2: {  	_ =	swait.ge [sflag:s23], $0x1  }
0xa3: {  	[sflag:s23] =	ssyncset.done $0x0  }
0xa4: {  	s25 =	simm.s32 $0x1B8E;
	s24 =	sld [smem:$0x3FFE];
	[sflag:s23] =	ssyncadd.s32 $0xFFFFFFFF  }
0xa5: {  	s26 =	simm.s32 $execute0_lowered;
	[smem:$0x3FD2] =	sst s25  }
0xa6: {  	s5 =	sshll.u32 s26, $0x1;
	_ =	strace $0x80000046;
	[dreg:$0x1] =	wrdreg $0xFFFFFFFF  }
0xa7: {  	s28 =	simm.s32 $_size_execute0_lowered;
	s3 =	sadd.s32 s3, s5;
	[dreg:$0x0] =	wrdreg $0x0  }
0xa8: {  	s5 =	sshll.u32 s28, $0x1;
	[dreg:$0x2] =	wrdreg s3  }
0xa9: {  	[dreg:$0x3] =	wrdreg s5  }
0xaa: {  	[dreg:$0x4] =	wrdreg $0xC0  }
0xab: {  	_ =	task [dreg:s7], $0x5FFFF  }
0xac: {  	[dreg:$0x1] =	wrdreg $0xFFFFFFFF  }
0xad: {  	[dreg:$0x0] =	wrdreg $0x60  }
0xae: {  	[dreg:$0x2] =	wrdreg s2  }
0xaf: {  	[dreg:$0x3] =	wrdreg s24  }
0xb0: {  	[dreg:$0x4] =	wrdreg $0x9  }
0xb1: {  	_ =	task.clear_ibuf [dreg:s7], $0x5FFFF;
	_ =	strace $0x90000046  }
0xb2: {  	s29 =	simm.s32 $0x9;
	_ =	strace $0x80000048  }
0xb3: {  	_ =	swait.ge [sflag:s29], $0x1  }
0xb4: {  	[sflag:s29] =	ssyncadd.s32 $0xFFFFFFFF  }
0xb5: {  	_ =	strace $0x90000048  }
0xb6: {  	_ =	sfence  }
0xb7: {  	s30 =	sld [smem:$0x0];
	_ =	sdelay $0x2  }
0xb8: {  	s31 =	sshll.u32 s1, $0xD;
	s1 =	sshrl.u32 s1, $0x2  }
0xb9: {  	s3 =	sand.u32 $0x4000, s31;
	s1 =	sadd.s32 s1, s30  }
0xba: {  	s0 =	sor.u32 s3, s0;
	s1 =	sshll.u32 s1, $0x11  }
0xbb: {  	s0 =	sor.u32 s1, s0  }
0xbc: {  	s0 =	sadd.s32 $0x8F2B, s0  }
0xbd: {  	[sflag:s0] =	ssyncadd.remote.s32 $0x1  }
0xbe: {  	_ =	sfence.sel $0xFFFF  }
0xbf: {  	[dreg:$0x0] =	wrdreg $0xFFFFFFFF;
	(pc) =	sbr.abs _section_cstart, $3  }
0xc0: {  	[dreg:$0x1] =	wrdreg $0xFFFFFFFF  }
0xc1: {  	_ =	task.clear_ibuf [dreg:s7], $0x2FFFF;
	_ =	strace $0x9FFFFFFF  }
0xc2: {  	(tm) =	ssettm $0x7FFFFFFF  }
0xc3: {  	_ =	shalt  }
tec
execute0_lowered:
.L_overlay_start_1:
0x0: {  	(tag) =	ssettag $0x1  }
0x1: {  	s0 =	srdreg.scid  }
0x2: {  	s3 =	sand.u32 $0x1, s0  }
0x3: {  	s4 =	rddreg [dreg:$0x0];
	s0 =	stileid.u32;
	s1 =	sshll.u32 s3, $0x4  }
0x4: {  	s5 =	rddreg [dreg:$0x1];
	s2 =	simm.s32 $0x0;
	s6 =	sor.u32 s0, s1  }
0x5: {  	s9 =	simm.s32 $0x400;
	[smem:$0x7FF] =	sst s2;
	s7 =	sshrl.u32 s6, $0x3  }
0x6: {  	s8 =	sshll.u32 s0, $0x7;
	s3 =	ssub.s32 $0x2, s3;
	s7 =	smul.u32 $0x14000, s7  }
0x7: {  	s1 =	rddreg [dreg:$0x2];
	s8 =	sand.u32 $0x380, s8;
	s6 =	smul.u32 $0x500, s6  }
0x8: {  	_ =	strace $0x80000047;
	s30 =	sshrl.u32 s3, $0x1;
	s7 =	sor.u32 s8, s7  }
0x9: {  	s31 =	ssub.s32 s3, s30;
	s3 =	sadd.s32 s4, s6;
	s7 =	sshrl.u32 s7, $0x3  }
0xa: {  	s6 =	simm.s32 $0x1;
	s8 =	simm.s32 $0x80;
	s5 =	sadd.s32 s7, s5  }
0xb: {  	v0 =	vimm.f32 $0.0e+00;
	v1 =	vimm.f32 $1.000000000e+00;
	s7 =	simm.s32 $0x2800;
	s4 =	sadd.s32 $0x4C00, s5;
	s5 =	smax.u32 s31, $0x1  }
.LBB2_1:
0xc: {  	s10 =	simm.s32 $0x40;
	s11 =	simm.s32 $0x0  }
.LBB2_2:
0xd: {  	p0 =	sne.s32 s10, $0x9FC0;
	[tilespmem:s11+$0x2800] =	vst v0;
	s11 =	smov.u32 s10;
	s10 =	sadd.s32 $0x40, s10  }
.Ltmp0:
0xe: {  	(pc) =	sbr.rel @p0 .LBB2_2-.Ltmp0, $2  }
0xf: {  	_ =	sdelay $0x2  }
0x10: {  	s11 =	sshra.s32 s11, $0x2  }
0x11: {  	[tilespmem:s11+$0x2800] =	vst v0;
	s10 =	simm.s32 $0x0  }
0x12: {  	[tilespmem:s10], [sflag:$0x1] =	stream.linear.gather [hbm4b:s3+s10], $0x2800, $0x38;
	[tilespmem:$0x5000] =	vst v63  }
0x13: {  	_ =	swait.ge [sflag:s6], $0x2800  }
0x14: {  	[sflag:s6] =	ssyncset.done $0x0  }
0x15: {  	[sflag:s6] =	ssyncadd.s32 $0xFFFFD800  }
.LBB2_4:
0x16: {  	s11 =	sshra.s32 s10, $0x2  }
0x17: {  	v2 =	vld [tilespmem:s11+$0x0];
	_ =	sdelay $0x7  }
0x18: {  	[tilespmem:v2+s7+$0x0] =	vst.idx.add.f32.msk $0xffff, v1  }
0x19: {  	v2 =	vld [tilespmem:s11+$0x10];
	_ =	sdelay $0x7  }
0x1a: {  	[tilespmem:v2+s7+$0x0] =	vst.idx.add.f32.msk $0xffff, v1  }
0x1b: {  	v2 =	vld [tilespmem:s11+$0x20];
	_ =	sdelay $0x7  }
0x1c: {  	[tilespmem:v2+s7+$0x0] =	vst.idx.add.f32.msk $0xffff, v1  }
0x1d: {  	v2 =	vld [tilespmem:s11+$0x30];
	_ =	sdelay $0x7  }
0x1e: {  	[tilespmem:v2+s7+$0x0] =	vst.idx.add.f32.msk $0xffff, v1  }
0x1f: {  	v2 =	vld [tilespmem:s11+$0x40];
	_ =	sdelay $0x7  }
0x20: {  	[tilespmem:v2+s7+$0x0] =	vst.idx.add.f32.msk $0xffff, v1  }
0x21: {  	v2 =	vld [tilespmem:s11+$0x50];
	_ =	sdelay $0x7  }
0x22: {  	[tilespmem:v2+s7+$0x0] =	vst.idx.add.f32.msk $0xffff, v1  }
0x23: {  	v2 =	vld [tilespmem:s11+$0x60];
	_ =	sdelay $0x7  }
0x24: {  	[tilespmem:v2+s7+$0x0] =	vst.idx.add.f32.msk $0xffff, v1  }
0x25: {  	v2 =	vld [tilespmem:s11+$0x70];
	_ =	sdelay $0x2  }
0x26: {  	p0 =	sne.s32 s10, $0x9E00  }
.Ltmp1:
0x27: {  	_ = 	snop;
	(pc) =	sbr.rel @p0 .LBB2_4-.Ltmp1, $2  }
0x28: {  	_ =	sdelay $0x2  }
0x29: {  	s10 =	sadd.s32 $0x200, s10;
	[tilespmem:v2+s7+$0x0] =	vst.idx.add.f32.msk $0xffff, v1  }
0x2a: {  	s2 =	sadd.s32 $0x1, s2  }
0x2b: {  	p0 =	sne.s32 s2, s5  }
.Ltmp2:
0x2c: {  	_ = 	snop;
	(pc) =	sbr.rel @p0 .LBB2_1-.Ltmp2, $4  }
0x2d: {  	[hbm4b:s4+s8] =	stream.strided.scatter [tilespmem:s7], [sflag:$0x1], $0x2800, s9, s8, $0x38;
	[tilespmem:$0x5000] =	vst v63  }
0x2e: {  	_ =	swait.ge [sflag:s6], $0x2800  }
0x2f: {  	[sflag:s6] =	ssyncset.done $0x0  }
0x30: {  	[sflag:s6] =	ssyncadd.s32 $0xFFFFD800  }
0x31: {  	_ =	sfence.sel $0x180000  }
0x32: {  	[bflag:$0x0] =	sbarrier.arrive $0xFFFF  }
0x33: {  	p0 =	sne.s32 s0, $0x0;
	_ =	strace $0x90000047  }
0x34: {  	s0 =	sadd.s32 @!p0 $0x100000, s1;
	[bflag:$0x2] =	sbarrier.arrive $0xFFFF  }
0x35: {  	[sflag:s0] =	ssyncadd.tile.s32 @!p0 $0x1;
	_ =	shalt  }
.Lfunc_end2:
_tile_overlayer_lowered:
.L_overlay_start_2:
0x36: {  	(tag) =	ssettag $0x2  }
0x37: {  	s0 =	rddreg [dreg:$0x0];
	s2 =	stileid.u32  }
0x38: {  	s1 =	rddreg [dreg:$0x1];
	p0 =	sne.s32 s2, $0x0  }
0x39: {  	s3 =	rddreg [dreg:$0x2];
	[bflag:$0x3] =	sbarrier.arrive $0xFFFF;
	s2 =	simm.s32 @!p0 $0x1C01  }
0x3a: {  	[timem:s3], [sflag:s2] =	dma.local @!p0 [hbm:s0], s1  }
0x3b: {  	s0 =	simm.s32 @!p0 $0x1  }
0x3c: {  	_ =	swait.ge @!p0 [sflag:s0], s1  }
0x3d: {  	s1 =	ssub.s32 @!p0 $0x0, s1;
	[sflag:s0] =	ssyncset.done @!p0 $0x0  }
0x3e: {  	[sflag:s0] =	ssyncadd.s32 @!p0 s1  }
0x3f: {  	[bflag:$0x3] =	sbarrier.arrive $0xFFFF  }
0x40: {  	_ =	shalt  }

// kernel: kernel.15.cloned.1.call-start
scs
__scs_entry_jumppad:
0x0: {  	(pc) =	sbr.rel $0x88, $3  }
0x1: {  	(tag) =	ssettag $0x0;
	lr =	simm.s32 $0x1  }
0x2: {  	[smem:$0x3F95] =	sst lr;
	_ =	strace $0xD0000000  }
0x3: {  	_ = 	snop  }
0x4: {  	_ = 	snop  }
0x5: {  	_ = 	snop  }
0x6: {  	_ = 	snop  }
0x7: {  	_ = 	snop  }
__scs_overlays_trampoline_lowered:
0x8: {  	[smem:$0x3FA4] =	sst s0  }
0x9: {  	[smem:$0x3FA5] =	sst s1  }
0xa: {  	[smem:$0x3FA6] =	sst s2  }
0xb: {  	[smem:$0x3FA7] =	sst s3  }
0xc: {  	[smem:$0x3FA8] =	sst s4  }
0xd: {  	[smem:$0x3FA9] =	sst s5  }
0xe: {  	[smem:$0x3FAA] =	sst s6  }
0xf: {  	[smem:$0x3FAB] =	sst s7  }
0x10: {  	[smem:$0x3FAC] =	sst s8  }
0x11: {  	[smem:$0x3FAD] =	sst s9;
	s0 =	simm.s32 @!p0 $0x0  }
0x12: {  	s1 =	sld [smem:$0x3F93];
	s0 =	simm.s32 @p0 $0x1  }
0x13: {  	[smem:$0x3FAE] =	sst s0;
	s0 =	simm.s32 @!p1 $0x0  }
0x14: {  	s2 =	sld [smem:$0x3F92];
	s0 =	simm.s32 @p1 $0x1  }
0x15: {  	[smem:$0x3FAF] =	sst s0;
	s0 =	simm.s32 @!p2 $0x0  }
0x16: {  	s3 =	sld [smem:$0x3FDB];
	s0 =	simm.s32 @p2 $0x1  }
0x17: {  	s4 =	simm.s32 $0x1BF5;
	[smem:$0x3FB1] =	sst s0  }
0x18: {  	s0 =	sld [smem:$0x3F94];
	_ =	swait.ge [sflag:s4], $0x0  }
0x19: {  	s7 =	sld [smem:$0x3F95]  }
0x1a: {  	s8 =	sadd.s32 $0xFFFFE003, lr  }
0x1b: {  	s9 =	sadd.s32 $0xFFFFFEF7, lr;
	s5 =	simm.s32 $0xFFFFFFFF;
	p2 =	slt.u32 s8, $0xFFFFF086  }
0x1c: {  	p1 =	slt.u32 s9, $0xF7A;
	s5 =	simm.s32 @!p2 $0x0  }
0x1d: {  	s5 =	simm.s32 @p1 $0x1;
	p0 =	seq.s32 s7, s2  }
0x1e: {  	s7 =	smul.u32 @!p0 $0xF7A, s2;
	p2 =	seq.s32 @!p0 s5, $0x0  }
0x1f: {  	s9 =	smul.u32 $0xF7A, s1;
	s8 =	simm.s32 @!p0 $0x1BF5;
	p2 =	por !p2, p0  }
0x20: {  	[sflag:s8] =	ssyncset.s32 @!p0 $0xFFFFF086;
	s6 =	sadd.s32 @!p0 s3, s7;
	s7 =	simm.s32 @!p0 $0x108  }
0x21: {  	s3 =	sadd.s32 s3, s9;
	s6 =	sadd.s32 @!p0 $0x88, s6;
	s7 =	simm.s32 @p2 $0x1082  }
0x22: {  	[simem:s7], [sflag:s8] =	dma.local @!p0 [hbm:s6], $0xF7A  }
0x23: {  	s9 =	sor.u32 $0xD0000000, s2;
	s6 =	simm.s32 $0x108;
	_ =	swait.ge @!p0 [sflag:s8], $0x0  }
0x24: {  	s3 =	sadd.s32 $0x88, s3;
	s6 =	simm.s32 @!p1 $0x1082;
	[sflag:s4] =	ssyncset.s32 $0xFFFFF086  }
0x25: {  	[simem:s6], [sflag:s4] =	dma.local [hbm:s3], $0xF7A  }
0x26: {  	[smem:$0x3F95] =	sst s1;
	(tag) =	ssettag s2;
	_ =	strace s9  }
0x27: {  	s1 =	sld [smem:$0x3FA5]  }
0x28: {  	s2 =	sld [smem:$0x3FA6]  }
0x29: {  	s4 =	sld [smem:$0x3FA8]  }
0x2a: {  	p0 =	seq.s32 s5, $0x0;
	s5 =	sld [smem:$0x3FA9]  }
0x2b: {  	s6 =	sld [smem:$0x3FAA]  }
0x2c: {  	s7 =	sld [smem:$0x3FAB]  }
0x2d: {  	s3 =	simm.s32 $0x108;
	s8 =	sld [smem:$0x3FAC]  }
0x2e: {  	s3 =	simm.s32 @!p0 $0x1082;
	s9 =	sld [smem:$0x3FAD]  }
0x2f: {  	lr =	sadd.s32 s0, s3;
	s0 =	sld [smem:$0x3FA4]  }
0x30: {  	s3 =	sld [smem:$0x3FA7]  }
0x31: {  	[smem:$0x3FB0] =	sst s10  }
0x32: {  	s10 =	sld [smem:$0x3FAE];
	_ =	sdelay $0x3  }
0x33: {  	p0 =	seq.s32 s10, $0x1;
	s10 =	sld [smem:$0x3FB0];
	_ =	sdelay $0x3  }
0x34: {  	[smem:$0x3FB0] =	sst s10  }
0x35: {  	s10 =	sld [smem:$0x3FAF];
	_ =	sdelay $0x3  }
0x36: {  	p1 =	seq.s32 s10, $0x1;
	s10 =	sld [smem:$0x3FB0];
	_ =	sdelay $0x3  }
0x37: {  	[smem:$0x3FB0] =	sst s10  }
0x38: {  	s10 =	sld [smem:$0x3FB1]  }
0x39: {  	_ = 	snop;
	(pc) =	sbr.ind lr, $3  }
0x3a: {  	_ = 	snop  }
0x3b: {  	_ = 	snop  }
0x3c: {  	p2 =	seq.s32 s10, $0x1;
	s10 =	sld [smem:$0x3FB0]  }
0x3d: {  	_ =	shalt  }
0x3e: {  	_ =	shalt  }
0x3f: {  	_ =	shalt  }
0x40: {  	_ =	shalt  }
0x41: {  	_ =	shalt  }
0x42: {  	_ =	shalt  }
0x43: {  	_ =	shalt  }
0x44: {  	_ =	shalt  }
0x45: {  	_ =	shalt  }
0x46: {  	_ =	shalt  }
0x47: {  	_ =	shalt  }
0x48: {  	_ =	shalt  }
0x49: {  	_ =	shalt  }
0x4a: {  	_ =	shalt  }
0x4b: {  	_ =	shalt  }
0x4c: {  	_ =	shalt  }
0x4d: {  	_ =	shalt  }
0x4e: {  	_ =	shalt  }
0x4f: {  	_ =	shalt  }
0x50: {  	_ =	shalt  }
0x51: {  	_ =	shalt  }
0x52: {  	_ =	shalt  }
0x53: {  	_ =	shalt  }
0x54: {  	_ =	shalt  }
0x55: {  	_ =	shalt  }
0x56: {  	_ =	shalt  }
0x57: {  	_ =	shalt  }
0x58: {  	_ =	shalt  }
0x59: {  	_ =	shalt  }
0x5a: {  	_ =	shalt  }
0x5b: {  	_ =	shalt  }
0x5c: {  	_ =	shalt  }
0x5d: {  	_ =	shalt  }
0x5e: {  	_ =	shalt  }
0x5f: {  	_ =	shalt  }
0x60: {  	_ =	shalt  }
0x61: {  	_ =	shalt  }
0x62: {  	_ =	shalt  }
0x63: {  	_ =	shalt  }
0x64: {  	_ =	shalt  }
0x65: {  	_ =	shalt  }
0x66: {  	_ =	shalt  }
0x67: {  	_ =	shalt  }
0x68: {  	_ =	shalt  }
0x69: {  	_ =	shalt  }
0x6a: {  	_ =	shalt  }
0x6b: {  	_ =	shalt  }
0x6c: {  	_ =	shalt  }
0x6d: {  	_ =	shalt  }
0x6e: {  	_ =	shalt  }
0x6f: {  	_ =	shalt  }
0x70: {  	_ =	shalt  }
0x71: {  	_ =	shalt  }
0x72: {  	_ =	shalt  }
0x73: {  	_ =	shalt  }
0x74: {  	_ =	shalt  }
0x75: {  	_ =	shalt  }
0x76: {  	_ =	shalt  }
0x77: {  	_ =	shalt  }
0x78: {  	_ =	shalt  }
0x79: {  	_ =	shalt  }
0x7a: {  	_ =	shalt  }
0x7b: {  	_ =	shalt  }
0x7c: {  	_ =	shalt  }
0x7d: {  	_ =	shalt  }
0x7e: {  	_ =	shalt  }
0x7f: {  	_ =	shalt  }
0x80: {  	_ =	shalt  }
0x81: {  	_ =	shalt  }
0x82: {  	_ =	shalt  }
0x83: {  	_ =	shalt  }
0x84: {  	_ =	shalt  }
0x85: {  	_ =	shalt  }
0x86: {  	_ =	shalt  }
0x87: {  	_ =	shalt  }
.Lfunc_end0:
.L_simem_size_0:
called_computation.1_lowered:
.L_overlay_start_0:
0x88: {  	s2 =	sld [smem:$0x3FD9]  }
0x89: {  	s3 =	sld [smem:$0x3FFE];
	_ =	sdelay $0x1  }
0x8a: {  	s1 =	srdreg.scid  }
0x8b: {  	s0 =	sand.u32 $0x1, s1  }
0x8c: {  	s17 =	sshll.u32 s0, $0xA;
	s2 =	sadd.s32 s3, s2  }
0x8d: {  	s2 =	sadd.s32 s2, s17  }
0x8e: {  	[smem:$0x3FBC] =	sst s2  }
0x8f: {  	_ = 	snop  }
0x90: {  	s2 =	sld [smem:$0x3FD0];
	(tm) =	ssettm $0x1  }
0x91: {  	s18 =	sld [smem:$0x3FFB];
	_ =	sdelay $0x3  }
0x92: {  	_ =	strace s18  }
0x93: {  	s3 =	sld [smem:$0x3FFC];
	_ =	sdelay $0x3  }
0x94: {  	_ =	strace s3  }
0x95: {  	s3 =	sld [smem:$0x3FFD];
	_ =	sdelay $0x3  }
0x96: {  	_ =	strace s3  }
0x97: {  	_ =	strace $0x8FFFFFFF  }
0x98: {  	s19 =	sld [smem:$0x3FDB];
	_ =	sdelay $0x1  }
0x99: {  	s4 =	simm.s32 $_scs_section_size  }
0x9a: {  	s5 =	simm.s32 $_size__tile_overlayer_lowered;
	s6 =	simm.s32 $_tile_overlayer_lowered  }
0x9b: {  	s22 =	simm.s32 $0x1BFF;
	s21 =	sshll.u32 s6, $0x1;
	s3 =	sadd.s32 s4, s19  }
0x9c: {  	s7 =	simm.s32 $0x0;
	s20 =	sshll.u32 s5, $0x1;
	s5 =	sadd.s32 s21, s3  }
0x9d: {  	[timem:s7], [sflag:s22] =	dma.local [hbm:s5], s20  }
0x9e: {  	_ =	swait.ge [sflag:s22], s20  }
0x9f: {  	s4 =	ssub.s32 $0x0, s20;
	[sflag:s22] =	ssyncset.done $0x0  }
0xa0: {  	[sflag:s22] =	ssyncadd.s32 s4;
	_ =	sdelay $0x1  }
0xa1: {  	s23 =	simm.s32 $0x1B8B  }
0xa2: {  	_ =	swait.ge [sflag:s23], $0x1  }
0xa3: {  	[sflag:s23] =	ssyncset.done $0x0  }
0xa4: {  	s25 =	simm.s32 $0x1B8E;
	s24 =	sld [smem:$0x3FFE];
	[sflag:s23] =	ssyncadd.s32 $0xFFFFFFFF  }
0xa5: {  	s26 =	simm.s32 $execute0_lowered;
	[smem:$0x3FD2] =	sst s25  }
0xa6: {  	s5 =	sshll.u32 s26, $0x1;
	_ =	strace $0x80000049;
	[dreg:$0x1] =	wrdreg $0xFFFFFFFF  }
0xa7: {  	s28 =	simm.s32 $_size_execute0_lowered;
	s3 =	sadd.s32 s3, s5;
	[dreg:$0x0] =	wrdreg $0x0  }
0xa8: {  	s5 =	sshll.u32 s28, $0x1;
	[dreg:$0x2] =	wrdreg s3  }
0xa9: {  	[dreg:$0x3] =	wrdreg s5  }
0xaa: {  	[dreg:$0x4] =	wrdreg $0xC0  }
0xab: {  	_ =	task [dreg:s7], $0x5FFFF  }
0xac: {  	[dreg:$0x1] =	wrdreg $0xFFFFFFFF  }
0xad: {  	[dreg:$0x0] =	wrdreg $0x60  }
0xae: {  	[dreg:$0x2] =	wrdreg s24  }
0xaf: {  	[dreg:$0x3] =	wrdreg s2  }
0xb0: {  	[dreg:$0x4] =	wrdreg $0x90000  }
0xb1: {  	[dreg:$0x5] =	wrdreg $0x9  }
0xb2: {  	_ =	task.clear_ibuf [dreg:s7], $0x6FFFF;
	_ =	strace $0x90000049  }
0xb3: {  	s29 =	simm.s32 $0x9;
	_ =	strace $0x8000004D  }
0xb4: {  	_ =	swait.ge [sflag:s29], $0x1  }
0xb5: {  	[sflag:s29] =	ssyncadd.s32 $0xFFFFFFFF  }
0xb6: {  	_ =	strace $0x9000004D  }
0xb7: {  	_ =	sfence  }
0xb8: {  	s30 =	sld [smem:$0x0];
	_ =	sdelay $0x2  }
0xb9: {  	s31 =	sshll.u32 s1, $0xD;
	s1 =	sshrl.u32 s1, $0x2  }
0xba: {  	s3 =	sand.u32 $0x4000, s31;
	s1 =	sadd.s32 s1, s30  }
0xbb: {  	s0 =	sor.u32 s3, s0;
	s1 =	sshll.u32 s1, $0x11  }
0xbc: {  	s0 =	sor.u32 s1, s0  }
0xbd: {  	s0 =	sadd.s32 $0x8F2B, s0  }
0xbe: {  	[sflag:s0] =	ssyncadd.remote.s32 $0x1  }
0xbf: {  	_ =	sfence.sel $0xFFFF  }
0xc0: {  	[dreg:$0x0] =	wrdreg $0xFFFFFFFF;
	(pc) =	sbr.abs _section_cstart, $3  }
0xc1: {  	[dreg:$0x1] =	wrdreg $0xFFFFFFFF  }
0xc2: {  	_ =	task.clear_ibuf [dreg:s7], $0x2FFFF;
	_ =	strace $0x9FFFFFFF  }
0xc3: {  	(tm) =	ssettm $0x7FFFFFFF  }
tec
execute0_lowered:
.L_overlay_start_1:
0x0: {  	(tag) =	ssettag $0x1  }
0x1: {  	s6 =	rddreg [dreg:$0x0]  }
0x2: {  	s11 =	rddreg [dreg:$0x1]  }
0x3: {  	s0 =	srdreg.scid;
	s2 =	rddreg [dreg:$0x2];
	s3 =	simm.s32 $0x0  }
0x4: {  	s15 =	simm.s32 $0x1;
	s16 =	simm.s32 $0x2800;
	s5 =	sand.u32 $0x1, s0  }
0x5: {  	s17 =	simm.s32 $0x80;
	s0 =	stileid.u32;
	s7 =	smul.u32 $0x140000, s5  }
0x6: {  	[smem:$0x7FF] =	sst s3;
	s4 =	sadd.s32 $0x18C00, s6;
	s8 =	smul.u32 $0x14000, s0  }
0x7: {  	s1 =	sshll.u32 s5, $0x4;
	s9 =	smul.u32 $0x50000, s0;
	s5 =	ssub.s32 $0x2, s5  }
0x8: {  	s18 =	sshll.u32 s0, $0x6;
	s1 =	sor.u32 s0, s1;
	s31 =	sshrl.u32 s5, $0x1  }
0x9: {  	s18 =	sor.u32 $0x1C01, s18;
	s12 =	smul.u32 $0x500, s1;
	s1 =	rddreg [dreg:$0x3]  }
0xa: {  	_ =	strace $0x8000004A;
	s7 =	sadd.s32 s8, s7;
	s9 =	sshrl.u32 s9, $0x2  }
0xb: {  	s14 =	ssub.s32 s5, s31;
	s7 =	sshrl.u32 s7, $0x3;
	s5 =	sadd.s32 s9, s2  }
0xc: {  	s10 =	sadd.s32 s12, s6;
	s13 =	sadd.s32 s7, s6;
	s6 =	sadd.s32 $0x4000, s5  }
0xd: {  	s7 =	sadd.s32 $0x8000, s5;
	s8 =	sadd.s32 $0xC000, s5;
	s9 =	sadd.s32 $0x10000, s5  }
0xe: {  	s11 =	sadd.s32 s11, s12;
	s19 =	sshrl.u32 s5, $0x3;
	s10 =	sadd.s32 $0xEC00, s10  }
0xf: {  	v0 =	vimm.f32 $0.0e+00;
	s12 =	sadd.s32 $0x40C00, s13;
	s13 =	smax.u32 s14, $0x1;
	s14 =	simm.s32 $0x5000  }
.LBB2_1:
0x10: {  	s20 =	simm.s32 $0x0;
	s21 =	simm.s32 $0x200  }
.LBB2_2:
0x11: {  	p0 =	sne.s32 s21, $0xFE00;
	[tilespmem:s20+$0x5070] =	vst v0  }
0x12: {  	[tilespmem:s20+$0x5000] =	vst v0  }
0x13: {  	[tilespmem:s20+$0x5010] =	vst v0  }
.Ltmp0:
0x14: {  	[tilespmem:s20+$0x5020] =	vst v0;
	(pc) =	sbr.rel @p0 .LBB2_2-.Ltmp0, $4  }
0x15: {  	[tilespmem:s20+$0x5030] =	vst v0  }
0x16: {  	[tilespmem:s20+$0x5040] =	vst v0  }
0x17: {  	[tilespmem:s20+$0x5050] =	vst v0  }
0x18: {  	[tilespmem:s20+$0x5060] =	vst v0;
	s20 =	sshra.s32 s21, $0x2;
	s21 =	sadd.s32 $0x200, s21  }
0x19: {  	[tilespmem:s20+$0x5070] =	vst v0  }
0x1a: {  	[tilespmem:s20+$0x5000] =	vst v0  }
0x1b: {  	[tilespmem:s20+$0x5010] =	vst v0  }
0x1c: {  	[tilespmem:s20+$0x5020] =	vst v0  }
0x1d: {  	[tilespmem:s20+$0x5030] =	vst v0  }
0x1e: {  	[tilespmem:s20+$0x5040] =	vst v0  }
0x1f: {  	[tilespmem:s20+$0x5050] =	vst v0  }
0x20: {  	[tilespmem:s20+$0x5060] =	vst v0  }
0x21: {  	[spmem:s5] =	stream.linear.scatter [tilespmem:s14], [sflag:$0x1], $0x4000, $0x38;
	[tilespmem:$0x1D000] =	vst v63  }
0x22: {  	_ =	swait.ge [sflag:s15], $0x4000  }
0x23: {  	[sflag:s15] =	ssyncset.done $0x0  }
0x24: {  	[sflag:s15] =	ssyncadd.s32 $0xFFFFC000  }
0x25: {  	[spmem:s6] =	stream.linear.scatter [tilespmem:s14], [sflag:$0x1], $0x4000, $0x38;
	[tilespmem:$0x1D000] =	vst v63  }
0x26: {  	_ =	swait.ge [sflag:s15], $0x4000  }
0x27: {  	[sflag:s15] =	ssyncset.done $0x0  }
0x28: {  	[sflag:s15] =	ssyncadd.s32 $0xFFFFC000  }
0x29: {  	[spmem:s7] =	stream.linear.scatter [tilespmem:s14], [sflag:$0x1], $0x4000, $0x38;
	[tilespmem:$0x1D000] =	vst v63  }
0x2a: {  	_ =	swait.ge [sflag:s15], $0x4000  }
0x2b: {  	[sflag:s15] =	ssyncset.done $0x0  }
0x2c: {  	[sflag:s15] =	ssyncadd.s32 $0xFFFFC000  }
0x2d: {  	[spmem:s8] =	stream.linear.scatter [tilespmem:s14], [sflag:$0x1], $0x4000, $0x38;
	[tilespmem:$0x1D000] =	vst v63  }
0x2e: {  	_ =	swait.ge [sflag:s15], $0x4000  }
0x2f: {  	[sflag:s15] =	ssyncset.done $0x0  }
0x30: {  	[sflag:s15] =	ssyncadd.s32 $0xFFFFC000  }
0x31: {  	[spmem:s9] =	stream.linear.scatter [tilespmem:s14], [sflag:$0x1], $0x4000, $0x38;
	[tilespmem:$0x1D000] =	vst v63  }
0x32: {  	_ =	swait.ge [sflag:s15], $0x4000  }
0x33: {  	[sflag:s15] =	ssyncset.done $0x0  }
0x34: {  	[sflag:s15] =	ssyncadd.s32 $0xFFFFC000  }
0x35: {  	s29 =	simm.s32 $0x0;
	[bflag:$0x0] =	sbarrier.arrive $0xFFFF  }
0x36: {  	[tilespmem:s29], [sflag:$0x1] =	stream.linear.gather [hbm4b:s10+s29], $0x2800, $0x38;
	[tilespmem:$0x1D000] =	vst v63  }
0x37: {  	_ =	swait.ge [sflag:s15], $0x2800  }
0x38: {  	[sflag:s15] =	ssyncset.done $0x0  }
0x39: {  	[sflag:s15] =	ssyncadd.s32 $0xFFFFD800  }
0x3a: {  	[tilespmem:s16], [sflag:$0x1] =	stream.linear.gather [hbm4b:s11+s29], $0x2800, $0x38;
	[tilespmem:$0x1D000] =	vst v63  }
0x3b: {  	_ =	swait.ge [sflag:s15], $0x2800  }
0x3c: {  	[sflag:s15] =	ssyncset.done $0x0  }
0x3d: {  	[sflag:s15] =	ssyncadd.s32 $0xFFFFD800  }
0x3e: {  	s30 =	simm.s32 $0x0;
	_ =	strace $0x8000004B  }
0x3f: {  	[tilespmem:s14], [sflag:$0x1] =	stream.indirect.gather [hbm4b:s4+s17], $0x80, s30, s17, $0x2000b8;
	[tilespmem:$0x1D000] =	vst v63  }
0x40: {  	_ =	swait.ge [sflag:s15], $0x4000  }
0x41: {  	[sflag:s15] =	ssyncset.done $0x0  }
0x42: {  	s31 =	simm.s32 $0x2800;
	[sflag:s15] =	ssyncadd.s32 $0xFFFFC000  }
0x43: {  	[spmem:s2] =	stream.indirect.scatter.add.f32 [tilespmem:s14], [sflag:$0x1], $0x80, s31, s17, $0x2000b8;
	[tilespmem:$0x1D000] =	vst v63  }
0x44: {  	_ =	swait.ge [sflag:s15], $0x4000  }
0x45: {  	s20 =	simm.s32 $0x200;
	s21 =	simm.s32 $0x400;
	[sflag:s15] =	ssyncset.done $0x0  }
.LBB2_4:
0x46: {  	s22 =	sshra.s32 s20, $0x2  }
0x47: {  	[sflag:s15] =	ssyncadd.s32 $0xFFFFC000;
	s20 =	smov.u32 s21;
	s23 =	sadd.s32 $0x200, s21  }
0x48: {  	[tilespmem:s14], [sflag:$0x1] =	stream.indirect.gather [hbm4b:s4+s17], $0x80, s22, s17, $0x2000b8;
	[tilespmem:$0x1D000] =	vst v63  }
0x49: {  	p0 =	sne.s32 s21, $0x9E00;
	_ =	swait.ge [sflag:s15], $0x4000  }
.Ltmp1:
0x4a: {  	[sflag:s15] =	ssyncset.done $0x0;
	(pc) =	sbr.rel @p0 .LBB2_4-.Ltmp1, $4  }
0x4b: {  	s21 =	sadd.s32 $0x2800, s22;
	[sflag:s15] =	ssyncadd.s32 $0xFFFFC000  }
0x4c: {  	[spmem:s2] =	stream.indirect.scatter.add.f32 [tilespmem:s14], [sflag:$0x1], $0x80, s21, s17, $0x2000b8;
	[tilespmem:$0x1D000] =	vst v63  }
0x4d: {  	_ =	swait.ge [sflag:s15], $0x4000  }
0x4e: {  	s21 =	smov.u32 s23;
	[sflag:s15] =	ssyncset.done $0x0  }
0x4f: {  	s20 =	sshra.s32 s20, $0x2;
	[sflag:s15] =	ssyncadd.s32 $0xFFFFC000  }
0x50: {  	[tilespmem:s14], [sflag:$0x1] =	stream.indirect.gather [hbm4b:s4+s17], $0x80, s20, s17, $0x2000b8;
	[tilespmem:$0x1D000] =	vst v63  }
0x51: {  	_ =	swait.ge [sflag:s15], $0x4000  }
0x52: {  	[sflag:s15] =	ssyncset.done $0x0  }
0x53: {  	s20 =	sadd.s32 $0x2800, s20;
	[sflag:s15] =	ssyncadd.s32 $0xFFFFC000  }
0x54: {  	[spmem:s2] =	stream.indirect.scatter.add.f32 [tilespmem:s14], [sflag:$0x1], $0x80, s20, s17, $0x2000b8;
	[tilespmem:$0x1D000] =	vst v63  }
0x55: {  	_ =	swait.ge [sflag:s15], $0x4000  }
0x56: {  	[sflag:s15] =	ssyncset.done $0x0  }
0x57: {  	[sflag:s15] =	ssyncadd.s32 $0xFFFFC000  }
0x58: {  	_ =	strace $0x9000004B  }
0x59: {  	s3 =	sadd.s32 $0x1, s3;
	[bflag:$0x0] =	sbarrier.arrive $0xFFFF  }
0x5a: {  	p0 =	sne.s32 s3, s13;
	_ =	strace $0x8000004C  }
0x5b: {  	[hbm:s12], [sflag:s18] =	dma.local [spmem:s19], $0x2800  }
.Ltmp2:
0x5c: {  	_ = 	snop;
	(pc) =	sbr.rel @p0 .LBB2_1-.Ltmp2, $4  }
0x5d: {  	_ =	swait.ge [sflag:s15], $0x2800  }
0x5e: {  	[sflag:s15] =	ssyncset.done $0x0  }
0x5f: {  	[sflag:s15] =	ssyncadd.s32 $0xFFFFD800  }
0x60: {  	_ =	strace $0x9000004C  }
0x61: {  	_ =	sfence.sel $0x180000  }
0x62: {  	[bflag:$0x0] =	sbarrier.arrive $0xFFFF  }
0x63: {  	p0 =	sne.s32 s0, $0x0;
	_ =	strace $0x9000004A  }
0x64: {  	s0 =	sadd.s32 @!p0 $0x100000, s1;
	[bflag:$0x2] =	sbarrier.arrive $0xFFFF  }
0x65: {  	[sflag:s0] =	ssyncadd.tile.s32 @!p0 $0x1;
	_ =	shalt  }
.Lfunc_end2:
_tile_overlayer_lowered:
.L_overlay_start_2:
0x66: {  	(tag) =	ssettag $0x2  }
0x67: {  	s0 =	rddreg [dreg:$0x0];
	s2 =	stileid.u32  }
0x68: {  	s1 =	rddreg [dreg:$0x1];
	p0 =	sne.s32 s2, $0x0  }
0x69: {  	s3 =	rddreg [dreg:$0x2];
	[bflag:$0x3] =	sbarrier.arrive $0xFFFF;
	s2 =	simm.s32 @!p0 $0x1C01  }
0x6a: {  	[timem:s3], [sflag:s2] =	dma.local @!p0 [hbm:s0], s1  }
0x6b: {  	s0 =	simm.s32 @!p0 $0x1  }
0x6c: {  	_ =	swait.ge @!p0 [sflag:s0], s1  }
0x6d: {  	s1 =	ssub.s32 @!p0 $0x0, s1;
	[sflag:s0] =	ssyncset.done @!p0 $0x0  }
0x6e: {  	[sflag:s0] =	ssyncadd.s32 @!p0 s1  }
0x6f: {  	[bflag:$0x3] =	sbarrier.arrive $0xFFFF  }
0x70: {  	_ =	shalt  }

// kernel: kernel.18.cloned.1.call-start
scs
__scs_entry_jumppad:
0x0: {  	(pc) =	sbr.rel $0x88, $3  }
0x1: {  	(tag) =	ssettag $0x0;
	lr =	simm.s32 $0x1  }
0x2: {  	[smem:$0x3F95] =	sst lr;
	_ =	strace $0xD0000000  }
0x3: {  	_ = 	snop  }
0x4: {  	_ = 	snop  }
0x5: {  	_ = 	snop  }
0x6: {  	_ = 	snop  }
0x7: {  	_ = 	snop  }
__scs_overlays_trampoline_lowered:
0x8: {  	[smem:$0x3FA4] =	sst s0  }
0x9: {  	[smem:$0x3FA5] =	sst s1  }
0xa: {  	[smem:$0x3FA6] =	sst s2  }
0xb: {  	[smem:$0x3FA7] =	sst s3  }
0xc: {  	[smem:$0x3FA8] =	sst s4  }
0xd: {  	[smem:$0x3FA9] =	sst s5  }
0xe: {  	[smem:$0x3FAA] =	sst s6  }
0xf: {  	[smem:$0x3FAB] =	sst s7  }
0x10: {  	[smem:$0x3FAC] =	sst s8  }
0x11: {  	[smem:$0x3FAD] =	sst s9;
	s0 =	simm.s32 @!p0 $0x0  }
0x12: {  	s1 =	sld [smem:$0x3F93];
	s0 =	simm.s32 @p0 $0x1  }
0x13: {  	[smem:$0x3FAE] =	sst s0;
	s0 =	simm.s32 @!p1 $0x0  }
0x14: {  	s2 =	sld [smem:$0x3F92];
	s0 =	simm.s32 @p1 $0x1  }
0x15: {  	[smem:$0x3FAF] =	sst s0;
	s0 =	simm.s32 @!p2 $0x0  }
0x16: {  	s3 =	sld [smem:$0x3FDB];
	s0 =	simm.s32 @p2 $0x1  }
0x17: {  	s4 =	simm.s32 $0x1BF5;
	[smem:$0x3FB1] =	sst s0  }
0x18: {  	s0 =	sld [smem:$0x3F94];
	_ =	swait.ge [sflag:s4], $0x0  }
0x19: {  	s7 =	sld [smem:$0x3F95]  }
0x1a: {  	s8 =	sadd.s32 $0xFFFFE003, lr  }
0x1b: {  	s9 =	sadd.s32 $0xFFFFFEF7, lr;
	s5 =	simm.s32 $0xFFFFFFFF;
	p2 =	slt.u32 s8, $0xFFFFF086  }
0x1c: {  	p1 =	slt.u32 s9, $0xF7A;
	s5 =	simm.s32 @!p2 $0x0  }
0x1d: {  	s5 =	simm.s32 @p1 $0x1;
	p0 =	seq.s32 s7, s2  }
0x1e: {  	s7 =	smul.u32 @!p0 $0xF7A, s2;
	p2 =	seq.s32 @!p0 s5, $0x0  }
0x1f: {  	s9 =	smul.u32 $0xF7A, s1;
	s8 =	simm.s32 @!p0 $0x1BF5;
	p2 =	por !p2, p0  }
0x20: {  	[sflag:s8] =	ssyncset.s32 @!p0 $0xFFFFF086;
	s6 =	sadd.s32 @!p0 s3, s7;
	s7 =	simm.s32 @!p0 $0x108  }
0x21: {  	s3 =	sadd.s32 s3, s9;
	s6 =	sadd.s32 @!p0 $0x88, s6;
	s7 =	simm.s32 @p2 $0x1082  }
0x22: {  	[simem:s7], [sflag:s8] =	dma.local @!p0 [hbm:s6], $0xF7A  }
0x23: {  	s9 =	sor.u32 $0xD0000000, s2;
	s6 =	simm.s32 $0x108;
	_ =	swait.ge @!p0 [sflag:s8], $0x0  }
0x24: {  	s3 =	sadd.s32 $0x88, s3;
	s6 =	simm.s32 @!p1 $0x1082;
	[sflag:s4] =	ssyncset.s32 $0xFFFFF086  }
0x25: {  	[simem:s6], [sflag:s4] =	dma.local [hbm:s3], $0xF7A  }
0x26: {  	[smem:$0x3F95] =	sst s1;
	(tag) =	ssettag s2;
	_ =	strace s9  }
0x27: {  	s1 =	sld [smem:$0x3FA5]  }
0x28: {  	s2 =	sld [smem:$0x3FA6]  }
0x29: {  	s4 =	sld [smem:$0x3FA8]  }
0x2a: {  	p0 =	seq.s32 s5, $0x0;
	s5 =	sld [smem:$0x3FA9]  }
0x2b: {  	s6 =	sld [smem:$0x3FAA]  }
0x2c: {  	s7 =	sld [smem:$0x3FAB]  }
0x2d: {  	s3 =	simm.s32 $0x108;
	s8 =	sld [smem:$0x3FAC]  }
0x2e: {  	s3 =	simm.s32 @!p0 $0x1082;
	s9 =	sld [smem:$0x3FAD]  }
0x2f: {  	lr =	sadd.s32 s0, s3;
	s0 =	sld [smem:$0x3FA4]  }
0x30: {  	s3 =	sld [smem:$0x3FA7]  }
0x31: {  	[smem:$0x3FB0] =	sst s10  }
0x32: {  	s10 =	sld [smem:$0x3FAE];
	_ =	sdelay $0x3  }
0x33: {  	p0 =	seq.s32 s10, $0x1;
	s10 =	sld [smem:$0x3FB0];
	_ =	sdelay $0x3  }
0x34: {  	[smem:$0x3FB0] =	sst s10  }
0x35: {  	s10 =	sld [smem:$0x3FAF];
	_ =	sdelay $0x3  }
0x36: {  	p1 =	seq.s32 s10, $0x1;
	s10 =	sld [smem:$0x3FB0];
	_ =	sdelay $0x3  }
0x37: {  	[smem:$0x3FB0] =	sst s10  }
0x38: {  	s10 =	sld [smem:$0x3FB1]  }
0x39: {  	_ = 	snop;
	(pc) =	sbr.ind lr, $3  }
0x3a: {  	_ = 	snop  }
0x3b: {  	_ = 	snop  }
0x3c: {  	p2 =	seq.s32 s10, $0x1;
	s10 =	sld [smem:$0x3FB0]  }
0x3d: {  	_ =	shalt  }
0x3e: {  	_ =	shalt  }
0x3f: {  	_ =	shalt  }
0x40: {  	_ =	shalt  }
0x41: {  	_ =	shalt  }
0x42: {  	_ =	shalt  }
0x43: {  	_ =	shalt  }
0x44: {  	_ =	shalt  }
0x45: {  	_ =	shalt  }
0x46: {  	_ =	shalt  }
0x47: {  	_ =	shalt  }
0x48: {  	_ =	shalt  }
0x49: {  	_ =	shalt  }
0x4a: {  	_ =	shalt  }
0x4b: {  	_ =	shalt  }
0x4c: {  	_ =	shalt  }
0x4d: {  	_ =	shalt  }
0x4e: {  	_ =	shalt  }
0x4f: {  	_ =	shalt  }
0x50: {  	_ =	shalt  }
0x51: {  	_ =	shalt  }
0x52: {  	_ =	shalt  }
0x53: {  	_ =	shalt  }
0x54: {  	_ =	shalt  }
0x55: {  	_ =	shalt  }
0x56: {  	_ =	shalt  }
0x57: {  	_ =	shalt  }
0x58: {  	_ =	shalt  }
0x59: {  	_ =	shalt  }
0x5a: {  	_ =	shalt  }
0x5b: {  	_ =	shalt  }
0x5c: {  	_ =	shalt  }
0x5d: {  	_ =	shalt  }
0x5e: {  	_ =	shalt  }
0x5f: {  	_ =	shalt  }
0x60: {  	_ =	shalt  }
0x61: {  	_ =	shalt  }
0x62: {  	_ =	shalt  }
0x63: {  	_ =	shalt  }
0x64: {  	_ =	shalt  }
0x65: {  	_ =	shalt  }
0x66: {  	_ =	shalt  }
0x67: {  	_ =	shalt  }
0x68: {  	_ =	shalt  }
0x69: {  	_ =	shalt  }
0x6a: {  	_ =	shalt  }
0x6b: {  	_ =	shalt  }
0x6c: {  	_ =	shalt  }
0x6d: {  	_ =	shalt  }
0x6e: {  	_ =	shalt  }
0x6f: {  	_ =	shalt  }
0x70: {  	_ =	shalt  }
0x71: {  	_ =	shalt  }
0x72: {  	_ =	shalt  }
0x73: {  	_ =	shalt  }
0x74: {  	_ =	shalt  }
0x75: {  	_ =	shalt  }
0x76: {  	_ =	shalt  }
0x77: {  	_ =	shalt  }
0x78: {  	_ =	shalt  }
0x79: {  	_ =	shalt  }
0x7a: {  	_ =	shalt  }
0x7b: {  	_ =	shalt  }
0x7c: {  	_ =	shalt  }
0x7d: {  	_ =	shalt  }
0x7e: {  	_ =	shalt  }
0x7f: {  	_ =	shalt  }
0x80: {  	_ =	shalt  }
0x81: {  	_ =	shalt  }
0x82: {  	_ =	shalt  }
0x83: {  	_ =	shalt  }
0x84: {  	_ =	shalt  }
0x85: {  	_ =	shalt  }
0x86: {  	_ =	shalt  }
0x87: {  	_ =	shalt  }
.Lfunc_end0:
.L_simem_size_0:
called_computation.2_lowered:
.L_overlay_start_0:
0x88: {  	s2 =	sld [smem:$0x3FD9]  }
0x89: {  	s3 =	sld [smem:$0x3FFE];
	_ =	sdelay $0x1  }
0x8a: {  	s1 =	srdreg.scid  }
0x8b: {  	s0 =	sand.u32 $0x1, s1  }
0x8c: {  	s17 =	sshll.u32 s0, $0xA;
	s2 =	sadd.s32 s3, s2  }
0x8d: {  	s2 =	sadd.s32 s2, s17  }
0x8e: {  	[smem:$0x3FBC] =	sst s2  }
0x8f: {  	_ = 	snop  }
0x90: {  	s2 =	sld [smem:$0x3FD0];
	(tm) =	ssettm $0x1  }
0x91: {  	s18 =	sld [smem:$0x3FFB];
	_ =	sdelay $0x3  }
0x92: {  	_ =	strace s18  }
0x93: {  	s3 =	sld [smem:$0x3FFC];
	_ =	sdelay $0x3  }
0x94: {  	_ =	strace s3  }
0x95: {  	s3 =	sld [smem:$0x3FFD];
	_ =	sdelay $0x3  }
0x96: {  	_ =	strace s3  }
0x97: {  	_ =	strace $0x8FFFFFFF  }
0x98: {  	s19 =	sld [smem:$0x3FDB];
	_ =	sdelay $0x1  }
0x99: {  	s4 =	simm.s32 $_scs_section_size  }
0x9a: {  	s5 =	simm.s32 $_size__tile_overlayer_lowered;
	s6 =	simm.s32 $_tile_overlayer_lowered  }
0x9b: {  	s22 =	simm.s32 $0x1BFF;
	s21 =	sshll.u32 s6, $0x1;
	s3 =	sadd.s32 s4, s19  }
0x9c: {  	s7 =	simm.s32 $0x0;
	s20 =	sshll.u32 s5, $0x1;
	s5 =	sadd.s32 s21, s3  }
0x9d: {  	[timem:s7], [sflag:s22] =	dma.local [hbm:s5], s20  }
0x9e: {  	_ =	swait.ge [sflag:s22], s20  }
0x9f: {  	s4 =	ssub.s32 $0x0, s20;
	[sflag:s22] =	ssyncset.done $0x0  }
0xa0: {  	[sflag:s22] =	ssyncadd.s32 s4;
	_ =	sdelay $0x1  }
0xa1: {  	s23 =	simm.s32 $0x1B8B  }
0xa2: {  	_ =	swait.ge [sflag:s23], $0x1  }
0xa3: {  	[sflag:s23] =	ssyncset.done $0x0  }
0xa4: {  	s25 =	simm.s32 $0x1B8E;
	s24 =	sld [smem:$0x3FFE];
	[sflag:s23] =	ssyncadd.s32 $0xFFFFFFFF  }
0xa5: {  	s26 =	simm.s32 $execute0_lowered;
	[smem:$0x3FD2] =	sst s25  }
0xa6: {  	s5 =	sshll.u32 s26, $0x1;
	_ =	strace $0x8000004E;
	[dreg:$0x1] =	wrdreg $0xFFFFFFFF  }
0xa7: {  	s28 =	simm.s32 $_size_execute0_lowered;
	s3 =	sadd.s32 s3, s5;
	[dreg:$0x0] =	wrdreg $0x0  }
0xa8: {  	s5 =	sshll.u32 s28, $0x1;
	[dreg:$0x2] =	wrdreg s3  }
0xa9: {  	[dreg:$0x3] =	wrdreg s5  }
0xaa: {  	[dreg:$0x4] =	wrdreg $0xC0  }
0xab: {  	_ =	task [dreg:s7], $0x5FFFF  }
0xac: {  	[dreg:$0x1] =	wrdreg $0xFFFFFFFF  }
0xad: {  	[dreg:$0x0] =	wrdreg $0x60  }
0xae: {  	[dreg:$0x2] =	wrdreg s24  }
0xaf: {  	[dreg:$0x3] =	wrdreg s2  }
0xb0: {  	[dreg:$0x4] =	wrdreg $0x90000  }
0xb1: {  	[dreg:$0x5] =	wrdreg $0x9  }
0xb2: {  	_ =	task.clear_ibuf [dreg:s7], $0x6FFFF;
	_ =	strace $0x9000004E  }
0xb3: {  	s29 =	simm.s32 $0x9;
	_ =	strace $0x80000052  }
0xb4: {  	_ =	swait.ge [sflag:s29], $0x1  }
0xb5: {  	[sflag:s29] =	ssyncadd.s32 $0xFFFFFFFF  }
0xb6: {  	_ =	strace $0x90000052  }
0xb7: {  	_ =	sfence  }
0xb8: {  	s30 =	sld [smem:$0x0];
	_ =	sdelay $0x2  }
0xb9: {  	s31 =	sshll.u32 s1, $0xD;
	s1 =	sshrl.u32 s1, $0x2  }
0xba: {  	s3 =	sand.u32 $0x4000, s31;
	s1 =	sadd.s32 s1, s30  }
0xbb: {  	s0 =	sor.u32 s3, s0;
	s1 =	sshll.u32 s1, $0x11  }
0xbc: {  	s0 =	sor.u32 s1, s0  }
0xbd: {  	s0 =	sadd.s32 $0x8F2B, s0  }
0xbe: {  	[sflag:s0] =	ssyncadd.remote.s32 $0x1  }
0xbf: {  	_ =	sfence.sel $0xFFFF  }
0xc0: {  	[dreg:$0x0] =	wrdreg $0xFFFFFFFF;
	(pc) =	sbr.abs _section_cstart, $3  }
0xc1: {  	[dreg:$0x1] =	wrdreg $0xFFFFFFFF  }
0xc2: {  	_ =	task.clear_ibuf [dreg:s7], $0x2FFFF;
	_ =	strace $0x9FFFFFFF  }
0xc3: {  	(tm) =	ssettm $0x7FFFFFFF  }
tec
execute0_lowered:
.L_overlay_start_1:
0x0: {  	(tag) =	ssettag $0x1  }
0x1: {  	s6 =	rddreg [dreg:$0x0]  }
0x2: {  	s11 =	rddreg [dreg:$0x1]  }
0x3: {  	s0 =	srdreg.scid;
	s2 =	rddreg [dreg:$0x2];
	s3 =	simm.s32 $0x0  }
0x4: {  	s15 =	simm.s32 $0x1;
	s16 =	simm.s32 $0x2800;
	s5 =	sand.u32 $0x1, s0  }
0x5: {  	s17 =	simm.s32 $0x80;
	s0 =	stileid.u32;
	s7 =	smul.u32 $0x140000, s5  }
0x6: {  	[smem:$0x7FF] =	sst s3;
	s4 =	sadd.s32 $0x18C00, s6;
	s8 =	smul.u32 $0x14000, s0  }
0x7: {  	s1 =	sshll.u32 s5, $0x4;
	s9 =	smul.u32 $0x50000, s0;
	s5 =	ssub.s32 $0x2, s5  }
0x8: {  	s18 =	sshll.u32 s0, $0x6;
	s1 =	sor.u32 s0, s1;
	s31 =	sshrl.u32 s5, $0x1  }
0x9: {  	s18 =	sor.u32 $0x1C01, s18;
	s12 =	smul.u32 $0x500, s1;
	s1 =	rddreg [dreg:$0x3]  }
0xa: {  	_ =	strace $0x8000004F;
	s7 =	sadd.s32 s8, s7;
	s9 =	sshrl.u32 s9, $0x2  }
0xb: {  	s14 =	ssub.s32 s5, s31;
	s7 =	sshrl.u32 s7, $0x3;
	s5 =	sadd.s32 s9, s2  }
0xc: {  	s10 =	sadd.s32 s12, s6;
	s13 =	sadd.s32 s7, s6;
	s6 =	sadd.s32 $0x4000, s5  }
0xd: {  	s7 =	sadd.s32 $0x8000, s5;
	s8 =	sadd.s32 $0xC000, s5;
	s9 =	sadd.s32 $0x10000, s5  }
0xe: {  	s11 =	sadd.s32 s11, s12;
	s19 =	sshrl.u32 s5, $0x3;
	s10 =	sadd.s32 $0xEC00, s10  }
0xf: {  	v0 =	vimm.f32 $0.0e+00;
	s12 =	sadd.s32 $0x68C00, s13;
	s13 =	smax.u32 s14, $0x1;
	s14 =	simm.s32 $0x5000  }
.LBB2_1:
0x10: {  	s20 =	simm.s32 $0x0;
	s21 =	simm.s32 $0x200  }
.LBB2_2:
0x11: {  	p0 =	sne.s32 s21, $0xFE00;
	[tilespmem:s20+$0x5070] =	vst v0  }
0x12: {  	[tilespmem:s20+$0x5000] =	vst v0  }
0x13: {  	[tilespmem:s20+$0x5010] =	vst v0  }
.Ltmp0:
0x14: {  	[tilespmem:s20+$0x5020] =	vst v0;
	(pc) =	sbr.rel @p0 .LBB2_2-.Ltmp0, $4  }
0x15: {  	[tilespmem:s20+$0x5030] =	vst v0  }
0x16: {  	[tilespmem:s20+$0x5040] =	vst v0  }
0x17: {  	[tilespmem:s20+$0x5050] =	vst v0  }
0x18: {  	[tilespmem:s20+$0x5060] =	vst v0;
	s20 =	sshra.s32 s21, $0x2;
	s21 =	sadd.s32 $0x200, s21  }
0x19: {  	[tilespmem:s20+$0x5070] =	vst v0  }
0x1a: {  	[tilespmem:s20+$0x5000] =	vst v0  }
0x1b: {  	[tilespmem:s20+$0x5010] =	vst v0  }
0x1c: {  	[tilespmem:s20+$0x5020] =	vst v0  }
0x1d: {  	[tilespmem:s20+$0x5030] =	vst v0  }
0x1e: {  	[tilespmem:s20+$0x5040] =	vst v0  }
0x1f: {  	[tilespmem:s20+$0x5050] =	vst v0  }
0x20: {  	[tilespmem:s20+$0x5060] =	vst v0  }
0x21: {  	[spmem:s5] =	stream.linear.scatter [tilespmem:s14], [sflag:$0x1], $0x4000, $0x38;
	[tilespmem:$0x1D000] =	vst v63  }
0x22: {  	_ =	swait.ge [sflag:s15], $0x4000  }
0x23: {  	[sflag:s15] =	ssyncset.done $0x0  }
0x24: {  	[sflag:s15] =	ssyncadd.s32 $0xFFFFC000  }
0x25: {  	[spmem:s6] =	stream.linear.scatter [tilespmem:s14], [sflag:$0x1], $0x4000, $0x38;
	[tilespmem:$0x1D000] =	vst v63  }
0x26: {  	_ =	swait.ge [sflag:s15], $0x4000  }
0x27: {  	[sflag:s15] =	ssyncset.done $0x0  }
0x28: {  	[sflag:s15] =	ssyncadd.s32 $0xFFFFC000  }
0x29: {  	[spmem:s7] =	stream.linear.scatter [tilespmem:s14], [sflag:$0x1], $0x4000, $0x38;
	[tilespmem:$0x1D000] =	vst v63  }
0x2a: {  	_ =	swait.ge [sflag:s15], $0x4000  }
0x2b: {  	[sflag:s15] =	ssyncset.done $0x0  }
0x2c: {  	[sflag:s15] =	ssyncadd.s32 $0xFFFFC000  }
0x2d: {  	[spmem:s8] =	stream.linear.scatter [tilespmem:s14], [sflag:$0x1], $0x4000, $0x38;
	[tilespmem:$0x1D000] =	vst v63  }
0x2e: {  	_ =	swait.ge [sflag:s15], $0x4000  }
0x2f: {  	[sflag:s15] =	ssyncset.done $0x0  }
0x30: {  	[sflag:s15] =	ssyncadd.s32 $0xFFFFC000  }
0x31: {  	[spmem:s9] =	stream.linear.scatter [tilespmem:s14], [sflag:$0x1], $0x4000, $0x38;
	[tilespmem:$0x1D000] =	vst v63  }
0x32: {  	_ =	swait.ge [sflag:s15], $0x4000  }
0x33: {  	[sflag:s15] =	ssyncset.done $0x0  }
0x34: {  	[sflag:s15] =	ssyncadd.s32 $0xFFFFC000  }
0x35: {  	s29 =	simm.s32 $0x0;
	[bflag:$0x0] =	sbarrier.arrive $0xFFFF  }
0x36: {  	[tilespmem:s29], [sflag:$0x1] =	stream.linear.gather [hbm4b:s10+s29], $0x2800, $0x38;
	[tilespmem:$0x1D000] =	vst v63  }
0x37: {  	_ =	swait.ge [sflag:s15], $0x2800  }
0x38: {  	[sflag:s15] =	ssyncset.done $0x0  }
0x39: {  	[sflag:s15] =	ssyncadd.s32 $0xFFFFD800  }
0x3a: {  	[tilespmem:s16], [sflag:$0x1] =	stream.linear.gather [hbm4b:s11+s29], $0x2800, $0x38;
	[tilespmem:$0x1D000] =	vst v63  }
0x3b: {  	_ =	swait.ge [sflag:s15], $0x2800  }
0x3c: {  	[sflag:s15] =	ssyncset.done $0x0  }
0x3d: {  	[sflag:s15] =	ssyncadd.s32 $0xFFFFD800  }
0x3e: {  	s30 =	simm.s32 $0x0;
	_ =	strace $0x80000050  }
0x3f: {  	[tilespmem:s14], [sflag:$0x1] =	stream.indirect.gather [hbm4b:s4+s17], $0x80, s30, s17, $0x2000b8;
	[tilespmem:$0x1D000] =	vst v63  }
0x40: {  	_ =	swait.ge [sflag:s15], $0x4000  }
0x41: {  	[sflag:s15] =	ssyncset.done $0x0  }
0x42: {  	s31 =	simm.s32 $0x2800;
	[sflag:s15] =	ssyncadd.s32 $0xFFFFC000  }
0x43: {  	[spmem:s2] =	stream.indirect.scatter.add.f32 [tilespmem:s14], [sflag:$0x1], $0x80, s31, s17, $0x2000b8;
	[tilespmem:$0x1D000] =	vst v63  }
0x44: {  	_ =	swait.ge [sflag:s15], $0x4000  }
0x45: {  	s20 =	simm.s32 $0x200;
	s21 =	simm.s32 $0x400;
	[sflag:s15] =	ssyncset.done $0x0  }
.LBB2_4:
0x46: {  	s22 =	sshra.s32 s20, $0x2  }
0x47: {  	[sflag:s15] =	ssyncadd.s32 $0xFFFFC000;
	s20 =	smov.u32 s21;
	s23 =	sadd.s32 $0x200, s21  }
0x48: {  	[tilespmem:s14], [sflag:$0x1] =	stream.indirect.gather [hbm4b:s4+s17], $0x80, s22, s17, $0x2000b8;
	[tilespmem:$0x1D000] =	vst v63  }
0x49: {  	p0 =	sne.s32 s21, $0x9E00;
	_ =	swait.ge [sflag:s15], $0x4000  }
.Ltmp1:
0x4a: {  	[sflag:s15] =	ssyncset.done $0x0;
	(pc) =	sbr.rel @p0 .LBB2_4-.Ltmp1, $4  }
0x4b: {  	s21 =	sadd.s32 $0x2800, s22;
	[sflag:s15] =	ssyncadd.s32 $0xFFFFC000  }
0x4c: {  	[spmem:s2] =	stream.indirect.scatter.add.f32 [tilespmem:s14], [sflag:$0x1], $0x80, s21, s17, $0x2000b8;
	[tilespmem:$0x1D000] =	vst v63  }
0x4d: {  	_ =	swait.ge [sflag:s15], $0x4000  }
0x4e: {  	s21 =	smov.u32 s23;
	[sflag:s15] =	ssyncset.done $0x0  }
0x4f: {  	s20 =	sshra.s32 s20, $0x2;
	[sflag:s15] =	ssyncadd.s32 $0xFFFFC000  }
0x50: {  	[tilespmem:s14], [sflag:$0x1] =	stream.indirect.gather [hbm4b:s4+s17], $0x80, s20, s17, $0x2000b8;
	[tilespmem:$0x1D000] =	vst v63  }
0x51: {  	_ =	swait.ge [sflag:s15], $0x4000  }
0x52: {  	[sflag:s15] =	ssyncset.done $0x0  }
0x53: {  	s20 =	sadd.s32 $0x2800, s20;
	[sflag:s15] =	ssyncadd.s32 $0xFFFFC000  }
0x54: {  	[spmem:s2] =	stream.indirect.scatter.add.f32 [tilespmem:s14], [sflag:$0x1], $0x80, s20, s17, $0x2000b8;
	[tilespmem:$0x1D000] =	vst v63  }
0x55: {  	_ =	swait.ge [sflag:s15], $0x4000  }
0x56: {  	[sflag:s15] =	ssyncset.done $0x0  }
0x57: {  	[sflag:s15] =	ssyncadd.s32 $0xFFFFC000  }
0x58: {  	_ =	strace $0x90000050  }
0x59: {  	s3 =	sadd.s32 $0x1, s3;
	[bflag:$0x0] =	sbarrier.arrive $0xFFFF  }
0x5a: {  	p0 =	sne.s32 s3, s13;
	_ =	strace $0x80000051  }
0x5b: {  	[hbm:s12], [sflag:s18] =	dma.local [spmem:s19], $0x2800  }
.Ltmp2:
0x5c: {  	_ = 	snop;
	(pc) =	sbr.rel @p0 .LBB2_1-.Ltmp2, $4  }
0x5d: {  	_ =	swait.ge [sflag:s15], $0x2800  }
0x5e: {  	[sflag:s15] =	ssyncset.done $0x0  }
0x5f: {  	[sflag:s15] =	ssyncadd.s32 $0xFFFFD800  }
0x60: {  	_ =	strace $0x90000051  }
0x61: {  	_ =	sfence.sel $0x180000  }
0x62: {  	[bflag:$0x0] =	sbarrier.arrive $0xFFFF  }
0x63: {  	p0 =	sne.s32 s0, $0x0;
	_ =	strace $0x9000004F  }
0x64: {  	s0 =	sadd.s32 @!p0 $0x100000, s1;
	[bflag:$0x2] =	sbarrier.arrive $0xFFFF  }
0x65: {  	[sflag:s0] =	ssyncadd.tile.s32 @!p0 $0x1;
	_ =	shalt  }
.Lfunc_end2:
_tile_overlayer_lowered:
.L_overlay_start_2:
0x66: {  	(tag) =	ssettag $0x2  }
0x67: {  	s0 =	rddreg [dreg:$0x0];
	s2 =	stileid.u32  }
0x68: {  	s1 =	rddreg [dreg:$0x1];
	p0 =	sne.s32 s2, $0x0  }
0x69: {  	s3 =	rddreg [dreg:$0x2];
	[bflag:$0x3] =	sbarrier.arrive $0xFFFF;
	s2 =	simm.s32 @!p0 $0x1C01  }
0x6a: {  	[timem:s3], [sflag:s2] =	dma.local @!p0 [hbm:s0], s1  }
0x6b: {  	s0 =	simm.s32 @!p0 $0x1  }
0x6c: {  	_ =	swait.ge @!p0 [sflag:s0], s1  }
0x6d: {  	s1 =	ssub.s32 @!p0 $0x0, s1;
	[sflag:s0] =	ssyncset.done @!p0 $0x0  }
0x6e: {  	[sflag:s0] =	ssyncadd.s32 @!p0 s1  }
0x6f: {  	[bflag:$0x3] =	sbarrier.arrive $0xFFFF  }
0x70: {  	_ =	shalt  }

// kernel: kernel.21.cloned.1.call-start
scs
__scs_entry_jumppad:
0x0: {  	(pc) =	sbr.rel $0x88, $3  }
0x1: {  	(tag) =	ssettag $0x0;
	lr =	simm.s32 $0x1  }
0x2: {  	[smem:$0x3F95] =	sst lr;
	_ =	strace $0xD0000000  }
0x3: {  	_ = 	snop  }
0x4: {  	_ = 	snop  }
0x5: {  	_ = 	snop  }
0x6: {  	_ = 	snop  }
0x7: {  	_ = 	snop  }
__scs_overlays_trampoline_lowered:
0x8: {  	[smem:$0x3FA4] =	sst s0  }
0x9: {  	[smem:$0x3FA5] =	sst s1  }
0xa: {  	[smem:$0x3FA6] =	sst s2  }
0xb: {  	[smem:$0x3FA7] =	sst s3  }
0xc: {  	[smem:$0x3FA8] =	sst s4  }
0xd: {  	[smem:$0x3FA9] =	sst s5  }
0xe: {  	[smem:$0x3FAA] =	sst s6  }
0xf: {  	[smem:$0x3FAB] =	sst s7  }
0x10: {  	[smem:$0x3FAC] =	sst s8  }
0x11: {  	[smem:$0x3FAD] =	sst s9;
	s0 =	simm.s32 @!p0 $0x0  }
0x12: {  	s1 =	sld [smem:$0x3F93];
	s0 =	simm.s32 @p0 $0x1  }
0x13: {  	[smem:$0x3FAE] =	sst s0;
	s0 =	simm.s32 @!p1 $0x0  }
0x14: {  	s2 =	sld [smem:$0x3F92];
	s0 =	simm.s32 @p1 $0x1  }
0x15: {  	[smem:$0x3FAF] =	sst s0;
	s0 =	simm.s32 @!p2 $0x0  }
0x16: {  	s3 =	sld [smem:$0x3FDB];
	s0 =	simm.s32 @p2 $0x1  }
0x17: {  	s4 =	simm.s32 $0x1BF5;
	[smem:$0x3FB1] =	sst s0  }
0x18: {  	s0 =	sld [smem:$0x3F94];
	_ =	swait.ge [sflag:s4], $0x0  }
0x19: {  	s7 =	sld [smem:$0x3F95]  }
0x1a: {  	s8 =	sadd.s32 $0xFFFFE003, lr  }
0x1b: {  	s9 =	sadd.s32 $0xFFFFFEF7, lr;
	s5 =	simm.s32 $0xFFFFFFFF;
	p2 =	slt.u32 s8, $0xFFFFF086  }
0x1c: {  	p1 =	slt.u32 s9, $0xF7A;
	s5 =	simm.s32 @!p2 $0x0  }
0x1d: {  	s5 =	simm.s32 @p1 $0x1;
	p0 =	seq.s32 s7, s2  }
0x1e: {  	s7 =	smul.u32 @!p0 $0xF7A, s2;
	p2 =	seq.s32 @!p0 s5, $0x0  }
0x1f: {  	s9 =	smul.u32 $0xF7A, s1;
	s8 =	simm.s32 @!p0 $0x1BF5;
	p2 =	por !p2, p0  }
0x20: {  	[sflag:s8] =	ssyncset.s32 @!p0 $0xFFFFF086;
	s6 =	sadd.s32 @!p0 s3, s7;
	s7 =	simm.s32 @!p0 $0x108  }
0x21: {  	s3 =	sadd.s32 s3, s9;
	s6 =	sadd.s32 @!p0 $0x88, s6;
	s7 =	simm.s32 @p2 $0x1082  }
0x22: {  	[simem:s7], [sflag:s8] =	dma.local @!p0 [hbm:s6], $0xF7A  }
0x23: {  	s9 =	sor.u32 $0xD0000000, s2;
	s6 =	simm.s32 $0x108;
	_ =	swait.ge @!p0 [sflag:s8], $0x0  }
0x24: {  	s3 =	sadd.s32 $0x88, s3;
	s6 =	simm.s32 @!p1 $0x1082;
	[sflag:s4] =	ssyncset.s32 $0xFFFFF086  }
0x25: {  	[simem:s6], [sflag:s4] =	dma.local [hbm:s3], $0xF7A  }
0x26: {  	[smem:$0x3F95] =	sst s1;
	(tag) =	ssettag s2;
	_ =	strace s9  }
0x27: {  	s1 =	sld [smem:$0x3FA5]  }
0x28: {  	s2 =	sld [smem:$0x3FA6]  }
0x29: {  	s4 =	sld [smem:$0x3FA8]  }
0x2a: {  	p0 =	seq.s32 s5, $0x0;
	s5 =	sld [smem:$0x3FA9]  }
0x2b: {  	s6 =	sld [smem:$0x3FAA]  }
0x2c: {  	s7 =	sld [smem:$0x3FAB]  }
0x2d: {  	s3 =	simm.s32 $0x108;
	s8 =	sld [smem:$0x3FAC]  }
0x2e: {  	s3 =	simm.s32 @!p0 $0x1082;
	s9 =	sld [smem:$0x3FAD]  }
0x2f: {  	lr =	sadd.s32 s0, s3;
	s0 =	sld [smem:$0x3FA4]  }
0x30: {  	s3 =	sld [smem:$0x3FA7]  }
0x31: {  	[smem:$0x3FB0] =	sst s10  }
0x32: {  	s10 =	sld [smem:$0x3FAE];
	_ =	sdelay $0x3  }
0x33: {  	p0 =	seq.s32 s10, $0x1;
	s10 =	sld [smem:$0x3FB0];
	_ =	sdelay $0x3  }
0x34: {  	[smem:$0x3FB0] =	sst s10  }
0x35: {  	s10 =	sld [smem:$0x3FAF];
	_ =	sdelay $0x3  }
0x36: {  	p1 =	seq.s32 s10, $0x1;
	s10 =	sld [smem:$0x3FB0];
	_ =	sdelay $0x3  }
0x37: {  	[smem:$0x3FB0] =	sst s10  }
0x38: {  	s10 =	sld [smem:$0x3FB1]  }
0x39: {  	_ = 	snop;
	(pc) =	sbr.ind lr, $3  }
0x3a: {  	_ = 	snop  }
0x3b: {  	_ = 	snop  }
0x3c: {  	p2 =	seq.s32 s10, $0x1;
	s10 =	sld [smem:$0x3FB0]  }
0x3d: {  	_ =	shalt  }
0x3e: {  	_ =	shalt  }
0x3f: {  	_ =	shalt  }
0x40: {  	_ =	shalt  }
0x41: {  	_ =	shalt  }
0x42: {  	_ =	shalt  }
0x43: {  	_ =	shalt  }
0x44: {  	_ =	shalt  }
0x45: {  	_ =	shalt  }
0x46: {  	_ =	shalt  }
0x47: {  	_ =	shalt  }
0x48: {  	_ =	shalt  }
0x49: {  	_ =	shalt  }
0x4a: {  	_ =	shalt  }
0x4b: {  	_ =	shalt  }
0x4c: {  	_ =	shalt  }
0x4d: {  	_ =	shalt  }
0x4e: {  	_ =	shalt  }
0x4f: {  	_ =	shalt  }
0x50: {  	_ =	shalt  }
0x51: {  	_ =	shalt  }
0x52: {  	_ =	shalt  }
0x53: {  	_ =	shalt  }
0x54: {  	_ =	shalt  }
0x55: {  	_ =	shalt  }
0x56: {  	_ =	shalt  }
0x57: {  	_ =	shalt  }
0x58: {  	_ =	shalt  }
0x59: {  	_ =	shalt  }
0x5a: {  	_ =	shalt  }
0x5b: {  	_ =	shalt  }
0x5c: {  	_ =	shalt  }
0x5d: {  	_ =	shalt  }
0x5e: {  	_ =	shalt  }
0x5f: {  	_ =	shalt  }
0x60: {  	_ =	shalt  }
0x61: {  	_ =	shalt  }
0x62: {  	_ =	shalt  }
0x63: {  	_ =	shalt  }
0x64: {  	_ =	shalt  }
0x65: {  	_ =	shalt  }
0x66: {  	_ =	shalt  }
0x67: {  	_ =	shalt  }
0x68: {  	_ =	shalt  }
0x69: {  	_ =	shalt  }
0x6a: {  	_ =	shalt  }
0x6b: {  	_ =	shalt  }
0x6c: {  	_ =	shalt  }
0x6d: {  	_ =	shalt  }
0x6e: {  	_ =	shalt  }
0x6f: {  	_ =	shalt  }
0x70: {  	_ =	shalt  }
0x71: {  	_ =	shalt  }
0x72: {  	_ =	shalt  }
0x73: {  	_ =	shalt  }
0x74: {  	_ =	shalt  }
0x75: {  	_ =	shalt  }
0x76: {  	_ =	shalt  }
0x77: {  	_ =	shalt  }
0x78: {  	_ =	shalt  }
0x79: {  	_ =	shalt  }
0x7a: {  	_ =	shalt  }
0x7b: {  	_ =	shalt  }
0x7c: {  	_ =	shalt  }
0x7d: {  	_ =	shalt  }
0x7e: {  	_ =	shalt  }
0x7f: {  	_ =	shalt  }
0x80: {  	_ =	shalt  }
0x81: {  	_ =	shalt  }
0x82: {  	_ =	shalt  }
0x83: {  	_ =	shalt  }
0x84: {  	_ =	shalt  }
0x85: {  	_ =	shalt  }
0x86: {  	_ =	shalt  }
0x87: {  	_ =	shalt  }
.Lfunc_end0:
.L_simem_size_0:
called_computation.3_lowered:
.L_overlay_start_0:
0x88: {  	s2 =	sld [smem:$0x3FD9]  }
0x89: {  	s3 =	sld [smem:$0x3FFE];
	_ =	sdelay $0x1  }
0x8a: {  	s1 =	srdreg.scid  }
0x8b: {  	s0 =	sand.u32 $0x1, s1  }
0x8c: {  	s17 =	sshll.u32 s0, $0xA;
	s2 =	sadd.s32 s3, s2  }
0x8d: {  	s2 =	sadd.s32 s2, s17  }
0x8e: {  	[smem:$0x3FBC] =	sst s2  }
0x8f: {  	_ = 	snop  }
0x90: {  	s2 =	sld [smem:$0x3FD0];
	(tm) =	ssettm $0x1  }
0x91: {  	s18 =	sld [smem:$0x3FFB];
	_ =	sdelay $0x3  }
0x92: {  	_ =	strace s18  }
0x93: {  	s3 =	sld [smem:$0x3FFC];
	_ =	sdelay $0x3  }
0x94: {  	_ =	strace s3  }
0x95: {  	s3 =	sld [smem:$0x3FFD];
	_ =	sdelay $0x3  }
0x96: {  	_ =	strace s3  }
0x97: {  	_ =	strace $0x8FFFFFFF  }
0x98: {  	s19 =	sld [smem:$0x3FDB];
	_ =	sdelay $0x1  }
0x99: {  	s4 =	simm.s32 $_scs_section_size  }
0x9a: {  	s5 =	simm.s32 $_size__tile_overlayer_lowered;
	s6 =	simm.s32 $_tile_overlayer_lowered  }
0x9b: {  	s22 =	simm.s32 $0x1BFF;
	s21 =	sshll.u32 s6, $0x1;
	s3 =	sadd.s32 s4, s19  }
0x9c: {  	s7 =	simm.s32 $0x0;
	s20 =	sshll.u32 s5, $0x1;
	s5 =	sadd.s32 s21, s3  }
0x9d: {  	[timem:s7], [sflag:s22] =	dma.local [hbm:s5], s20  }
0x9e: {  	_ =	swait.ge [sflag:s22], s20  }
0x9f: {  	s4 =	ssub.s32 $0x0, s20;
	[sflag:s22] =	ssyncset.done $0x0  }
0xa0: {  	[sflag:s22] =	ssyncadd.s32 s4;
	_ =	sdelay $0x1  }
0xa1: {  	s23 =	simm.s32 $0x1B8B  }
0xa2: {  	_ =	swait.ge [sflag:s23], $0x1  }
0xa3: {  	[sflag:s23] =	ssyncset.done $0x0  }
0xa4: {  	s25 =	simm.s32 $0x1B8E;
	s24 =	sld [smem:$0x3FFE];
	[sflag:s23] =	ssyncadd.s32 $0xFFFFFFFF  }
0xa5: {  	s26 =	simm.s32 $execute0_lowered;
	[smem:$0x3FD2] =	sst s25  }
0xa6: {  	s5 =	sshll.u32 s26, $0x1;
	_ =	strace $0x80000053;
	[dreg:$0x1] =	wrdreg $0xFFFFFFFF  }
0xa7: {  	s28 =	simm.s32 $_size_execute0_lowered;
	s3 =	sadd.s32 s3, s5;
	[dreg:$0x0] =	wrdreg $0x0  }
0xa8: {  	s5 =	sshll.u32 s28, $0x1;
	[dreg:$0x2] =	wrdreg s3  }
0xa9: {  	[dreg:$0x3] =	wrdreg s5  }
0xaa: {  	[dreg:$0x4] =	wrdreg $0xC0  }
0xab: {  	_ =	task [dreg:s7], $0x5FFFF  }
0xac: {  	[dreg:$0x1] =	wrdreg $0xFFFFFFFF  }
0xad: {  	[dreg:$0x0] =	wrdreg $0x60  }
0xae: {  	[dreg:$0x2] =	wrdreg s24  }
0xaf: {  	[dreg:$0x3] =	wrdreg s2  }
0xb0: {  	[dreg:$0x4] =	wrdreg $0x90000  }
0xb1: {  	[dreg:$0x5] =	wrdreg $0x9  }
0xb2: {  	_ =	task.clear_ibuf [dreg:s7], $0x6FFFF;
	_ =	strace $0x90000053  }
0xb3: {  	s29 =	simm.s32 $0x9;
	_ =	strace $0x80000057  }
0xb4: {  	_ =	swait.ge [sflag:s29], $0x1  }
0xb5: {  	[sflag:s29] =	ssyncadd.s32 $0xFFFFFFFF  }
0xb6: {  	_ =	strace $0x90000057  }
0xb7: {  	_ =	sfence  }
0xb8: {  	s30 =	sld [smem:$0x0];
	_ =	sdelay $0x2  }
0xb9: {  	s31 =	sshll.u32 s1, $0xD;
	s1 =	sshrl.u32 s1, $0x2  }
0xba: {  	s3 =	sand.u32 $0x4000, s31;
	s1 =	sadd.s32 s1, s30  }
0xbb: {  	s0 =	sor.u32 s3, s0;
	s1 =	sshll.u32 s1, $0x11  }
0xbc: {  	s0 =	sor.u32 s1, s0  }
0xbd: {  	s0 =	sadd.s32 $0x8F2B, s0  }
0xbe: {  	[sflag:s0] =	ssyncadd.remote.s32 $0x1  }
0xbf: {  	_ =	sfence.sel $0xFFFF  }
0xc0: {  	[dreg:$0x0] =	wrdreg $0xFFFFFFFF;
	(pc) =	sbr.abs _section_cstart, $3  }
0xc1: {  	[dreg:$0x1] =	wrdreg $0xFFFFFFFF  }
0xc2: {  	_ =	task.clear_ibuf [dreg:s7], $0x2FFFF;
	_ =	strace $0x9FFFFFFF  }
0xc3: {  	(tm) =	ssettm $0x7FFFFFFF  }
tec
execute0_lowered:
.L_overlay_start_1:
0x0: {  	(tag) =	ssettag $0x1  }
0x1: {  	s6 =	rddreg [dreg:$0x0]  }
0x2: {  	s11 =	rddreg [dreg:$0x1]  }
0x3: {  	s0 =	srdreg.scid;
	s2 =	rddreg [dreg:$0x2];
	s3 =	simm.s32 $0x0  }
0x4: {  	s15 =	simm.s32 $0x1;
	s16 =	simm.s32 $0x2800;
	s5 =	sand.u32 $0x1, s0  }
0x5: {  	s17 =	simm.s32 $0x80;
	s0 =	stileid.u32;
	s7 =	smul.u32 $0x140000, s5  }
0x6: {  	[smem:$0x7FF] =	sst s3;
	s4 =	sadd.s32 $0x18C00, s6;
	s8 =	smul.u32 $0x14000, s0  }
0x7: {  	s1 =	sshll.u32 s5, $0x4;
	s9 =	smul.u32 $0x50000, s0;
	s5 =	ssub.s32 $0x2, s5  }
0x8: {  	s18 =	sshll.u32 s0, $0x6;
	s1 =	sor.u32 s0, s1;
	s31 =	sshrl.u32 s5, $0x1  }
0x9: {  	s18 =	sor.u32 $0x1C01, s18;
	s12 =	smul.u32 $0x500, s1;
	s1 =	rddreg [dreg:$0x3]  }
0xa: {  	_ =	strace $0x80000054;
	s7 =	sadd.s32 s8, s7;
	s9 =	sshrl.u32 s9, $0x2  }
0xb: {  	s14 =	ssub.s32 s5, s31;
	s7 =	sshrl.u32 s7, $0x3;
	s5 =	sadd.s32 s9, s2  }
0xc: {  	s10 =	sadd.s32 s12, s6;
	s13 =	sadd.s32 s7, s6;
	s6 =	sadd.s32 $0x4000, s5  }
0xd: {  	s7 =	sadd.s32 $0x8000, s5;
	s8 =	sadd.s32 $0xC000, s5;
	s9 =	sadd.s32 $0x10000, s5  }
0xe: {  	s11 =	sadd.s32 s11, s12;
	s19 =	sshrl.u32 s5, $0x3;
	s10 =	sadd.s32 $0xEC00, s10  }
0xf: {  	v0 =	vimm.f32 $0.0e+00;
	s12 =	sadd.s32 $0x68C00, s13;
	s13 =	smax.u32 s14, $0x1;
	s14 =	simm.s32 $0x5000  }
.LBB2_1:
0x10: {  	s20 =	simm.s32 $0x0;
	s21 =	simm.s32 $0x200  }
.LBB2_2:
0x11: {  	p0 =	sne.s32 s21, $0xFE00;
	[tilespmem:s20+$0x5070] =	vst v0  }
0x12: {  	[tilespmem:s20+$0x5000] =	vst v0  }
0x13: {  	[tilespmem:s20+$0x5010] =	vst v0  }
.Ltmp0:
0x14: {  	[tilespmem:s20+$0x5020] =	vst v0;
	(pc) =	sbr.rel @p0 .LBB2_2-.Ltmp0, $4  }
0x15: {  	[tilespmem:s20+$0x5030] =	vst v0  }
0x16: {  	[tilespmem:s20+$0x5040] =	vst v0  }
0x17: {  	[tilespmem:s20+$0x5050] =	vst v0  }
0x18: {  	[tilespmem:s20+$0x5060] =	vst v0;
	s20 =	sshra.s32 s21, $0x2;
	s21 =	sadd.s32 $0x200, s21  }
0x19: {  	[tilespmem:s20+$0x5070] =	vst v0  }
0x1a: {  	[tilespmem:s20+$0x5000] =	vst v0  }
0x1b: {  	[tilespmem:s20+$0x5010] =	vst v0  }
0x1c: {  	[tilespmem:s20+$0x5020] =	vst v0  }
0x1d: {  	[tilespmem:s20+$0x5030] =	vst v0  }
0x1e: {  	[tilespmem:s20+$0x5040] =	vst v0  }
0x1f: {  	[tilespmem:s20+$0x5050] =	vst v0  }
0x20: {  	[tilespmem:s20+$0x5060] =	vst v0  }
0x21: {  	[spmem:s5] =	stream.linear.scatter [tilespmem:s14], [sflag:$0x1], $0x4000, $0x38;
	[tilespmem:$0x1D000] =	vst v63  }
0x22: {  	_ =	swait.ge [sflag:s15], $0x4000  }
0x23: {  	[sflag:s15] =	ssyncset.done $0x0  }
0x24: {  	[sflag:s15] =	ssyncadd.s32 $0xFFFFC000  }
0x25: {  	[spmem:s6] =	stream.linear.scatter [tilespmem:s14], [sflag:$0x1], $0x4000, $0x38;
	[tilespmem:$0x1D000] =	vst v63  }
0x26: {  	_ =	swait.ge [sflag:s15], $0x4000  }
0x27: {  	[sflag:s15] =	ssyncset.done $0x0  }
0x28: {  	[sflag:s15] =	ssyncadd.s32 $0xFFFFC000  }
0x29: {  	[spmem:s7] =	stream.linear.scatter [tilespmem:s14], [sflag:$0x1], $0x4000, $0x38;
	[tilespmem:$0x1D000] =	vst v63  }
0x2a: {  	_ =	swait.ge [sflag:s15], $0x4000  }
0x2b: {  	[sflag:s15] =	ssyncset.done $0x0  }
0x2c: {  	[sflag:s15] =	ssyncadd.s32 $0xFFFFC000  }
0x2d: {  	[spmem:s8] =	stream.linear.scatter [tilespmem:s14], [sflag:$0x1], $0x4000, $0x38;
	[tilespmem:$0x1D000] =	vst v63  }
0x2e: {  	_ =	swait.ge [sflag:s15], $0x4000  }
0x2f: {  	[sflag:s15] =	ssyncset.done $0x0  }
0x30: {  	[sflag:s15] =	ssyncadd.s32 $0xFFFFC000  }
0x31: {  	[spmem:s9] =	stream.linear.scatter [tilespmem:s14], [sflag:$0x1], $0x4000, $0x38;
	[tilespmem:$0x1D000] =	vst v63  }
0x32: {  	_ =	swait.ge [sflag:s15], $0x4000  }
0x33: {  	[sflag:s15] =	ssyncset.done $0x0  }
0x34: {  	[sflag:s15] =	ssyncadd.s32 $0xFFFFC000  }
0x35: {  	s29 =	simm.s32 $0x0;
	[bflag:$0x0] =	sbarrier.arrive $0xFFFF  }
0x36: {  	[tilespmem:s29], [sflag:$0x1] =	stream.linear.gather [hbm4b:s10+s29], $0x2800, $0x38;
	[tilespmem:$0x1D000] =	vst v63  }
0x37: {  	_ =	swait.ge [sflag:s15], $0x2800  }
0x38: {  	[sflag:s15] =	ssyncset.done $0x0  }
0x39: {  	[sflag:s15] =	ssyncadd.s32 $0xFFFFD800  }
0x3a: {  	[tilespmem:s16], [sflag:$0x1] =	stream.linear.gather [hbm4b:s11+s29], $0x2800, $0x38;
	[tilespmem:$0x1D000] =	vst v63  }
0x3b: {  	_ =	swait.ge [sflag:s15], $0x2800  }
0x3c: {  	[sflag:s15] =	ssyncset.done $0x0  }
0x3d: {  	[sflag:s15] =	ssyncadd.s32 $0xFFFFD800  }
0x3e: {  	s30 =	simm.s32 $0x0;
	_ =	strace $0x80000055  }
0x3f: {  	[tilespmem:s14], [sflag:$0x1] =	stream.indirect.gather [hbm4b:s4+s17], $0x80, s30, s17, $0x2000b8;
	[tilespmem:$0x1D000] =	vst v63  }
0x40: {  	_ =	swait.ge [sflag:s15], $0x4000  }
0x41: {  	[sflag:s15] =	ssyncset.done $0x0  }
0x42: {  	s31 =	simm.s32 $0x2800;
	[sflag:s15] =	ssyncadd.s32 $0xFFFFC000  }
0x43: {  	[spmem:s2] =	stream.indirect.scatter.add.f32 [tilespmem:s14], [sflag:$0x1], $0x80, s31, s17, $0x2000b8;
	[tilespmem:$0x1D000] =	vst v63  }
0x44: {  	_ =	swait.ge [sflag:s15], $0x4000  }
0x45: {  	s20 =	simm.s32 $0x200;
	s21 =	simm.s32 $0x400;
	[sflag:s15] =	ssyncset.done $0x0  }
.LBB2_4:
0x46: {  	s22 =	sshra.s32 s20, $0x2  }
0x47: {  	[sflag:s15] =	ssyncadd.s32 $0xFFFFC000;
	s20 =	smov.u32 s21;
	s23 =	sadd.s32 $0x200, s21  }
0x48: {  	[tilespmem:s14], [sflag:$0x1] =	stream.indirect.gather [hbm4b:s4+s17], $0x80, s22, s17, $0x2000b8;
	[tilespmem:$0x1D000] =	vst v63  }
0x49: {  	p0 =	sne.s32 s21, $0x9E00;
	_ =	swait.ge [sflag:s15], $0x4000  }
.Ltmp1:
0x4a: {  	[sflag:s15] =	ssyncset.done $0x0;
	(pc) =	sbr.rel @p0 .LBB2_4-.Ltmp1, $4  }
0x4b: {  	s21 =	sadd.s32 $0x2800, s22;
	[sflag:s15] =	ssyncadd.s32 $0xFFFFC000  }
0x4c: {  	[spmem:s2] =	stream.indirect.scatter.add.f32 [tilespmem:s14], [sflag:$0x1], $0x80, s21, s17, $0x2000b8;
	[tilespmem:$0x1D000] =	vst v63  }
0x4d: {  	_ =	swait.ge [sflag:s15], $0x4000  }
0x4e: {  	s21 =	smov.u32 s23;
	[sflag:s15] =	ssyncset.done $0x0  }
0x4f: {  	s20 =	sshra.s32 s20, $0x2;
	[sflag:s15] =	ssyncadd.s32 $0xFFFFC000  }
0x50: {  	[tilespmem:s14], [sflag:$0x1] =	stream.indirect.gather [hbm4b:s4+s17], $0x80, s20, s17, $0x2000b8;
	[tilespmem:$0x1D000] =	vst v63  }
0x51: {  	_ =	swait.ge [sflag:s15], $0x4000  }
0x52: {  	[sflag:s15] =	ssyncset.done $0x0  }
0x53: {  	s20 =	sadd.s32 $0x2800, s20;
	[sflag:s15] =	ssyncadd.s32 $0xFFFFC000  }
0x54: {  	[spmem:s2] =	stream.indirect.scatter.add.f32 [tilespmem:s14], [sflag:$0x1], $0x80, s20, s17, $0x2000b8;
	[tilespmem:$0x1D000] =	vst v63  }
0x55: {  	_ =	swait.ge [sflag:s15], $0x4000  }
0x56: {  	[sflag:s15] =	ssyncset.done $0x0  }
0x57: {  	[sflag:s15] =	ssyncadd.s32 $0xFFFFC000  }
0x58: {  	_ =	strace $0x90000055  }
0x59: {  	s3 =	sadd.s32 $0x1, s3;
	[bflag:$0x0] =	sbarrier.arrive $0xFFFF  }
0x5a: {  	p0 =	sne.s32 s3, s13;
	_ =	strace $0x80000056  }
0x5b: {  	[hbm:s12], [sflag:s18] =	dma.local [spmem:s19], $0x2800  }
.Ltmp2:
0x5c: {  	_ = 	snop;
	(pc) =	sbr.rel @p0 .LBB2_1-.Ltmp2, $4  }
0x5d: {  	_ =	swait.ge [sflag:s15], $0x2800  }
0x5e: {  	[sflag:s15] =	ssyncset.done $0x0  }
0x5f: {  	[sflag:s15] =	ssyncadd.s32 $0xFFFFD800  }
0x60: {  	_ =	strace $0x90000056  }
0x61: {  	_ =	sfence.sel $0x180000  }
0x62: {  	[bflag:$0x0] =	sbarrier.arrive $0xFFFF  }
0x63: {  	p0 =	sne.s32 s0, $0x0;
	_ =	strace $0x90000054  }
0x64: {  	s0 =	sadd.s32 @!p0 $0x100000, s1;
	[bflag:$0x2] =	sbarrier.arrive $0xFFFF  }
0x65: {  	[sflag:s0] =	ssyncadd.tile.s32 @!p0 $0x1;
	_ =	shalt  }
.Lfunc_end2:
_tile_overlayer_lowered:
.L_overlay_start_2:
0x66: {  	(tag) =	ssettag $0x2  }
0x67: {  	s0 =	rddreg [dreg:$0x0];
	s2 =	stileid.u32  }
0x68: {  	s1 =	rddreg [dreg:$0x1];
	p0 =	sne.s32 s2, $0x0  }
0x69: {  	s3 =	rddreg [dreg:$0x2];
	[bflag:$0x3] =	sbarrier.arrive $0xFFFF;
	s2 =	simm.s32 @!p0 $0x1C01  }
0x6a: {  	[timem:s3], [sflag:s2] =	dma.local @!p0 [hbm:s0], s1  }
0x6b: {  	s0 =	simm.s32 @!p0 $0x1  }
0x6c: {  	_ =	swait.ge @!p0 [sflag:s0], s1  }
0x6d: {  	s1 =	ssub.s32 @!p0 $0x0, s1;
	[sflag:s0] =	ssyncset.done @!p0 $0x0  }
0x6e: {  	[sflag:s0] =	ssyncadd.s32 @!p0 s1  }
0x6f: {  	[bflag:$0x3] =	sbarrier.arrive $0xFFFF  }
0x70: {  	_ =	shalt  }

// kernel: kernel.24.cloned.1.call-start
scs
__scs_entry_jumppad:
0x0: {  	(pc) =	sbr.rel $0x88, $3  }
0x1: {  	(tag) =	ssettag $0x0;
	lr =	simm.s32 $0x1  }
0x2: {  	[smem:$0x3F95] =	sst lr;
	_ =	strace $0xD0000000  }
0x3: {  	_ = 	snop  }
0x4: {  	_ = 	snop  }
0x5: {  	_ = 	snop  }
0x6: {  	_ = 	snop  }
0x7: {  	_ = 	snop  }
__scs_overlays_trampoline_lowered:
0x8: {  	[smem:$0x3FA4] =	sst s0  }
0x9: {  	[smem:$0x3FA5] =	sst s1  }
0xa: {  	[smem:$0x3FA6] =	sst s2  }
0xb: {  	[smem:$0x3FA7] =	sst s3  }
0xc: {  	[smem:$0x3FA8] =	sst s4  }
0xd: {  	[smem:$0x3FA9] =	sst s5  }
0xe: {  	[smem:$0x3FAA] =	sst s6  }
0xf: {  	[smem:$0x3FAB] =	sst s7  }
0x10: {  	[smem:$0x3FAC] =	sst s8  }
0x11: {  	[smem:$0x3FAD] =	sst s9;
	s0 =	simm.s32 @!p0 $0x0  }
0x12: {  	s1 =	sld [smem:$0x3F93];
	s0 =	simm.s32 @p0 $0x1  }
0x13: {  	[smem:$0x3FAE] =	sst s0;
	s0 =	simm.s32 @!p1 $0x0  }
0x14: {  	s2 =	sld [smem:$0x3F92];
	s0 =	simm.s32 @p1 $0x1  }
0x15: {  	[smem:$0x3FAF] =	sst s0;
	s0 =	simm.s32 @!p2 $0x0  }
0x16: {  	s3 =	sld [smem:$0x3FDB];
	s0 =	simm.s32 @p2 $0x1  }
0x17: {  	s4 =	simm.s32 $0x1BF5;
	[smem:$0x3FB1] =	sst s0  }
0x18: {  	s0 =	sld [smem:$0x3F94];
	_ =	swait.ge [sflag:s4], $0x0  }
0x19: {  	s7 =	sld [smem:$0x3F95]  }
0x1a: {  	s8 =	sadd.s32 $0xFFFFE003, lr  }
0x1b: {  	s9 =	sadd.s32 $0xFFFFFEF7, lr;
	s5 =	simm.s32 $0xFFFFFFFF;
	p2 =	slt.u32 s8, $0xFFFFF086  }
0x1c: {  	p1 =	slt.u32 s9, $0xF7A;
	s5 =	simm.s32 @!p2 $0x0  }
0x1d: {  	s5 =	simm.s32 @p1 $0x1;
	p0 =	seq.s32 s7, s2  }
0x1e: {  	s7 =	smul.u32 @!p0 $0xF7A, s2;
	p2 =	seq.s32 @!p0 s5, $0x0  }
0x1f: {  	s9 =	smul.u32 $0xF7A, s1;
	s8 =	simm.s32 @!p0 $0x1BF5;
	p2 =	por !p2, p0  }
0x20: {  	[sflag:s8] =	ssyncset.s32 @!p0 $0xFFFFF086;
	s6 =	sadd.s32 @!p0 s3, s7;
	s7 =	simm.s32 @!p0 $0x108  }
0x21: {  	s3 =	sadd.s32 s3, s9;
	s6 =	sadd.s32 @!p0 $0x88, s6;
	s7 =	simm.s32 @p2 $0x1082  }
0x22: {  	[simem:s7], [sflag:s8] =	dma.local @!p0 [hbm:s6], $0xF7A  }
0x23: {  	s9 =	sor.u32 $0xD0000000, s2;
	s6 =	simm.s32 $0x108;
	_ =	swait.ge @!p0 [sflag:s8], $0x0  }
0x24: {  	s3 =	sadd.s32 $0x88, s3;
	s6 =	simm.s32 @!p1 $0x1082;
	[sflag:s4] =	ssyncset.s32 $0xFFFFF086  }
0x25: {  	[simem:s6], [sflag:s4] =	dma.local [hbm:s3], $0xF7A  }
0x26: {  	[smem:$0x3F95] =	sst s1;
	(tag) =	ssettag s2;
	_ =	strace s9  }
0x27: {  	s1 =	sld [smem:$0x3FA5]  }
0x28: {  	s2 =	sld [smem:$0x3FA6]  }
0x29: {  	s4 =	sld [smem:$0x3FA8]  }
0x2a: {  	p0 =	seq.s32 s5, $0x0;
	s5 =	sld [smem:$0x3FA9]  }
0x2b: {  	s6 =	sld [smem:$0x3FAA]  }
0x2c: {  	s7 =	sld [smem:$0x3FAB]  }
0x2d: {  	s3 =	simm.s32 $0x108;
	s8 =	sld [smem:$0x3FAC]  }
0x2e: {  	s3 =	simm.s32 @!p0 $0x1082;
	s9 =	sld [smem:$0x3FAD]  }
0x2f: {  	lr =	sadd.s32 s0, s3;
	s0 =	sld [smem:$0x3FA4]  }
0x30: {  	s3 =	sld [smem:$0x3FA7]  }
0x31: {  	[smem:$0x3FB0] =	sst s10  }
0x32: {  	s10 =	sld [smem:$0x3FAE];
	_ =	sdelay $0x3  }
0x33: {  	p0 =	seq.s32 s10, $0x1;
	s10 =	sld [smem:$0x3FB0];
	_ =	sdelay $0x3  }
0x34: {  	[smem:$0x3FB0] =	sst s10  }
0x35: {  	s10 =	sld [smem:$0x3FAF];
	_ =	sdelay $0x3  }
0x36: {  	p1 =	seq.s32 s10, $0x1;
	s10 =	sld [smem:$0x3FB0];
	_ =	sdelay $0x3  }
0x37: {  	[smem:$0x3FB0] =	sst s10  }
0x38: {  	s10 =	sld [smem:$0x3FB1]  }
0x39: {  	_ = 	snop;
	(pc) =	sbr.ind lr, $3  }
0x3a: {  	_ = 	snop  }
0x3b: {  	_ = 	snop  }
0x3c: {  	p2 =	seq.s32 s10, $0x1;
	s10 =	sld [smem:$0x3FB0]  }
0x3d: {  	_ =	shalt  }
0x3e: {  	_ =	shalt  }
0x3f: {  	_ =	shalt  }
0x40: {  	_ =	shalt  }
0x41: {  	_ =	shalt  }
0x42: {  	_ =	shalt  }
0x43: {  	_ =	shalt  }
0x44: {  	_ =	shalt  }
0x45: {  	_ =	shalt  }
0x46: {  	_ =	shalt  }
0x47: {  	_ =	shalt  }
0x48: {  	_ =	shalt  }
0x49: {  	_ =	shalt  }
0x4a: {  	_ =	shalt  }
0x4b: {  	_ =	shalt  }
0x4c: {  	_ =	shalt  }
0x4d: {  	_ =	shalt  }
0x4e: {  	_ =	shalt  }
0x4f: {  	_ =	shalt  }
0x50: {  	_ =	shalt  }
0x51: {  	_ =	shalt  }
0x52: {  	_ =	shalt  }
0x53: {  	_ =	shalt  }
0x54: {  	_ =	shalt  }
0x55: {  	_ =	shalt  }
0x56: {  	_ =	shalt  }
0x57: {  	_ =	shalt  }
0x58: {  	_ =	shalt  }
0x59: {  	_ =	shalt  }
0x5a: {  	_ =	shalt  }
0x5b: {  	_ =	shalt  }
0x5c: {  	_ =	shalt  }
0x5d: {  	_ =	shalt  }
0x5e: {  	_ =	shalt  }
0x5f: {  	_ =	shalt  }
0x60: {  	_ =	shalt  }
0x61: {  	_ =	shalt  }
0x62: {  	_ =	shalt  }
0x63: {  	_ =	shalt  }
0x64: {  	_ =	shalt  }
0x65: {  	_ =	shalt  }
0x66: {  	_ =	shalt  }
0x67: {  	_ =	shalt  }
0x68: {  	_ =	shalt  }
0x69: {  	_ =	shalt  }
0x6a: {  	_ =	shalt  }
0x6b: {  	_ =	shalt  }
0x6c: {  	_ =	shalt  }
0x6d: {  	_ =	shalt  }
0x6e: {  	_ =	shalt  }
0x6f: {  	_ =	shalt  }
0x70: {  	_ =	shalt  }
0x71: {  	_ =	shalt  }
0x72: {  	_ =	shalt  }
0x73: {  	_ =	shalt  }
0x74: {  	_ =	shalt  }
0x75: {  	_ =	shalt  }
0x76: {  	_ =	shalt  }
0x77: {  	_ =	shalt  }
0x78: {  	_ =	shalt  }
0x79: {  	_ =	shalt  }
0x7a: {  	_ =	shalt  }
0x7b: {  	_ =	shalt  }
0x7c: {  	_ =	shalt  }
0x7d: {  	_ =	shalt  }
0x7e: {  	_ =	shalt  }
0x7f: {  	_ =	shalt  }
0x80: {  	_ =	shalt  }
0x81: {  	_ =	shalt  }
0x82: {  	_ =	shalt  }
0x83: {  	_ =	shalt  }
0x84: {  	_ =	shalt  }
0x85: {  	_ =	shalt  }
0x86: {  	_ =	shalt  }
0x87: {  	_ =	shalt  }
.Lfunc_end0:
.L_simem_size_0:
called_computation.4_lowered:
.L_overlay_start_0:
0x88: {  	s2 =	sld [smem:$0x3FD9]  }
0x89: {  	s3 =	sld [smem:$0x3FFE];
	_ =	sdelay $0x1  }
0x8a: {  	s1 =	srdreg.scid  }
0x8b: {  	s0 =	sand.u32 $0x1, s1  }
0x8c: {  	s17 =	sshll.u32 s0, $0xA;
	s2 =	sadd.s32 s3, s2  }
0x8d: {  	s2 =	sadd.s32 s2, s17  }
0x8e: {  	[smem:$0x3FBC] =	sst s2  }
0x8f: {  	_ = 	snop  }
0x90: {  	s2 =	sld [smem:$0x3FD0];
	(tm) =	ssettm $0x1  }
0x91: {  	s18 =	sld [smem:$0x3FFB];
	_ =	sdelay $0x3  }
0x92: {  	_ =	strace s18  }
0x93: {  	s3 =	sld [smem:$0x3FFC];
	_ =	sdelay $0x3  }
0x94: {  	_ =	strace s3  }
0x95: {  	s3 =	sld [smem:$0x3FFD];
	_ =	sdelay $0x3  }
0x96: {  	_ =	strace s3  }
0x97: {  	_ =	strace $0x8FFFFFFF  }
0x98: {  	s19 =	sld [smem:$0x3FDB];
	_ =	sdelay $0x1  }
0x99: {  	s4 =	simm.s32 $_scs_section_size  }
0x9a: {  	s5 =	simm.s32 $_size__tile_overlayer_lowered;
	s6 =	simm.s32 $_tile_overlayer_lowered  }
0x9b: {  	s22 =	simm.s32 $0x1BFF;
	s21 =	sshll.u32 s6, $0x1;
	s3 =	sadd.s32 s4, s19  }
0x9c: {  	s7 =	simm.s32 $0x0;
	s20 =	sshll.u32 s5, $0x1;
	s5 =	sadd.s32 s21, s3  }
0x9d: {  	[timem:s7], [sflag:s22] =	dma.local [hbm:s5], s20  }
0x9e: {  	_ =	swait.ge [sflag:s22], s20  }
0x9f: {  	s4 =	ssub.s32 $0x0, s20;
	[sflag:s22] =	ssyncset.done $0x0  }
0xa0: {  	[sflag:s22] =	ssyncadd.s32 s4;
	_ =	sdelay $0x1  }
0xa1: {  	s23 =	simm.s32 $0x1B8B  }
0xa2: {  	_ =	swait.ge [sflag:s23], $0x1  }
0xa3: {  	[sflag:s23] =	ssyncset.done $0x0  }
0xa4: {  	s25 =	simm.s32 $0x1B8E;
	s24 =	sld [smem:$0x3FFE];
	[sflag:s23] =	ssyncadd.s32 $0xFFFFFFFF  }
0xa5: {  	s26 =	simm.s32 $execute0_lowered;
	[smem:$0x3FD2] =	sst s25  }
0xa6: {  	s5 =	sshll.u32 s26, $0x1;
	_ =	strace $0x80000058;
	[dreg:$0x1] =	wrdreg $0xFFFFFFFF  }
0xa7: {  	s28 =	simm.s32 $_size_execute0_lowered;
	s3 =	sadd.s32 s3, s5;
	[dreg:$0x0] =	wrdreg $0x0  }
0xa8: {  	s5 =	sshll.u32 s28, $0x1;
	[dreg:$0x2] =	wrdreg s3  }
0xa9: {  	[dreg:$0x3] =	wrdreg s5  }
0xaa: {  	[dreg:$0x4] =	wrdreg $0xC0  }
0xab: {  	_ =	task [dreg:s7], $0x5FFFF  }
0xac: {  	[dreg:$0x1] =	wrdreg $0xFFFFFFFF  }
0xad: {  	[dreg:$0x0] =	wrdreg $0x60  }
0xae: {  	[dreg:$0x2] =	wrdreg s24  }
0xaf: {  	[dreg:$0x3] =	wrdreg s2  }
0xb0: {  	[dreg:$0x4] =	wrdreg $0x90000  }
0xb1: {  	[dreg:$0x5] =	wrdreg $0x9  }
0xb2: {  	_ =	task.clear_ibuf [dreg:s7], $0x6FFFF;
	_ =	strace $0x90000058  }
0xb3: {  	s29 =	simm.s32 $0x9;
	_ =	strace $0x8000005C  }
0xb4: {  	_ =	swait.ge [sflag:s29], $0x1  }
0xb5: {  	[sflag:s29] =	ssyncadd.s32 $0xFFFFFFFF  }
0xb6: {  	_ =	strace $0x9000005C  }
0xb7: {  	_ =	sfence  }
0xb8: {  	s30 =	sld [smem:$0x0];
	_ =	sdelay $0x2  }
0xb9: {  	s31 =	sshll.u32 s1, $0xD;
	s1 =	sshrl.u32 s1, $0x2  }
0xba: {  	s3 =	sand.u32 $0x4000, s31;
	s1 =	sadd.s32 s1, s30  }
0xbb: {  	s0 =	sor.u32 s3, s0;
	s1 =	sshll.u32 s1, $0x11  }
0xbc: {  	s0 =	sor.u32 s1, s0  }
0xbd: {  	s0 =	sadd.s32 $0x8F2B, s0  }
0xbe: {  	[sflag:s0] =	ssyncadd.remote.s32 $0x1  }
0xbf: {  	_ =	sfence.sel $0xFFFF  }
0xc0: {  	[dreg:$0x0] =	wrdreg $0xFFFFFFFF;
	(pc) =	sbr.abs _section_cstart, $3  }
0xc1: {  	[dreg:$0x1] =	wrdreg $0xFFFFFFFF  }
0xc2: {  	_ =	task.clear_ibuf [dreg:s7], $0x2FFFF;
	_ =	strace $0x9FFFFFFF  }
0xc3: {  	(tm) =	ssettm $0x7FFFFFFF  }
tec
execute0_lowered:
.L_overlay_start_1:
0x0: {  	(tag) =	ssettag $0x1  }
0x1: {  	s6 =	rddreg [dreg:$0x0]  }
0x2: {  	s11 =	rddreg [dreg:$0x1]  }
0x3: {  	s0 =	srdreg.scid;
	s2 =	rddreg [dreg:$0x2];
	s3 =	simm.s32 $0x0  }
0x4: {  	s15 =	simm.s32 $0x1;
	s16 =	simm.s32 $0x2800;
	s5 =	sand.u32 $0x1, s0  }
0x5: {  	s17 =	simm.s32 $0x80;
	s0 =	stileid.u32;
	s7 =	smul.u32 $0x140000, s5  }
0x6: {  	[smem:$0x7FF] =	sst s3;
	s4 =	sadd.s32 $0x18C00, s6;
	s8 =	smul.u32 $0x14000, s0  }
0x7: {  	s1 =	sshll.u32 s5, $0x4;
	s9 =	smul.u32 $0x50000, s0;
	s5 =	ssub.s32 $0x2, s5  }
0x8: {  	s18 =	sshll.u32 s0, $0x6;
	s1 =	sor.u32 s0, s1;
	s31 =	sshrl.u32 s5, $0x1  }
0x9: {  	s18 =	sor.u32 $0x1C01, s18;
	s12 =	smul.u32 $0x500, s1;
	s1 =	rddreg [dreg:$0x3]  }
0xa: {  	_ =	strace $0x80000059;
	s7 =	sadd.s32 s8, s7;
	s9 =	sshrl.u32 s9, $0x2  }
0xb: {  	s14 =	ssub.s32 s5, s31;
	s7 =	sshrl.u32 s7, $0x3;
	s5 =	sadd.s32 s9, s2  }
0xc: {  	s10 =	sadd.s32 s12, s6;
	s13 =	sadd.s32 s7, s6;
	s6 =	sadd.s32 $0x4000, s5  }
0xd: {  	s7 =	sadd.s32 $0x8000, s5;
	s8 =	sadd.s32 $0xC000, s5;
	s9 =	sadd.s32 $0x10000, s5  }
0xe: {  	s11 =	sadd.s32 s11, s12;
	s19 =	sshrl.u32 s5, $0x3;
	s10 =	sadd.s32 $0xEC00, s10  }
0xf: {  	v0 =	vimm.f32 $0.0e+00;
	s12 =	sadd.s32 $0x40C00, s13;
	s13 =	smax.u32 s14, $0x1;
	s14 =	simm.s32 $0x5000  }
.LBB2_1:
0x10: {  	s20 =	simm.s32 $0x0;
	s21 =	simm.s32 $0x200  }
.LBB2_2:
0x11: {  	p0 =	sne.s32 s21, $0xFE00;
	[tilespmem:s20+$0x5070] =	vst v0  }
0x12: {  	[tilespmem:s20+$0x5000] =	vst v0  }
0x13: {  	[tilespmem:s20+$0x5010] =	vst v0  }
.Ltmp0:
0x14: {  	[tilespmem:s20+$0x5020] =	vst v0;
	(pc) =	sbr.rel @p0 .LBB2_2-.Ltmp0, $4  }
0x15: {  	[tilespmem:s20+$0x5030] =	vst v0  }
0x16: {  	[tilespmem:s20+$0x5040] =	vst v0  }
0x17: {  	[tilespmem:s20+$0x5050] =	vst v0  }
0x18: {  	[tilespmem:s20+$0x5060] =	vst v0;
	s20 =	sshra.s32 s21, $0x2;
	s21 =	sadd.s32 $0x200, s21  }
0x19: {  	[tilespmem:s20+$0x5070] =	vst v0  }
0x1a: {  	[tilespmem:s20+$0x5000] =	vst v0  }
0x1b: {  	[tilespmem:s20+$0x5010] =	vst v0  }
0x1c: {  	[tilespmem:s20+$0x5020] =	vst v0  }
0x1d: {  	[tilespmem:s20+$0x5030] =	vst v0  }
0x1e: {  	[tilespmem:s20+$0x5040] =	vst v0  }
0x1f: {  	[tilespmem:s20+$0x5050] =	vst v0  }
0x20: {  	[tilespmem:s20+$0x5060] =	vst v0  }
0x21: {  	[spmem:s5] =	stream.linear.scatter [tilespmem:s14], [sflag:$0x1], $0x4000, $0x38;
	[tilespmem:$0x1D000] =	vst v63  }
0x22: {  	_ =	swait.ge [sflag:s15], $0x4000  }
0x23: {  	[sflag:s15] =	ssyncset.done $0x0  }
0x24: {  	[sflag:s15] =	ssyncadd.s32 $0xFFFFC000  }
0x25: {  	[spmem:s6] =	stream.linear.scatter [tilespmem:s14], [sflag:$0x1], $0x4000, $0x38;
	[tilespmem:$0x1D000] =	vst v63  }
0x26: {  	_ =	swait.ge [sflag:s15], $0x4000  }
0x27: {  	[sflag:s15] =	ssyncset.done $0x0  }
0x28: {  	[sflag:s15] =	ssyncadd.s32 $0xFFFFC000  }
0x29: {  	[spmem:s7] =	stream.linear.scatter [tilespmem:s14], [sflag:$0x1], $0x4000, $0x38;
	[tilespmem:$0x1D000] =	vst v63  }
0x2a: {  	_ =	swait.ge [sflag:s15], $0x4000  }
0x2b: {  	[sflag:s15] =	ssyncset.done $0x0  }
0x2c: {  	[sflag:s15] =	ssyncadd.s32 $0xFFFFC000  }
0x2d: {  	[spmem:s8] =	stream.linear.scatter [tilespmem:s14], [sflag:$0x1], $0x4000, $0x38;
	[tilespmem:$0x1D000] =	vst v63  }
0x2e: {  	_ =	swait.ge [sflag:s15], $0x4000  }
0x2f: {  	[sflag:s15] =	ssyncset.done $0x0  }
0x30: {  	[sflag:s15] =	ssyncadd.s32 $0xFFFFC000  }
0x31: {  	[spmem:s9] =	stream.linear.scatter [tilespmem:s14], [sflag:$0x1], $0x4000, $0x38;
	[tilespmem:$0x1D000] =	vst v63  }
0x32: {  	_ =	swait.ge [sflag:s15], $0x4000  }
0x33: {  	[sflag:s15] =	ssyncset.done $0x0  }
0x34: {  	[sflag:s15] =	ssyncadd.s32 $0xFFFFC000  }
0x35: {  	s29 =	simm.s32 $0x0;
	[bflag:$0x0] =	sbarrier.arrive $0xFFFF  }
0x36: {  	[tilespmem:s29], [sflag:$0x1] =	stream.linear.gather [hbm4b:s10+s29], $0x2800, $0x38;
	[tilespmem:$0x1D000] =	vst v63  }
0x37: {  	_ =	swait.ge [sflag:s15], $0x2800  }
0x38: {  	[sflag:s15] =	ssyncset.done $0x0  }
0x39: {  	[sflag:s15] =	ssyncadd.s32 $0xFFFFD800  }
0x3a: {  	[tilespmem:s16], [sflag:$0x1] =	stream.linear.gather [hbm4b:s11+s29], $0x2800, $0x38;
	[tilespmem:$0x1D000] =	vst v63  }
0x3b: {  	_ =	swait.ge [sflag:s15], $0x2800  }
0x3c: {  	[sflag:s15] =	ssyncset.done $0x0  }
0x3d: {  	[sflag:s15] =	ssyncadd.s32 $0xFFFFD800  }
0x3e: {  	s30 =	simm.s32 $0x0;
	_ =	strace $0x8000005A  }
0x3f: {  	[tilespmem:s14], [sflag:$0x1] =	stream.indirect.gather [hbm4b:s4+s17], $0x80, s30, s17, $0x2000b8;
	[tilespmem:$0x1D000] =	vst v63  }
0x40: {  	_ =	swait.ge [sflag:s15], $0x4000  }
0x41: {  	[sflag:s15] =	ssyncset.done $0x0  }
0x42: {  	s31 =	simm.s32 $0x2800;
	[sflag:s15] =	ssyncadd.s32 $0xFFFFC000  }
0x43: {  	[spmem:s2] =	stream.indirect.scatter.add.f32 [tilespmem:s14], [sflag:$0x1], $0x80, s31, s17, $0x2000b8;
	[tilespmem:$0x1D000] =	vst v63  }
0x44: {  	_ =	swait.ge [sflag:s15], $0x4000  }
0x45: {  	s20 =	simm.s32 $0x200;
	s21 =	simm.s32 $0x400;
	[sflag:s15] =	ssyncset.done $0x0  }
.LBB2_4:
0x46: {  	s22 =	sshra.s32 s20, $0x2  }
0x47: {  	[sflag:s15] =	ssyncadd.s32 $0xFFFFC000;
	s20 =	smov.u32 s21;
	s23 =	sadd.s32 $0x200, s21  }
0x48: {  	[tilespmem:s14], [sflag:$0x1] =	stream.indirect.gather [hbm4b:s4+s17], $0x80, s22, s17, $0x2000b8;
	[tilespmem:$0x1D000] =	vst v63  }
0x49: {  	p0 =	sne.s32 s21, $0x9E00;
	_ =	swait.ge [sflag:s15], $0x4000  }
.Ltmp1:
0x4a: {  	[sflag:s15] =	ssyncset.done $0x0;
	(pc) =	sbr.rel @p0 .LBB2_4-.Ltmp1, $4  }
0x4b: {  	s21 =	sadd.s32 $0x2800, s22;
	[sflag:s15] =	ssyncadd.s32 $0xFFFFC000  }
0x4c: {  	[spmem:s2] =	stream.indirect.scatter.add.f32 [tilespmem:s14], [sflag:$0x1], $0x80, s21, s17, $0x2000b8;
	[tilespmem:$0x1D000] =	vst v63  }
0x4d: {  	_ =	swait.ge [sflag:s15], $0x4000  }
0x4e: {  	s21 =	smov.u32 s23;
	[sflag:s15] =	ssyncset.done $0x0  }
0x4f: {  	s20 =	sshra.s32 s20, $0x2;
	[sflag:s15] =	ssyncadd.s32 $0xFFFFC000  }
0x50: {  	[tilespmem:s14], [sflag:$0x1] =	stream.indirect.gather [hbm4b:s4+s17], $0x80, s20, s17, $0x2000b8;
	[tilespmem:$0x1D000] =	vst v63  }
0x51: {  	_ =	swait.ge [sflag:s15], $0x4000  }
0x52: {  	[sflag:s15] =	ssyncset.done $0x0  }
0x53: {  	s20 =	sadd.s32 $0x2800, s20;
	[sflag:s15] =	ssyncadd.s32 $0xFFFFC000  }
0x54: {  	[spmem:s2] =	stream.indirect.scatter.add.f32 [tilespmem:s14], [sflag:$0x1], $0x80, s20, s17, $0x2000b8;
	[tilespmem:$0x1D000] =	vst v63  }
0x55: {  	_ =	swait.ge [sflag:s15], $0x4000  }
0x56: {  	[sflag:s15] =	ssyncset.done $0x0  }
0x57: {  	[sflag:s15] =	ssyncadd.s32 $0xFFFFC000  }
0x58: {  	_ =	strace $0x9000005A  }
0x59: {  	s3 =	sadd.s32 $0x1, s3;
	[bflag:$0x0] =	sbarrier.arrive $0xFFFF  }
0x5a: {  	p0 =	sne.s32 s3, s13;
	_ =	strace $0x8000005B  }
0x5b: {  	[hbm:s12], [sflag:s18] =	dma.local [spmem:s19], $0x2800  }
.Ltmp2:
0x5c: {  	_ = 	snop;
	(pc) =	sbr.rel @p0 .LBB2_1-.Ltmp2, $4  }
0x5d: {  	_ =	swait.ge [sflag:s15], $0x2800  }
0x5e: {  	[sflag:s15] =	ssyncset.done $0x0  }
0x5f: {  	[sflag:s15] =	ssyncadd.s32 $0xFFFFD800  }
0x60: {  	_ =	strace $0x9000005B  }
0x61: {  	_ =	sfence.sel $0x180000  }
0x62: {  	[bflag:$0x0] =	sbarrier.arrive $0xFFFF  }
0x63: {  	p0 =	sne.s32 s0, $0x0;
	_ =	strace $0x90000059  }
0x64: {  	s0 =	sadd.s32 @!p0 $0x100000, s1;
	[bflag:$0x2] =	sbarrier.arrive $0xFFFF  }
0x65: {  	[sflag:s0] =	ssyncadd.tile.s32 @!p0 $0x1;
	_ =	shalt  }
.Lfunc_end2:
_tile_overlayer_lowered:
.L_overlay_start_2:
0x66: {  	(tag) =	ssettag $0x2  }
0x67: {  	s0 =	rddreg [dreg:$0x0];
	s2 =	stileid.u32  }
0x68: {  	s1 =	rddreg [dreg:$0x1];
	p0 =	sne.s32 s2, $0x0  }
0x69: {  	s3 =	rddreg [dreg:$0x2];
	[bflag:$0x3] =	sbarrier.arrive $0xFFFF;
	s2 =	simm.s32 @!p0 $0x1C01  }
0x6a: {  	[timem:s3], [sflag:s2] =	dma.local @!p0 [hbm:s0], s1  }
0x6b: {  	s0 =	simm.s32 @!p0 $0x1  }
0x6c: {  	_ =	swait.ge @!p0 [sflag:s0], s1  }
0x6d: {  	s1 =	ssub.s32 @!p0 $0x0, s1;
	[sflag:s0] =	ssyncset.done @!p0 $0x0  }
0x6e: {  	[sflag:s0] =	ssyncadd.s32 @!p0 s1  }
0x6f: {  	[bflag:$0x3] =	sbarrier.arrive $0xFFFF  }
0x70: {  	_ =	shalt  }

</sc_bundles>
